<compile_context>
chip_gen: v7x
topology: tpu7x:2x2x1
jax: 0.10.2.dev20260603
libtpu: 0.0.44.dev20260713+nightly
codegen_flags: <defaults>
</compile_context>

<pallas_src>
import functools

import numpy as np
import jax
import jax.numpy as jnp
from jax import lax
from jax.experimental import pallas as pl
from jax.experimental.pallas import tpu as pltpu
from jax.experimental.pallas import tpu_sc as plsc

_MAX_LEN = 2048
_MODEL_DIM = 1024
_BATCH = 4

_NC = 2
_NS = 16
_NW = _NC * _NS
_POS_PER_TILE = _MAX_LEN // _NW
_PW = 32
_CHUNKS = _POS_PER_TILE // _PW
_LANES = 16


def _pe_np():
    pos = np.arange(_MAX_LEN)[:, None]
    pe = pos / np.power(10000, 2.0 * np.arange(_MODEL_DIM)[None, :] / _MODEL_DIM)
    pe[:, 0::2] = np.sin(pe[:, 0::2])
    pe[:, 1::2] = np.cos(pe[:, 1::2])
    return pe.astype(np.float32)


_PE = _pe_np()


_mesh = plsc.VectorSubcoreMesh(core_axis_name="c", subcore_axis_name="s")

_out_struct = jax.ShapeDtypeStruct((_BATCH * _MAX_LEN, _MODEL_DIM), jnp.float32)


@functools.partial(
    pl.kernel,
    mesh=_mesh,
    out_type=(_out_struct, _out_struct),
    scratch_types=[
        pltpu.VMEM((_PW,), jnp.int32),
        pltpu.VMEM((_PW, _MODEL_DIM), jnp.float32),
        pltpu.VMEM((_PW, _MODEL_DIM), jnp.float32),
        pltpu.SemaphoreType.DMA,
    ],
)
def _embed_kernel(table_hbm, idx_hbm, pe_hbm, ox_hbm, oy_hbm,
                  idx_v, pe_v, rows_v, sem):
    wid = lax.axis_index("s") * _NC + lax.axis_index("c")
    t_base = wid * _POS_PER_TILE
    for pc in range(_CHUNKS):
        t0 = t_base + pc * _PW
        pltpu.sync_copy(pe_hbm.at[pl.ds(t0, _PW)], pe_v)
        for tensor in range(2):
            out_hbm = ox_hbm if tensor == 0 else oy_hbm
            for b in range(_BATCH):
                off = tensor * (_BATCH * _MAX_LEN) + b * _MAX_LEN
                pltpu.sync_copy(idx_hbm.at[pl.ds(off + t0, _PW)], idx_v)
                pltpu.async_copy(table_hbm.at[idx_v], rows_v, sem).wait()

                @pl.loop(0, _PW)
                def _(r):
                    @pl.loop(0, _MODEL_DIM, step=_LANES)
                    def _(c):
                        slc = (pl.ds(r, 1), pl.ds(c, _LANES))
                        rows_v.at[*slc][...] = (
                            rows_v.at[*slc][...] + pe_v.at[*slc][...]
                        )

                pltpu.sync_copy(rows_v, out_hbm.at[pl.ds(b * _MAX_LEN + t0, _PW)])


def kernel(x, y, table):
    idx = jnp.concatenate(
        [x.reshape(-1), y[:, :-1].reshape(-1)]).astype(jnp.int32)
    pe = jnp.asarray(_PE)
    ox, oy = _embed_kernel(table, idx, pe)
    return (ox.reshape(_BATCH, _MAX_LEN, _MODEL_DIM),
            oy.reshape(_BATCH, _MAX_LEN, _MODEL_DIM))

# --- scband reference (transcript-rebuilt; emitter-appended) ---
"""Pipeline reference for scband-position-embedding-26173530702583 (READ-ONLY COPY).

The authoritative reference and input builder live on the scoring server;
editing this copy changes nothing except your own understanding.
"""

import jax, jax.numpy as jnp
import numpy as np

MAX_LEN = 2048
MODEL_DIM = 1024
N_VOCAB = 100000
BATCH = 4


def _make_pe():
    pos = np.arange(MAX_LEN)[:, None]
    pe = pos / np.power(10000, 2.0 * np.arange(MODEL_DIM)[None, :] / MODEL_DIM)
    pe[:, 0::2] = np.sin(pe[:, 0::2])
    pe[:, 1::2] = np.cos(pe[:, 1::2])
    return jnp.asarray(pe[None, :, :], dtype=jnp.float32)


def setup_inputs(seed: int = 0) -> dict:
    key = jax.random.key(seed)
    k1, k2, k3 = jax.random.split(key, 3)
    x = jax.random.randint(k1, (BATCH, MAX_LEN), 0, N_VOCAB, dtype=jnp.int32)
    y = jax.random.randint(k2, (BATCH, MAX_LEN + 1), 0, N_VOCAB, dtype=jnp.int32)
    table = jax.random.normal(k3, (N_VOCAB, MODEL_DIM), dtype=jnp.float32) * 0.01
    return {"x": x, "y": y, "table": table}


def reference(x, y, table):
    pe = _make_pe()
    x_embed = jnp.take(table, x, axis=0) + pe
    y_embed = jnp.take(table, y[:, :-1], axis=0) + pe
    return (x_embed, y_embed)

if __name__ == "__main__":
    import jax
    _d = setup_inputs()
    print(jax.jit(kernel)(*tuple(_d.values())))

</pallas_src>

<mosaic_0001>
#map = affine_map<(d0, d1) -> (0, 0)>
#map1 = affine_map<(d0, d1) -> (0)>
module attributes {stable_mosaic.version = 14 : i64} {
  func.func @_embed_kernel(%arg0: i32, %arg1: i32, %arg2: memref<100000x1024xf32, #tpu.memory_space<hbm>>, %arg3: memref<16384xi32, #tpu.memory_space<hbm>>, %arg4: memref<2048x1024xf32, #tpu.memory_space<hbm>>, %arg5: memref<8192x1024xf32, #tpu.memory_space<hbm>>, %arg6: memref<8192x1024xf32, #tpu.memory_space<hbm>>, %arg7: memref<32xi32, #tpu.memory_space<vmem>>, %arg8: memref<32x1024xf32, #tpu.memory_space<vmem>>, %arg9: memref<32x1024xf32, #tpu.memory_space<vmem>>, %arg10: memref<!tpu.dma_semaphore, #tpu.memory_space<semaphore_mem>>) attributes {dimension_semantics = [#tpu.dimension_semantics<core_parallel>, #tpu.dimension_semantics<subcore_parallel>], iteration_bounds = array<i64: 2, 16>, scalar_prefetch = 0 : i64, scratch_operands = 4 : i64, tpu.core_type = #tpu.core_type<sc_vector_subcore>, window_params = [{transform_indices = #map}, {transform_indices = #map1}, {transform_indices = #map}, {transform_indices = #map}, {transform_indices = #map}]} {
    %mul3A = arith.constant 2 : i32
    %mul3A_0 = arith.muli %arg1, %mul3A : i32
    %add3A = arith.addi %mul3A_0, %arg0 : i32
    %mul3A_1 = arith.constant 64 : i32
    %mul3A_2 = arith.muli %add3A, %mul3A_1 : i32
    %add3A_3 = arith.constant 0 : i32
    %add3A_4 = arith.addi %mul3A_2, %add3A_3 : i32
    "tpu.region"() ({
      %run_scoped3A = tpu.sem_alloc : memref<!tpu.dma_semaphore, #tpu.memory_space<semaphore_mem>>
      %dma_start3A_244 = arith.constant 0 : i32
      %dma_start3A_245 = tpu.memref_slice %arg4[%add3A_4, %dma_start3A_244] : memref<2048x1024xf32, #tpu.memory_space<hbm>> -> memref<32x1024xf32, #tpu.memory_space<hbm>>
      %dma_start3A_246 = arith.constant 0 : i32
      %dma_start3A_247 = tpu.memref_slice %arg4[%add3A_4, %dma_start3A_246] : memref<2048x1024xf32, #tpu.memory_space<hbm>> -> memref<32x1024xf32, #tpu.memory_space<hbm>>
      tpu.enqueue_dma source(%dma_start3A_247 : memref<32x1024xf32, #tpu.memory_space<hbm>>) target(%arg8 : memref<32x1024xf32, #tpu.memory_space<vmem>>) target_semaphore(%run_scoped3A : memref<!tpu.dma_semaphore, #tpu.memory_space<semaphore_mem>>)
      %dma_wait3A_248 = arith.constant 0 : i32
      %dma_wait3A_249 = tpu.memref_slice %arg4[%add3A_4, %dma_wait3A_248] : memref<2048x1024xf32, #tpu.memory_space<hbm>> -> memref<32x1024xf32, #tpu.memory_space<hbm>>
      %dma_wait3A_250 = arith.constant 0 : i32
      %dma_wait3A_251 = tpu.memref_slice %arg4[%add3A_4, %dma_wait3A_250] : memref<2048x1024xf32, #tpu.memory_space<hbm>> -> memref<32x1024xf32, #tpu.memory_space<hbm>>
      tpu.wait_dma2 semaphore(%run_scoped3A : memref<!tpu.dma_semaphore, #tpu.memory_space<semaphore_mem>>) src(%dma_wait3A_251 : memref<32x1024xf32, #tpu.memory_space<hbm>>) dst(%arg8 : memref<32x1024xf32, #tpu.memory_space<vmem>>)
      tpu.yield
    }) : () -> ()
    %add3A_5 = arith.constant 0 : i32
    %add3A_6 = arith.addi %add3A_5, %add3A_4 : i32
    "tpu.region"() ({
      %run_scoped3A = tpu.sem_alloc : memref<!tpu.dma_semaphore, #tpu.memory_space<semaphore_mem>>
      %dma_start3A_244 = tpu.memref_slice %arg3[%add3A_6] : memref<16384xi32, #tpu.memory_space<hbm>> -> memref<32xi32, #tpu.memory_space<hbm>>
      %dma_start3A_245 = tpu.memref_slice %arg3[%add3A_6] : memref<16384xi32, #tpu.memory_space<hbm>> -> memref<32xi32, #tpu.memory_space<hbm>>
      tpu.enqueue_dma source(%dma_start3A_245 : memref<32xi32, #tpu.memory_space<hbm>>) target(%arg7 : memref<32xi32, #tpu.memory_space<vmem>>) target_semaphore(%run_scoped3A : memref<!tpu.dma_semaphore, #tpu.memory_space<semaphore_mem>>)
      %dma_wait3A_246 = tpu.memref_slice %arg3[%add3A_6] : memref<16384xi32, #tpu.memory_space<hbm>> -> memref<32xi32, #tpu.memory_space<hbm>>
      %dma_wait3A_247 = tpu.memref_slice %arg3[%add3A_6] : memref<16384xi32, #tpu.memory_space<hbm>> -> memref<32xi32, #tpu.memory_space<hbm>>
      tpu.wait_dma2 semaphore(%run_scoped3A : memref<!tpu.dma_semaphore, #tpu.memory_space<semaphore_mem>>) src(%dma_wait3A_247 : memref<32xi32, #tpu.memory_space<hbm>>) dst(%arg7 : memref<32xi32, #tpu.memory_space<vmem>>)
      tpu.yield
    }) : () -> ()
    %dma_start3A = arith.constant 0 : i32
    %dma_start3A_7 = arith.constant 0 : i32
    %dma_start3A_8 = tpu.memref_slice %arg2[%dma_start3A, %dma_start3A_7] : memref<100000x1024xf32, #tpu.memory_space<hbm>> -> memref<100000x1024xf32, #tpu.memory_space<hbm>>
    tpu.enqueue_indirect_dma source(%dma_start3A_8 : memref<100000x1024xf32, #tpu.memory_space<hbm>>) target(%arg9 : memref<32x1024xf32, #tpu.memory_space<vmem>>) offsets(%arg7 : memref<32xi32, #tpu.memory_space<vmem>>) semaphore(%arg10 : memref<!tpu.dma_semaphore, #tpu.memory_space<semaphore_mem>>)
    %dma_wait3A = arith.constant 0 : i32
    %dma_wait3A_9 = arith.constant 0 : i32
    %dma_wait3A_10 = tpu.memref_slice %arg2[%dma_wait3A, %dma_wait3A_9] : memref<100000x1024xf32, #tpu.memory_space<hbm>> -> memref<100000x1024xf32, #tpu.memory_space<hbm>>
    tpu.wait_indirect_dma semaphore(%arg10 : memref<!tpu.dma_semaphore, #tpu.memory_space<semaphore_mem>>) src(%dma_wait3A_10 : memref<100000x1024xf32, #tpu.memory_space<hbm>>) dst(%arg9 : memref<32x1024xf32, #tpu.memory_space<vmem>>)
    %scan3A = arith.constant 0 : i32
    %scan3A_11 = arith.constant 32 : i32
    %scan3A_12 = arith.addi %scan3A, %scan3A_11 : i32
    %scan3A_13 = arith.constant 1 : i32
    scf.for %scan3A_244 = %scan3A to %scan3A_12 step %scan3A_13  : i32 {
      %mul3A_245 = arith.constant 1 : i32
      %mul3A_246 = arith.muli %scan3A_244, %mul3A_245 : i32
      %add3A_247 = arith.constant 0 : i32
      %add3A_248 = arith.addi %add3A_247, %mul3A_246 : i32
      %scan3A_249 = arith.constant 0 : i32
      %scan3A_250 = arith.constant 64 : i32
      %scan3A_251 = arith.addi %scan3A_249, %scan3A_250 : i32
      %scan3A_252 = arith.constant 1 : i32
      scf.for %scan3A_254 = %scan3A_249 to %scan3A_251 step %scan3A_252  : i32 {
        %mul3A_255 = arith.constant 16 : i32
        %mul3A_256 = arith.muli %scan3A_254, %mul3A_255 : i32
        %add3A_257 = arith.constant 0 : i32
        %add3A_258 = arith.addi %add3A_257, %mul3A_256 : i32
        %get3A = arith.index_cast %add3A_248 : i32 to index
        %get3A_259 = arith.index_cast %add3A_258 : i32 to index
        %get3A_260 = tpu.vector_load %arg9[%get3A, %get3A_259] {strides = array<i32>} : memref<32x1024xf32, #tpu.memory_space<vmem>>, vector<1x16xf32>,
        %get3A_261 = vector.shape_cast %get3A_260 : vector<1x16xf32> to vector<1x16xf32>
        %get3A_262 = arith.index_cast %add3A_248 : i32 to index
        %get3A_263 = arith.index_cast %add3A_258 : i32 to index
        %get3A_264 = tpu.vector_load %arg8[%get3A_262, %get3A_263] {strides = array<i32>} : memref<32x1024xf32, #tpu.memory_space<vmem>>, vector<1x16xf32>,
        %get3A_265 = vector.shape_cast %get3A_264 : vector<1x16xf32> to vector<1x16xf32>
        %add3A_266 = arith.addf %get3A_261, %get3A_265 : vector<1x16xf32>
        %swap3A = arith.index_cast %add3A_248 : i32 to index
        %swap3A_267 = arith.index_cast %add3A_258 : i32 to index
        %swap3A_268 = tpu.vector_load %arg9[%swap3A, %swap3A_267] {strides = array<i32>} : memref<32x1024xf32, #tpu.memory_space<vmem>>, vector<1x16xf32>,
        %swap3A_269 = vector.shape_cast %swap3A_268 : vector<1x16xf32> to vector<1x16xf32>
        %swap3A_270 = vector.shape_cast %add3A_266 : vector<1x16xf32> to vector<1x16xf32>
        tpu.vector_store %arg9[%swap3A, %swap3A_267], %swap3A_270 {strides = array<i32>} : memref<32x1024xf32, #tpu.memory_space<vmem>>, vector<1x16xf32>,
      }
      %scan3A_253 = arith.constant 64 : i32
    }
    %scan3A_14 = arith.constant 32 : i32
    %add3A_15 = arith.constant 0 : i32
    %add3A_16 = arith.addi %add3A_15, %add3A_4 : i32
    "tpu.region"() ({
      %run_scoped3A = tpu.sem_alloc : memref<!tpu.dma_semaphore, #tpu.memory_space<semaphore_mem>>
      %dma_start3A_244 = arith.constant 0 : i32
      %dma_start3A_245 = tpu.memref_slice %arg5[%add3A_16, %dma_start3A_244] : memref<8192x1024xf32, #tpu.memory_space<hbm>> -> memref<32x1024xf32, #tpu.memory_space<hbm>>
      %dma_start3A_246 = arith.constant 0 : i32
      %dma_start3A_247 = tpu.memref_slice %arg5[%add3A_16, %dma_start3A_246] : memref<8192x1024xf32, #tpu.memory_space<hbm>> -> memref<32x1024xf32, #tpu.memory_space<hbm>>
      tpu.enqueue_dma source(%arg9 : memref<32x1024xf32, #tpu.memory_space<vmem>>) target(%dma_start3A_247 : memref<32x1024xf32, #tpu.memory_space<hbm>>) target_semaphore(%run_scoped3A : memref<!tpu.dma_semaphore, #tpu.memory_space<semaphore_mem>>)
      %dma_wait3A_248 = arith.constant 0 : i32
      %dma_wait3A_249 = tpu.memref_slice %arg5[%add3A_16, %dma_wait3A_248] : memref<8192x1024xf32, #tpu.memory_space<hbm>> -> memref<32x1024xf32, #tpu.memory_space<hbm>>
      %dma_wait3A_250 = arith.constant 0 : i32
      %dma_wait3A_251 = tpu.memref_slice %arg5[%add3A_16, %dma_wait3A_250] : memref<8192x1024xf32, #tpu.memory_space<hbm>> -> memref<32x1024xf32, #tpu.memory_space<hbm>>
      tpu.wait_dma2 semaphore(%run_scoped3A : memref<!tpu.dma_semaphore, #tpu.memory_space<semaphore_mem>>) src(%arg9 : memref<32x1024xf32, #tpu.memory_space<vmem>>) dst(%dma_wait3A_251 : memref<32x1024xf32, #tpu.memory_space<hbm>>)
      tpu.yield
    }) : () -> ()
    %add3A_17 = arith.constant 2048 : i32
    %add3A_18 = arith.addi %add3A_17, %add3A_4 : i32
    "tpu.region"() ({
      %run_scoped3A = tpu.sem_alloc : memref<!tpu.dma_semaphore, #tpu.memory_space<semaphore_mem>>
      %dma_start3A_244 = tpu.memref_slice %arg3[%add3A_18] : memref<16384xi32, #tpu.memory_space<hbm>> -> memref<32xi32, #tpu.memory_space<hbm>>
      %dma_start3A_245 = tpu.memref_slice %arg3[%add3A_18] : memref<16384xi32, #tpu.memory_space<hbm>> -> memref<32xi32, #tpu.memory_space<hbm>>
      tpu.enqueue_dma source(%dma_start3A_245 : memref<32xi32, #tpu.memory_space<hbm>>) target(%arg7 : memref<32xi32, #tpu.memory_space<vmem>>) target_semaphore(%run_scoped3A : memref<!tpu.dma_semaphore, #tpu.memory_space<semaphore_mem>>)
      %dma_wait3A_246 = tpu.memref_slice %arg3[%add3A_18] : memref<16384xi32, #tpu.memory_space<hbm>> -> memref<32xi32, #tpu.memory_space<hbm>>
      %dma_wait3A_247 = tpu.memref_slice %arg3[%add3A_18] : memref<16384xi32, #tpu.memory_space<hbm>> -> memref<32xi32, #tpu.memory_space<hbm>>
      tpu.wait_dma2 semaphore(%run_scoped3A : memref<!tpu.dma_semaphore, #tpu.memory_space<semaphore_mem>>) src(%dma_wait3A_247 : memref<32xi32, #tpu.memory_space<hbm>>) dst(%arg7 : memref<32xi32, #tpu.memory_space<vmem>>)
      tpu.yield
    }) : () -> ()
    %dma_start3A_19 = arith.constant 0 : i32
    %dma_start3A_20 = arith.constant 0 : i32
    %dma_start3A_21 = tpu.memref_slice %arg2[%dma_start3A_19, %dma_start3A_20] : memref<100000x1024xf32, #tpu.memory_space<hbm>> -> memref<100000x1024xf32, #tpu.memory_space<hbm>>
    tpu.enqueue_indirect_dma source(%dma_start3A_21 : memref<100000x1024xf32, #tpu.memory_space<hbm>>) target(%arg9 : memref<32x1024xf32, #tpu.memory_space<vmem>>) offsets(%arg7 : memref<32xi32, #tpu.memory_space<vmem>>) semaphore(%arg10 : memref<!tpu.dma_semaphore, #tpu.memory_space<semaphore_mem>>)
    %dma_wait3A_22 = arith.constant 0 : i32
    %dma_wait3A_23 = arith.constant 0 : i32
    %dma_wait3A_24 = tpu.memref_slice %arg2[%dma_wait3A_22, %dma_wait3A_23] : memref<100000x1024xf32, #tpu.memory_space<hbm>> -> memref<100000x1024xf32, #tpu.memory_space<hbm>>
    tpu.wait_indirect_dma semaphore(%arg10 : memref<!tpu.dma_semaphore, #tpu.memory_space<semaphore_mem>>) src(%dma_wait3A_24 : memref<100000x1024xf32, #tpu.memory_space<hbm>>) dst(%arg9 : memref<32x1024xf32, #tpu.memory_space<vmem>>)
    %scan3A_25 = arith.constant 0 : i32
    %scan3A_26 = arith.constant 32 : i32
    %scan3A_27 = arith.addi %scan3A_25, %scan3A_26 : i32
    %scan3A_28 = arith.constant 1 : i32
    scf.for %scan3A_244 = %scan3A_25 to %scan3A_27 step %scan3A_28  : i32 {
      %mul3A_245 = arith.constant 1 : i32
      %mul3A_246 = arith.muli %scan3A_244, %mul3A_245 : i32
      %add3A_247 = arith.constant 0 : i32
      %add3A_248 = arith.addi %add3A_247, %mul3A_246 : i32
      %scan3A_249 = arith.constant 0 : i32
      %scan3A_250 = arith.constant 64 : i32
      %scan3A_251 = arith.addi %scan3A_249, %scan3A_250 : i32
      %scan3A_252 = arith.constant 1 : i32
      scf.for %scan3A_254 = %scan3A_249 to %scan3A_251 step %scan3A_252  : i32 {
        %mul3A_255 = arith.constant 16 : i32
        %mul3A_256 = arith.muli %scan3A_254, %mul3A_255 : i32
        %add3A_257 = arith.constant 0 : i32
        %add3A_258 = arith.addi %add3A_257, %mul3A_256 : i32
        %get3A = arith.index_cast %add3A_248 : i32 to index
        %get3A_259 = arith.index_cast %add3A_258 : i32 to index
        %get3A_260 = tpu.vector_load %arg9[%get3A, %get3A_259] {strides = array<i32>} : memref<32x1024xf32, #tpu.memory_space<vmem>>, vector<1x16xf32>,
        %get3A_261 = vector.shape_cast %get3A_260 : vector<1x16xf32> to vector<1x16xf32>
        %get3A_262 = arith.index_cast %add3A_248 : i32 to index
        %get3A_263 = arith.index_cast %add3A_258 : i32 to index
        %get3A_264 = tpu.vector_load %arg8[%get3A_262, %get3A_263] {strides = array<i32>} : memref<32x1024xf32, #tpu.memory_space<vmem>>, vector<1x16xf32>,
        %get3A_265 = vector.shape_cast %get3A_264 : vector<1x16xf32> to vector<1x16xf32>
        %add3A_266 = arith.addf %get3A_261, %get3A_265 : vector<1x16xf32>
        %swap3A = arith.index_cast %add3A_248 : i32 to index
        %swap3A_267 = arith.index_cast %add3A_258 : i32 to index
        %swap3A_268 = tpu.vector_load %arg9[%swap3A, %swap3A_267] {strides = array<i32>} : memref<32x1024xf32, #tpu.memory_space<vmem>>, vector<1x16xf32>,
        %swap3A_269 = vector.shape_cast %swap3A_268 : vector<1x16xf32> to vector<1x16xf32>
        %swap3A_270 = vector.shape_cast %add3A_266 : vector<1x16xf32> to vector<1x16xf32>
        tpu.vector_store %arg9[%swap3A, %swap3A_267], %swap3A_270 {strides = array<i32>} : memref<32x1024xf32, #tpu.memory_space<vmem>>, vector<1x16xf32>,
      }
      %scan3A_253 = arith.constant 64 : i32
    }
    %scan3A_29 = arith.constant 32 : i32
    %add3A_30 = arith.constant 2048 : i32
    %add3A_31 = arith.addi %add3A_30, %add3A_4 : i32
    "tpu.region"() ({
      %run_scoped3A = tpu.sem_alloc : memref<!tpu.dma_semaphore, #tpu.memory_space<semaphore_mem>>
      %dma_start3A_244 = arith.constant 0 : i32
      %dma_start3A_245 = tpu.memref_slice %arg5[%add3A_31, %dma_start3A_244] : memref<8192x1024xf32, #tpu.memory_space<hbm>> -> memref<32x1024xf32, #tpu.memory_space<hbm>>
      %dma_start3A_246 = arith.constant 0 : i32
      %dma_start3A_247 = tpu.memref_slice %arg5[%add3A_31, %dma_start3A_246] : memref<8192x1024xf32, #tpu.memory_space<hbm>> -> memref<32x1024xf32, #tpu.memory_space<hbm>>
      tpu.enqueue_dma source(%arg9 : memref<32x1024xf32, #tpu.memory_space<vmem>>) target(%dma_start3A_247 : memref<32x1024xf32, #tpu.memory_space<hbm>>) target_semaphore(%run_scoped3A : memref<!tpu.dma_semaphore, #tpu.memory_space<semaphore_mem>>)
      %dma_wait3A_248 = arith.constant 0 : i32
      %dma_wait3A_249 = tpu.memref_slice %arg5[%add3A_31, %dma_wait3A_248] : memref<8192x1024xf32, #tpu.memory_space<hbm>> -> memref<32x1024xf32, #tpu.memory_space<hbm>>
      %dma_wait3A_250 = arith.constant 0 : i32
      %dma_wait3A_251 = tpu.memref_slice %arg5[%add3A_31, %dma_wait3A_250] : memref<8192x1024xf32, #tpu.memory_space<hbm>> -> memref<32x1024xf32, #tpu.memory_space<hbm>>
      tpu.wait_dma2 semaphore(%run_scoped3A : memref<!tpu.dma_semaphore, #tpu.memory_space<semaphore_mem>>) src(%arg9 : memref<32x1024xf32, #tpu.memory_space<vmem>>) dst(%dma_wait3A_251 : memref<32x1024xf32, #tpu.memory_space<hbm>>)
      tpu.yield
    }) : () -> ()
    %add3A_32 = arith.constant 4096 : i32
    %add3A_33 = arith.addi %add3A_32, %add3A_4 : i32
    "tpu.region"() ({
      %run_scoped3A = tpu.sem_alloc : memref<!tpu.dma_semaphore, #tpu.memory_space<semaphore_mem>>
      %dma_start3A_244 = tpu.memref_slice %arg3[%add3A_33] : memref<16384xi32, #tpu.memory_space<hbm>> -> memref<32xi32, #tpu.memory_space<hbm>>
      %dma_start3A_245 = tpu.memref_slice %arg3[%add3A_33] : memref<16384xi32, #tpu.memory_space<hbm>> -> memref<32xi32, #tpu.memory_space<hbm>>
      tpu.enqueue_dma source(%dma_start3A_245 : memref<32xi32, #tpu.memory_space<hbm>>) target(%arg7 : memref<32xi32, #tpu.memory_space<vmem>>) target_semaphore(%run_scoped3A : memref<!tpu.dma_semaphore, #tpu.memory_space<semaphore_mem>>)
      %dma_wait3A_246 = tpu.memref_slice %arg3[%add3A_33] : memref<16384xi32, #tpu.memory_space<hbm>> -> memref<32xi32, #tpu.memory_space<hbm>>
      %dma_wait3A_247 = tpu.memref_slice %arg3[%add3A_33] : memref<16384xi32, #tpu.memory_space<hbm>> -> memref<32xi32, #tpu.memory_space<hbm>>
      tpu.wait_dma2 semaphore(%run_scoped3A : memref<!tpu.dma_semaphore, #tpu.memory_space<semaphore_mem>>) src(%dma_wait3A_247 : memref<32xi32, #tpu.memory_space<hbm>>) dst(%arg7 : memref<32xi32, #tpu.memory_space<vmem>>)
      tpu.yield
    }) : () -> ()
    %dma_start3A_34 = arith.constant 0 : i32
    %dma_start3A_35 = arith.constant 0 : i32
    %dma_start3A_36 = tpu.memref_slice %arg2[%dma_start3A_34, %dma_start3A_35] : memref<100000x1024xf32, #tpu.memory_space<hbm>> -> memref<100000x1024xf32, #tpu.memory_space<hbm>>
    tpu.enqueue_indirect_dma source(%dma_start3A_36 : memref<100000x1024xf32, #tpu.memory_space<hbm>>) target(%arg9 : memref<32x1024xf32, #tpu.memory_space<vmem>>) offsets(%arg7 : memref<32xi32, #tpu.memory_space<vmem>>) semaphore(%arg10 : memref<!tpu.dma_semaphore, #tpu.memory_space<semaphore_mem>>)
    %dma_wait3A_37 = arith.constant 0 : i32
    %dma_wait3A_38 = arith.constant 0 : i32
    %dma_wait3A_39 = tpu.memref_slice %arg2[%dma_wait3A_37, %dma_wait3A_38] : memref<100000x1024xf32, #tpu.memory_space<hbm>> -> memref<100000x1024xf32, #tpu.memory_space<hbm>>
    tpu.wait_indirect_dma semaphore(%arg10 : memref<!tpu.dma_semaphore, #tpu.memory_space<semaphore_mem>>) src(%dma_wait3A_39 : memref<100000x1024xf32, #tpu.memory_space<hbm>>) dst(%arg9 : memref<32x1024xf32, #tpu.memory_space<vmem>>)
    %scan3A_40 = arith.constant 0 : i32
    %scan3A_41 = arith.constant 32 : i32
    %scan3A_42 = arith.addi %scan3A_40, %scan3A_41 : i32
    %scan3A_43 = arith.constant 1 : i32
    scf.for %scan3A_244 = %scan3A_40 to %scan3A_42 step %scan3A_43  : i32 {
      %mul3A_245 = arith.constant 1 : i32
      %mul3A_246 = arith.muli %scan3A_244, %mul3A_245 : i32
      %add3A_247 = arith.constant 0 : i32
      %add3A_248 = arith.addi %add3A_247, %mul3A_246 : i32
      %scan3A_249 = arith.constant 0 : i32
      %scan3A_250 = arith.constant 64 : i32
      %scan3A_251 = arith.addi %scan3A_249, %scan3A_250 : i32
      %scan3A_252 = arith.constant 1 : i32
      scf.for %scan3A_254 = %scan3A_249 to %scan3A_251 step %scan3A_252  : i32 {
        %mul3A_255 = arith.constant 16 : i32
        %mul3A_256 = arith.muli %scan3A_254, %mul3A_255 : i32
        %add3A_257 = arith.constant 0 : i32
        %add3A_258 = arith.addi %add3A_257, %mul3A_256 : i32
        %get3A = arith.index_cast %add3A_248 : i32 to index
        %get3A_259 = arith.index_cast %add3A_258 : i32 to index
        %get3A_260 = tpu.vector_load %arg9[%get3A, %get3A_259] {strides = array<i32>} : memref<32x1024xf32, #tpu.memory_space<vmem>>, vector<1x16xf32>,
        %get3A_261 = vector.shape_cast %get3A_260 : vector<1x16xf32> to vector<1x16xf32>
        %get3A_262 = arith.index_cast %add3A_248 : i32 to index
        %get3A_263 = arith.index_cast %add3A_258 : i32 to index
        %get3A_264 = tpu.vector_load %arg8[%get3A_262, %get3A_263] {strides = array<i32>} : memref<32x1024xf32, #tpu.memory_space<vmem>>, vector<1x16xf32>,
        %get3A_265 = vector.shape_cast %get3A_264 : vector<1x16xf32> to vector<1x16xf32>
        %add3A_266 = arith.addf %get3A_261, %get3A_265 : vector<1x16xf32>
        %swap3A = arith.index_cast %add3A_248 : i32 to index
        %swap3A_267 = arith.index_cast %add3A_258 : i32 to index
        %swap3A_268 = tpu.vector_load %arg9[%swap3A, %swap3A_267] {strides = array<i32>} : memref<32x1024xf32, #tpu.memory_space<vmem>>, vector<1x16xf32>,
        %swap3A_269 = vector.shape_cast %swap3A_268 : vector<1x16xf32> to vector<1x16xf32>
        %swap3A_270 = vector.shape_cast %add3A_266 : vector<1x16xf32> to vector<1x16xf32>
        tpu.vector_store %arg9[%swap3A, %swap3A_267], %swap3A_270 {strides = array<i32>} : memref<32x1024xf32, #tpu.memory_space<vmem>>, vector<1x16xf32>,
      }
      %scan3A_253 = arith.constant 64 : i32
    }
    %scan3A_44 = arith.constant 32 : i32
    %add3A_45 = arith.constant 4096 : i32
    %add3A_46 = arith.addi %add3A_45, %add3A_4 : i32
    "tpu.region"() ({
      %run_scoped3A = tpu.sem_alloc : memref<!tpu.dma_semaphore, #tpu.memory_space<semaphore_mem>>
      %dma_start3A_244 = arith.constant 0 : i32
      %dma_start3A_245 = tpu.memref_slice %arg5[%add3A_46, %dma_start3A_244] : memref<8192x1024xf32, #tpu.memory_space<hbm>> -> memref<32x1024xf32, #tpu.memory_space<hbm>>
      %dma_start3A_246 = arith.constant 0 : i32
      %dma_start3A_247 = tpu.memref_slice %arg5[%add3A_46, %dma_start3A_246] : memref<8192x1024xf32, #tpu.memory_space<hbm>> -> memref<32x1024xf32, #tpu.memory_space<hbm>>
      tpu.enqueue_dma source(%arg9 : memref<32x1024xf32, #tpu.memory_space<vmem>>) target(%dma_start3A_247 : memref<32x1024xf32, #tpu.memory_space<hbm>>) target_semaphore(%run_scoped3A : memref<!tpu.dma_semaphore, #tpu.memory_space<semaphore_mem>>)
      %dma_wait3A_248 = arith.constant 0 : i32
      %dma_wait3A_249 = tpu.memref_slice %arg5[%add3A_46, %dma_wait3A_248] : memref<8192x1024xf32, #tpu.memory_space<hbm>> -> memref<32x1024xf32, #tpu.memory_space<hbm>>
      %dma_wait3A_250 = arith.constant 0 : i32
      %dma_wait3A_251 = tpu.memref_slice %arg5[%add3A_46, %dma_wait3A_250] : memref<8192x1024xf32, #tpu.memory_space<hbm>> -> memref<32x1024xf32, #tpu.memory_space<hbm>>
      tpu.wait_dma2 semaphore(%run_scoped3A : memref<!tpu.dma_semaphore, #tpu.memory_space<semaphore_mem>>) src(%arg9 : memref<32x1024xf32, #tpu.memory_space<vmem>>) dst(%dma_wait3A_251 : memref<32x1024xf32, #tpu.memory_space<hbm>>)
      tpu.yield
    }) : () -> ()
    %add3A_47 = arith.constant 6144 : i32
    %add3A_48 = arith.addi %add3A_47, %add3A_4 : i32
    "tpu.region"() ({
      %run_scoped3A = tpu.sem_alloc : memref<!tpu.dma_semaphore, #tpu.memory_space<semaphore_mem>>
      %dma_start3A_244 = tpu.memref_slice %arg3[%add3A_48] : memref<16384xi32, #tpu.memory_space<hbm>> -> memref<32xi32, #tpu.memory_space<hbm>>
      %dma_start3A_245 = tpu.memref_slice %arg3[%add3A_48] : memref<16384xi32, #tpu.memory_space<hbm>> -> memref<32xi32, #tpu.memory_space<hbm>>
      tpu.enqueue_dma source(%dma_start3A_245 : memref<32xi32, #tpu.memory_space<hbm>>) target(%arg7 : memref<32xi32, #tpu.memory_space<vmem>>) target_semaphore(%run_scoped3A : memref<!tpu.dma_semaphore, #tpu.memory_space<semaphore_mem>>)
      %dma_wait3A_246 = tpu.memref_slice %arg3[%add3A_48] : memref<16384xi32, #tpu.memory_space<hbm>> -> memref<32xi32, #tpu.memory_space<hbm>>
      %dma_wait3A_247 = tpu.memref_slice %arg3[%add3A_48] : memref<16384xi32, #tpu.memory_space<hbm>> -> memref<32xi32, #tpu.memory_space<hbm>>
      tpu.wait_dma2 semaphore(%run_scoped3A : memref<!tpu.dma_semaphore, #tpu.memory_space<semaphore_mem>>) src(%dma_wait3A_247 : memref<32xi32, #tpu.memory_space<hbm>>) dst(%arg7 : memref<32xi32, #tpu.memory_space<vmem>>)
      tpu.yield
    }) : () -> ()
    %dma_start3A_49 = arith.constant 0 : i32
    %dma_start3A_50 = arith.constant 0 : i32
    %dma_start3A_51 = tpu.memref_slice %arg2[%dma_start3A_49, %dma_start3A_50] : memref<100000x1024xf32, #tpu.memory_space<hbm>> -> memref<100000x1024xf32, #tpu.memory_space<hbm>>
    tpu.enqueue_indirect_dma source(%dma_start3A_51 : memref<100000x1024xf32, #tpu.memory_space<hbm>>) target(%arg9 : memref<32x1024xf32, #tpu.memory_space<vmem>>) offsets(%arg7 : memref<32xi32, #tpu.memory_space<vmem>>) semaphore(%arg10 : memref<!tpu.dma_semaphore, #tpu.memory_space<semaphore_mem>>)
    %dma_wait3A_52 = arith.constant 0 : i32
    %dma_wait3A_53 = arith.constant 0 : i32
    %dma_wait3A_54 = tpu.memref_slice %arg2[%dma_wait3A_52, %dma_wait3A_53] : memref<100000x1024xf32, #tpu.memory_space<hbm>> -> memref<100000x1024xf32, #tpu.memory_space<hbm>>
    tpu.wait_indirect_dma semaphore(%arg10 : memref<!tpu.dma_semaphore, #tpu.memory_space<semaphore_mem>>) src(%dma_wait3A_54 : memref<100000x1024xf32, #tpu.memory_space<hbm>>) dst(%arg9 : memref<32x1024xf32, #tpu.memory_space<vmem>>)
    %scan3A_55 = arith.constant 0 : i32
    %scan3A_56 = arith.constant 32 : i32
    %scan3A_57 = arith.addi %scan3A_55, %scan3A_56 : i32
    %scan3A_58 = arith.constant 1 : i32
    scf.for %scan3A_244 = %scan3A_55 to %scan3A_57 step %scan3A_58  : i32 {
      %mul3A_245 = arith.constant 1 : i32
      %mul3A_246 = arith.muli %scan3A_244, %mul3A_245 : i32
      %add3A_247 = arith.constant 0 : i32
      %add3A_248 = arith.addi %add3A_247, %mul3A_246 : i32
      %scan3A_249 = arith.constant 0 : i32
      %scan3A_250 = arith.constant 64 : i32
      %scan3A_251 = arith.addi %scan3A_249, %scan3A_250 : i32
      %scan3A_252 = arith.constant 1 : i32
      scf.for %scan3A_254 = %scan3A_249 to %scan3A_251 step %scan3A_252  : i32 {
        %mul3A_255 = arith.constant 16 : i32
        %mul3A_256 = arith.muli %scan3A_254, %mul3A_255 : i32
        %add3A_257 = arith.constant 0 : i32
        %add3A_258 = arith.addi %add3A_257, %mul3A_256 : i32
        %get3A = arith.index_cast %add3A_248 : i32 to index
        %get3A_259 = arith.index_cast %add3A_258 : i32 to index
        %get3A_260 = tpu.vector_load %arg9[%get3A, %get3A_259] {strides = array<i32>} : memref<32x1024xf32, #tpu.memory_space<vmem>>, vector<1x16xf32>,
        %get3A_261 = vector.shape_cast %get3A_260 : vector<1x16xf32> to vector<1x16xf32>
        %get3A_262 = arith.index_cast %add3A_248 : i32 to index
        %get3A_263 = arith.index_cast %add3A_258 : i32 to index
        %get3A_264 = tpu.vector_load %arg8[%get3A_262, %get3A_263] {strides = array<i32>} : memref<32x1024xf32, #tpu.memory_space<vmem>>, vector<1x16xf32>,
        %get3A_265 = vector.shape_cast %get3A_264 : vector<1x16xf32> to vector<1x16xf32>
        %add3A_266 = arith.addf %get3A_261, %get3A_265 : vector<1x16xf32>
        %swap3A = arith.index_cast %add3A_248 : i32 to index
        %swap3A_267 = arith.index_cast %add3A_258 : i32 to index
        %swap3A_268 = tpu.vector_load %arg9[%swap3A, %swap3A_267] {strides = array<i32>} : memref<32x1024xf32, #tpu.memory_space<vmem>>, vector<1x16xf32>,
        %swap3A_269 = vector.shape_cast %swap3A_268 : vector<1x16xf32> to vector<1x16xf32>
        %swap3A_270 = vector.shape_cast %add3A_266 : vector<1x16xf32> to vector<1x16xf32>
        tpu.vector_store %arg9[%swap3A, %swap3A_267], %swap3A_270 {strides = array<i32>} : memref<32x1024xf32, #tpu.memory_space<vmem>>, vector<1x16xf32>,
      }
      %scan3A_253 = arith.constant 64 : i32
    }
    %scan3A_59 = arith.constant 32 : i32
    %add3A_60 = arith.constant 6144 : i32
    %add3A_61 = arith.addi %add3A_60, %add3A_4 : i32
    "tpu.region"() ({
      %run_scoped3A = tpu.sem_alloc : memref<!tpu.dma_semaphore, #tpu.memory_space<semaphore_mem>>
      %dma_start3A_244 = arith.constant 0 : i32
      %dma_start3A_245 = tpu.memref_slice %arg5[%add3A_61, %dma_start3A_244] : memref<8192x1024xf32, #tpu.memory_space<hbm>> -> memref<32x1024xf32, #tpu.memory_space<hbm>>
      %dma_start3A_246 = arith.constant 0 : i32
      %dma_start3A_247 = tpu.memref_slice %arg5[%add3A_61, %dma_start3A_246] : memref<8192x1024xf32, #tpu.memory_space<hbm>> -> memref<32x1024xf32, #tpu.memory_space<hbm>>
      tpu.enqueue_dma source(%arg9 : memref<32x1024xf32, #tpu.memory_space<vmem>>) target(%dma_start3A_247 : memref<32x1024xf32, #tpu.memory_space<hbm>>) target_semaphore(%run_scoped3A : memref<!tpu.dma_semaphore, #tpu.memory_space<semaphore_mem>>)
      %dma_wait3A_248 = arith.constant 0 : i32
      %dma_wait3A_249 = tpu.memref_slice %arg5[%add3A_61, %dma_wait3A_248] : memref<8192x1024xf32, #tpu.memory_space<hbm>> -> memref<32x1024xf32, #tpu.memory_space<hbm>>
      %dma_wait3A_250 = arith.constant 0 : i32
      %dma_wait3A_251 = tpu.memref_slice %arg5[%add3A_61, %dma_wait3A_250] : memref<8192x1024xf32, #tpu.memory_space<hbm>> -> memref<32x1024xf32, #tpu.memory_space<hbm>>
      tpu.wait_dma2 semaphore(%run_scoped3A : memref<!tpu.dma_semaphore, #tpu.memory_space<semaphore_mem>>) src(%arg9 : memref<32x1024xf32, #tpu.memory_space<vmem>>) dst(%dma_wait3A_251 : memref<32x1024xf32, #tpu.memory_space<hbm>>)
      tpu.yield
    }) : () -> ()
    %add3A_62 = arith.constant 8192 : i32
    %add3A_63 = arith.addi %add3A_62, %add3A_4 : i32
    "tpu.region"() ({
      %run_scoped3A = tpu.sem_alloc : memref<!tpu.dma_semaphore, #tpu.memory_space<semaphore_mem>>
      %dma_start3A_244 = tpu.memref_slice %arg3[%add3A_63] : memref<16384xi32, #tpu.memory_space<hbm>> -> memref<32xi32, #tpu.memory_space<hbm>>
      %dma_start3A_245 = tpu.memref_slice %arg3[%add3A_63] : memref<16384xi32, #tpu.memory_space<hbm>> -> memref<32xi32, #tpu.memory_space<hbm>>
      tpu.enqueue_dma source(%dma_start3A_245 : memref<32xi32, #tpu.memory_space<hbm>>) target(%arg7 : memref<32xi32, #tpu.memory_space<vmem>>) target_semaphore(%run_scoped3A : memref<!tpu.dma_semaphore, #tpu.memory_space<semaphore_mem>>)
      %dma_wait3A_246 = tpu.memref_slice %arg3[%add3A_63] : memref<16384xi32, #tpu.memory_space<hbm>> -> memref<32xi32, #tpu.memory_space<hbm>>
      %dma_wait3A_247 = tpu.memref_slice %arg3[%add3A_63] : memref<16384xi32, #tpu.memory_space<hbm>> -> memref<32xi32, #tpu.memory_space<hbm>>
      tpu.wait_dma2 semaphore(%run_scoped3A : memref<!tpu.dma_semaphore, #tpu.memory_space<semaphore_mem>>) src(%dma_wait3A_247 : memref<32xi32, #tpu.memory_space<hbm>>) dst(%arg7 : memref<32xi32, #tpu.memory_space<vmem>>)
      tpu.yield
    }) : () -> ()
    %dma_start3A_64 = arith.constant 0 : i32
    %dma_start3A_65 = arith.constant 0 : i32
    %dma_start3A_66 = tpu.memref_slice %arg2[%dma_start3A_64, %dma_start3A_65] : memref<100000x1024xf32, #tpu.memory_space<hbm>> -> memref<100000x1024xf32, #tpu.memory_space<hbm>>
    tpu.enqueue_indirect_dma source(%dma_start3A_66 : memref<100000x1024xf32, #tpu.memory_space<hbm>>) target(%arg9 : memref<32x1024xf32, #tpu.memory_space<vmem>>) offsets(%arg7 : memref<32xi32, #tpu.memory_space<vmem>>) semaphore(%arg10 : memref<!tpu.dma_semaphore, #tpu.memory_space<semaphore_mem>>)
    %dma_wait3A_67 = arith.constant 0 : i32
    %dma_wait3A_68 = arith.constant 0 : i32
    %dma_wait3A_69 = tpu.memref_slice %arg2[%dma_wait3A_67, %dma_wait3A_68] : memref<100000x1024xf32, #tpu.memory_space<hbm>> -> memref<100000x1024xf32, #tpu.memory_space<hbm>>
    tpu.wait_indirect_dma semaphore(%arg10 : memref<!tpu.dma_semaphore, #tpu.memory_space<semaphore_mem>>) src(%dma_wait3A_69 : memref<100000x1024xf32, #tpu.memory_space<hbm>>) dst(%arg9 : memref<32x1024xf32, #tpu.memory_space<vmem>>)
    %scan3A_70 = arith.constant 0 : i32
    %scan3A_71 = arith.constant 32 : i32
    %scan3A_72 = arith.addi %scan3A_70, %scan3A_71 : i32
    %scan3A_73 = arith.constant 1 : i32
    scf.for %scan3A_244 = %scan3A_70 to %scan3A_72 step %scan3A_73  : i32 {
      %mul3A_245 = arith.constant 1 : i32
      %mul3A_246 = arith.muli %scan3A_244, %mul3A_245 : i32
      %add3A_247 = arith.constant 0 : i32
      %add3A_248 = arith.addi %add3A_247, %mul3A_246 : i32
      %scan3A_249 = arith.constant 0 : i32
      %scan3A_250 = arith.constant 64 : i32
      %scan3A_251 = arith.addi %scan3A_249, %scan3A_250 : i32
      %scan3A_252 = arith.constant 1 : i32
      scf.for %scan3A_254 = %scan3A_249 to %scan3A_251 step %scan3A_252  : i32 {
        %mul3A_255 = arith.constant 16 : i32
        %mul3A_256 = arith.muli %scan3A_254, %mul3A_255 : i32
        %add3A_257 = arith.constant 0 : i32
        %add3A_258 = arith.addi %add3A_257, %mul3A_256 : i32
        %get3A = arith.index_cast %add3A_248 : i32 to index
        %get3A_259 = arith.index_cast %add3A_258 : i32 to index
        %get3A_260 = tpu.vector_load %arg9[%get3A, %get3A_259] {strides = array<i32>} : memref<32x1024xf32, #tpu.memory_space<vmem>>, vector<1x16xf32>,
        %get3A_261 = vector.shape_cast %get3A_260 : vector<1x16xf32> to vector<1x16xf32>
        %get3A_262 = arith.index_cast %add3A_248 : i32 to index
        %get3A_263 = arith.index_cast %add3A_258 : i32 to index
        %get3A_264 = tpu.vector_load %arg8[%get3A_262, %get3A_263] {strides = array<i32>} : memref<32x1024xf32, #tpu.memory_space<vmem>>, vector<1x16xf32>,
        %get3A_265 = vector.shape_cast %get3A_264 : vector<1x16xf32> to vector<1x16xf32>
        %add3A_266 = arith.addf %get3A_261, %get3A_265 : vector<1x16xf32>
        %swap3A = arith.index_cast %add3A_248 : i32 to index
        %swap3A_267 = arith.index_cast %add3A_258 : i32 to index
        %swap3A_268 = tpu.vector_load %arg9[%swap3A, %swap3A_267] {strides = array<i32>} : memref<32x1024xf32, #tpu.memory_space<vmem>>, vector<1x16xf32>,
        %swap3A_269 = vector.shape_cast %swap3A_268 : vector<1x16xf32> to vector<1x16xf32>
        %swap3A_270 = vector.shape_cast %add3A_266 : vector<1x16xf32> to vector<1x16xf32>
        tpu.vector_store %arg9[%swap3A, %swap3A_267], %swap3A_270 {strides = array<i32>} : memref<32x1024xf32, #tpu.memory_space<vmem>>, vector<1x16xf32>,
      }
      %scan3A_253 = arith.constant 64 : i32
    }
    %scan3A_74 = arith.constant 32 : i32
    %add3A_75 = arith.constant 0 : i32
    %add3A_76 = arith.addi %add3A_75, %add3A_4 : i32
    "tpu.region"() ({
      %run_scoped3A = tpu.sem_alloc : memref<!tpu.dma_semaphore, #tpu.memory_space<semaphore_mem>>
      %dma_start3A_244 = arith.constant 0 : i32
      %dma_start3A_245 = tpu.memref_slice %arg6[%add3A_76, %dma_start3A_244] : memref<8192x1024xf32, #tpu.memory_space<hbm>> -> memref<32x1024xf32, #tpu.memory_space<hbm>>
      %dma_start3A_246 = arith.constant 0 : i32
      %dma_start3A_247 = tpu.memref_slice %arg6[%add3A_76, %dma_start3A_246] : memref<8192x1024xf32, #tpu.memory_space<hbm>> -> memref<32x1024xf32, #tpu.memory_space<hbm>>
      tpu.enqueue_dma source(%arg9 : memref<32x1024xf32, #tpu.memory_space<vmem>>) target(%dma_start3A_247 : memref<32x1024xf32, #tpu.memory_space<hbm>>) target_semaphore(%run_scoped3A : memref<!tpu.dma_semaphore, #tpu.memory_space<semaphore_mem>>)
      %dma_wait3A_248 = arith.constant 0 : i32
      %dma_wait3A_249 = tpu.memref_slice %arg6[%add3A_76, %dma_wait3A_248] : memref<8192x1024xf32, #tpu.memory_space<hbm>> -> memref<32x1024xf32, #tpu.memory_space<hbm>>
      %dma_wait3A_250 = arith.constant 0 : i32
      %dma_wait3A_251 = tpu.memref_slice %arg6[%add3A_76, %dma_wait3A_250] : memref<8192x1024xf32, #tpu.memory_space<hbm>> -> memref<32x1024xf32, #tpu.memory_space<hbm>>
      tpu.wait_dma2 semaphore(%run_scoped3A : memref<!tpu.dma_semaphore, #tpu.memory_space<semaphore_mem>>) src(%arg9 : memref<32x1024xf32, #tpu.memory_space<vmem>>) dst(%dma_wait3A_251 : memref<32x1024xf32, #tpu.memory_space<hbm>>)
      tpu.yield
    }) : () -> ()
    %add3A_77 = arith.constant 10240 : i32
    %add3A_78 = arith.addi %add3A_77, %add3A_4 : i32
    "tpu.region"() ({
      %run_scoped3A = tpu.sem_alloc : memref<!tpu.dma_semaphore, #tpu.memory_space<semaphore_mem>>
      %dma_start3A_244 = tpu.memref_slice %arg3[%add3A_78] : memref<16384xi32, #tpu.memory_space<hbm>> -> memref<32xi32, #tpu.memory_space<hbm>>
      %dma_start3A_245 = tpu.memref_slice %arg3[%add3A_78] : memref<16384xi32, #tpu.memory_space<hbm>> -> memref<32xi32, #tpu.memory_space<hbm>>
      tpu.enqueue_dma source(%dma_start3A_245 : memref<32xi32, #tpu.memory_space<hbm>>) target(%arg7 : memref<32xi32, #tpu.memory_space<vmem>>) target_semaphore(%run_scoped3A : memref<!tpu.dma_semaphore, #tpu.memory_space<semaphore_mem>>)
      %dma_wait3A_246 = tpu.memref_slice %arg3[%add3A_78] : memref<16384xi32, #tpu.memory_space<hbm>> -> memref<32xi32, #tpu.memory_space<hbm>>
      %dma_wait3A_247 = tpu.memref_slice %arg3[%add3A_78] : memref<16384xi32, #tpu.memory_space<hbm>> -> memref<32xi32, #tpu.memory_space<hbm>>
      tpu.wait_dma2 semaphore(%run_scoped3A : memref<!tpu.dma_semaphore, #tpu.memory_space<semaphore_mem>>) src(%dma_wait3A_247 : memref<32xi32, #tpu.memory_space<hbm>>) dst(%arg7 : memref<32xi32, #tpu.memory_space<vmem>>)
      tpu.yield
    }) : () -> ()
    %dma_start3A_79 = arith.constant 0 : i32
    %dma_start3A_80 = arith.constant 0 : i32
    %dma_start3A_81 = tpu.memref_slice %arg2[%dma_start3A_79, %dma_start3A_80] : memref<100000x1024xf32, #tpu.memory_space<hbm>> -> memref<100000x1024xf32, #tpu.memory_space<hbm>>
    tpu.enqueue_indirect_dma source(%dma_start3A_81 : memref<100000x1024xf32, #tpu.memory_space<hbm>>) target(%arg9 : memref<32x1024xf32, #tpu.memory_space<vmem>>) offsets(%arg7 : memref<32xi32, #tpu.memory_space<vmem>>) semaphore(%arg10 : memref<!tpu.dma_semaphore, #tpu.memory_space<semaphore_mem>>)
    %dma_wait3A_82 = arith.constant 0 : i32
    %dma_wait3A_83 = arith.constant 0 : i32
    %dma_wait3A_84 = tpu.memref_slice %arg2[%dma_wait3A_82, %dma_wait3A_83] : memref<100000x1024xf32, #tpu.memory_space<hbm>> -> memref<100000x1024xf32, #tpu.memory_space<hbm>>
    tpu.wait_indirect_dma semaphore(%arg10 : memref<!tpu.dma_semaphore, #tpu.memory_space<semaphore_mem>>) src(%dma_wait3A_84 : memref<100000x1024xf32, #tpu.memory_space<hbm>>) dst(%arg9 : memref<32x1024xf32, #tpu.memory_space<vmem>>)
    %scan3A_85 = arith.constant 0 : i32
    %scan3A_86 = arith.constant 32 : i32
    %scan3A_87 = arith.addi %scan3A_85, %scan3A_86 : i32
    %scan3A_88 = arith.constant 1 : i32
    scf.for %scan3A_244 = %scan3A_85 to %scan3A_87 step %scan3A_88  : i32 {
      %mul3A_245 = arith.constant 1 : i32
      %mul3A_246 = arith.muli %scan3A_244, %mul3A_245 : i32
      %add3A_247 = arith.constant 0 : i32
      %add3A_248 = arith.addi %add3A_247, %mul3A_246 : i32
      %scan3A_249 = arith.constant 0 : i32
      %scan3A_250 = arith.constant 64 : i32
      %scan3A_251 = arith.addi %scan3A_249, %scan3A_250 : i32
      %scan3A_252 = arith.constant 1 : i32
      scf.for %scan3A_254 = %scan3A_249 to %scan3A_251 step %scan3A_252  : i32 {
        %mul3A_255 = arith.constant 16 : i32
        %mul3A_256 = arith.muli %scan3A_254, %mul3A_255 : i32
        %add3A_257 = arith.constant 0 : i32
        %add3A_258 = arith.addi %add3A_257, %mul3A_256 : i32
        %get3A = arith.index_cast %add3A_248 : i32 to index
        %get3A_259 = arith.index_cast %add3A_258 : i32 to index
        %get3A_260 = tpu.vector_load %arg9[%get3A, %get3A_259] {strides = array<i32>} : memref<32x1024xf32, #tpu.memory_space<vmem>>, vector<1x16xf32>,
        %get3A_261 = vector.shape_cast %get3A_260 : vector<1x16xf32> to vector<1x16xf32>
        %get3A_262 = arith.index_cast %add3A_248 : i32 to index
        %get3A_263 = arith.index_cast %add3A_258 : i32 to index
        %get3A_264 = tpu.vector_load %arg8[%get3A_262, %get3A_263] {strides = array<i32>} : memref<32x1024xf32, #tpu.memory_space<vmem>>, vector<1x16xf32>,
        %get3A_265 = vector.shape_cast %get3A_264 : vector<1x16xf32> to vector<1x16xf32>
        %add3A_266 = arith.addf %get3A_261, %get3A_265 : vector<1x16xf32>
        %swap3A = arith.index_cast %add3A_248 : i32 to index
        %swap3A_267 = arith.index_cast %add3A_258 : i32 to index
        %swap3A_268 = tpu.vector_load %arg9[%swap3A, %swap3A_267] {strides = array<i32>} : memref<32x1024xf32, #tpu.memory_space<vmem>>, vector<1x16xf32>,
        %swap3A_269 = vector.shape_cast %swap3A_268 : vector<1x16xf32> to vector<1x16xf32>
        %swap3A_270 = vector.shape_cast %add3A_266 : vector<1x16xf32> to vector<1x16xf32>
        tpu.vector_store %arg9[%swap3A, %swap3A_267], %swap3A_270 {strides = array<i32>} : memref<32x1024xf32, #tpu.memory_space<vmem>>, vector<1x16xf32>,
      }
      %scan3A_253 = arith.constant 64 : i32
    }
    %scan3A_89 = arith.constant 32 : i32
    %add3A_90 = arith.constant 2048 : i32
    %add3A_91 = arith.addi %add3A_90, %add3A_4 : i32
    "tpu.region"() ({
      %run_scoped3A = tpu.sem_alloc : memref<!tpu.dma_semaphore, #tpu.memory_space<semaphore_mem>>
      %dma_start3A_244 = arith.constant 0 : i32
      %dma_start3A_245 = tpu.memref_slice %arg6[%add3A_91, %dma_start3A_244] : memref<8192x1024xf32, #tpu.memory_space<hbm>> -> memref<32x1024xf32, #tpu.memory_space<hbm>>
      %dma_start3A_246 = arith.constant 0 : i32
      %dma_start3A_247 = tpu.memref_slice %arg6[%add3A_91, %dma_start3A_246] : memref<8192x1024xf32, #tpu.memory_space<hbm>> -> memref<32x1024xf32, #tpu.memory_space<hbm>>
      tpu.enqueue_dma source(%arg9 : memref<32x1024xf32, #tpu.memory_space<vmem>>) target(%dma_start3A_247 : memref<32x1024xf32, #tpu.memory_space<hbm>>) target_semaphore(%run_scoped3A : memref<!tpu.dma_semaphore, #tpu.memory_space<semaphore_mem>>)
      %dma_wait3A_248 = arith.constant 0 : i32
      %dma_wait3A_249 = tpu.memref_slice %arg6[%add3A_91, %dma_wait3A_248] : memref<8192x1024xf32, #tpu.memory_space<hbm>> -> memref<32x1024xf32, #tpu.memory_space<hbm>>
      %dma_wait3A_250 = arith.constant 0 : i32
      %dma_wait3A_251 = tpu.memref_slice %arg6[%add3A_91, %dma_wait3A_250] : memref<8192x1024xf32, #tpu.memory_space<hbm>> -> memref<32x1024xf32, #tpu.memory_space<hbm>>
      tpu.wait_dma2 semaphore(%run_scoped3A : memref<!tpu.dma_semaphore, #tpu.memory_space<semaphore_mem>>) src(%arg9 : memref<32x1024xf32, #tpu.memory_space<vmem>>) dst(%dma_wait3A_251 : memref<32x1024xf32, #tpu.memory_space<hbm>>)
      tpu.yield
    }) : () -> ()
    %add3A_92 = arith.constant 12288 : i32
    %add3A_93 = arith.addi %add3A_92, %add3A_4 : i32
    "tpu.region"() ({
      %run_scoped3A = tpu.sem_alloc : memref<!tpu.dma_semaphore, #tpu.memory_space<semaphore_mem>>
      %dma_start3A_244 = tpu.memref_slice %arg3[%add3A_93] : memref<16384xi32, #tpu.memory_space<hbm>> -> memref<32xi32, #tpu.memory_space<hbm>>
      %dma_start3A_245 = tpu.memref_slice %arg3[%add3A_93] : memref<16384xi32, #tpu.memory_space<hbm>> -> memref<32xi32, #tpu.memory_space<hbm>>
      tpu.enqueue_dma source(%dma_start3A_245 : memref<32xi32, #tpu.memory_space<hbm>>) target(%arg7 : memref<32xi32, #tpu.memory_space<vmem>>) target_semaphore(%run_scoped3A : memref<!tpu.dma_semaphore, #tpu.memory_space<semaphore_mem>>)
      %dma_wait3A_246 = tpu.memref_slice %arg3[%add3A_93] : memref<16384xi32, #tpu.memory_space<hbm>> -> memref<32xi32, #tpu.memory_space<hbm>>
      %dma_wait3A_247 = tpu.memref_slice %arg3[%add3A_93] : memref<16384xi32, #tpu.memory_space<hbm>> -> memref<32xi32, #tpu.memory_space<hbm>>
      tpu.wait_dma2 semaphore(%run_scoped3A : memref<!tpu.dma_semaphore, #tpu.memory_space<semaphore_mem>>) src(%dma_wait3A_247 : memref<32xi32, #tpu.memory_space<hbm>>) dst(%arg7 : memref<32xi32, #tpu.memory_space<vmem>>)
      tpu.yield
    }) : () -> ()
    %dma_start3A_94 = arith.constant 0 : i32
    %dma_start3A_95 = arith.constant 0 : i32
    %dma_start3A_96 = tpu.memref_slice %arg2[%dma_start3A_94, %dma_start3A_95] : memref<100000x1024xf32, #tpu.memory_space<hbm>> -> memref<100000x1024xf32, #tpu.memory_space<hbm>>
    tpu.enqueue_indirect_dma source(%dma_start3A_96 : memref<100000x1024xf32, #tpu.memory_space<hbm>>) target(%arg9 : memref<32x1024xf32, #tpu.memory_space<vmem>>) offsets(%arg7 : memref<32xi32, #tpu.memory_space<vmem>>) semaphore(%arg10 : memref<!tpu.dma_semaphore, #tpu.memory_space<semaphore_mem>>)
    %dma_wait3A_97 = arith.constant 0 : i32
    %dma_wait3A_98 = arith.constant 0 : i32
    %dma_wait3A_99 = tpu.memref_slice %arg2[%dma_wait3A_97, %dma_wait3A_98] : memref<100000x1024xf32, #tpu.memory_space<hbm>> -> memref<100000x1024xf32, #tpu.memory_space<hbm>>
    tpu.wait_indirect_dma semaphore(%arg10 : memref<!tpu.dma_semaphore, #tpu.memory_space<semaphore_mem>>) src(%dma_wait3A_99 : memref<100000x1024xf32, #tpu.memory_space<hbm>>) dst(%arg9 : memref<32x1024xf32, #tpu.memory_space<vmem>>)
    %scan3A_100 = arith.constant 0 : i32
    %scan3A_101 = arith.constant 32 : i32
    %scan3A_102 = arith.addi %scan3A_100, %scan3A_101 : i32
    %scan3A_103 = arith.constant 1 : i32
    scf.for %scan3A_244 = %scan3A_100 to %scan3A_102 step %scan3A_103  : i32 {
      %mul3A_245 = arith.constant 1 : i32
      %mul3A_246 = arith.muli %scan3A_244, %mul3A_245 : i32
      %add3A_247 = arith.constant 0 : i32
      %add3A_248 = arith.addi %add3A_247, %mul3A_246 : i32
      %scan3A_249 = arith.constant 0 : i32
      %scan3A_250 = arith.constant 64 : i32
      %scan3A_251 = arith.addi %scan3A_249, %scan3A_250 : i32
      %scan3A_252 = arith.constant 1 : i32
      scf.for %scan3A_254 = %scan3A_249 to %scan3A_251 step %scan3A_252  : i32 {
        %mul3A_255 = arith.constant 16 : i32
        %mul3A_256 = arith.muli %scan3A_254, %mul3A_255 : i32
        %add3A_257 = arith.constant 0 : i32
        %add3A_258 = arith.addi %add3A_257, %mul3A_256 : i32
        %get3A = arith.index_cast %add3A_248 : i32 to index
        %get3A_259 = arith.index_cast %add3A_258 : i32 to index
        %get3A_260 = tpu.vector_load %arg9[%get3A, %get3A_259] {strides = array<i32>} : memref<32x1024xf32, #tpu.memory_space<vmem>>, vector<1x16xf32>,
        %get3A_261 = vector.shape_cast %get3A_260 : vector<1x16xf32> to vector<1x16xf32>
        %get3A_262 = arith.index_cast %add3A_248 : i32 to index
        %get3A_263 = arith.index_cast %add3A_258 : i32 to index
        %get3A_264 = tpu.vector_load %arg8[%get3A_262, %get3A_263] {strides = array<i32>} : memref<32x1024xf32, #tpu.memory_space<vmem>>, vector<1x16xf32>,
        %get3A_265 = vector.shape_cast %get3A_264 : vector<1x16xf32> to vector<1x16xf32>
        %add3A_266 = arith.addf %get3A_261, %get3A_265 : vector<1x16xf32>
        %swap3A = arith.index_cast %add3A_248 : i32 to index
        %swap3A_267 = arith.index_cast %add3A_258 : i32 to index
        %swap3A_268 = tpu.vector_load %arg9[%swap3A, %swap3A_267] {strides = array<i32>} : memref<32x1024xf32, #tpu.memory_space<vmem>>, vector<1x16xf32>,
        %swap3A_269 = vector.shape_cast %swap3A_268 : vector<1x16xf32> to vector<1x16xf32>
        %swap3A_270 = vector.shape_cast %add3A_266 : vector<1x16xf32> to vector<1x16xf32>
        tpu.vector_store %arg9[%swap3A, %swap3A_267], %swap3A_270 {strides = array<i32>} : memref<32x1024xf32, #tpu.memory_space<vmem>>, vector<1x16xf32>,
      }
      %scan3A_253 = arith.constant 64 : i32
    }
    %scan3A_104 = arith.constant 32 : i32
    %add3A_105 = arith.constant 4096 : i32
    %add3A_106 = arith.addi %add3A_105, %add3A_4 : i32
    "tpu.region"() ({
      %run_scoped3A = tpu.sem_alloc : memref<!tpu.dma_semaphore, #tpu.memory_space<semaphore_mem>>
      %dma_start3A_244 = arith.constant 0 : i32
      %dma_start3A_245 = tpu.memref_slice %arg6[%add3A_106, %dma_start3A_244] : memref<8192x1024xf32, #tpu.memory_space<hbm>> -> memref<32x1024xf32, #tpu.memory_space<hbm>>
      %dma_start3A_246 = arith.constant 0 : i32
      %dma_start3A_247 = tpu.memref_slice %arg6[%add3A_106, %dma_start3A_246] : memref<8192x1024xf32, #tpu.memory_space<hbm>> -> memref<32x1024xf32, #tpu.memory_space<hbm>>
      tpu.enqueue_dma source(%arg9 : memref<32x1024xf32, #tpu.memory_space<vmem>>) target(%dma_start3A_247 : memref<32x1024xf32, #tpu.memory_space<hbm>>) target_semaphore(%run_scoped3A : memref<!tpu.dma_semaphore, #tpu.memory_space<semaphore_mem>>)
      %dma_wait3A_248 = arith.constant 0 : i32
      %dma_wait3A_249 = tpu.memref_slice %arg6[%add3A_106, %dma_wait3A_248] : memref<8192x1024xf32, #tpu.memory_space<hbm>> -> memref<32x1024xf32, #tpu.memory_space<hbm>>
      %dma_wait3A_250 = arith.constant 0 : i32
      %dma_wait3A_251 = tpu.memref_slice %arg6[%add3A_106, %dma_wait3A_250] : memref<8192x1024xf32, #tpu.memory_space<hbm>> -> memref<32x1024xf32, #tpu.memory_space<hbm>>
      tpu.wait_dma2 semaphore(%run_scoped3A : memref<!tpu.dma_semaphore, #tpu.memory_space<semaphore_mem>>) src(%arg9 : memref<32x1024xf32, #tpu.memory_space<vmem>>) dst(%dma_wait3A_251 : memref<32x1024xf32, #tpu.memory_space<hbm>>)
      tpu.yield
    }) : () -> ()
    %add3A_107 = arith.constant 14336 : i32
    %add3A_108 = arith.addi %add3A_107, %add3A_4 : i32
    "tpu.region"() ({
      %run_scoped3A = tpu.sem_alloc : memref<!tpu.dma_semaphore, #tpu.memory_space<semaphore_mem>>
      %dma_start3A_244 = tpu.memref_slice %arg3[%add3A_108] : memref<16384xi32, #tpu.memory_space<hbm>> -> memref<32xi32, #tpu.memory_space<hbm>>
      %dma_start3A_245 = tpu.memref_slice %arg3[%add3A_108] : memref<16384xi32, #tpu.memory_space<hbm>> -> memref<32xi32, #tpu.memory_space<hbm>>
      tpu.enqueue_dma source(%dma_start3A_245 : memref<32xi32, #tpu.memory_space<hbm>>) target(%arg7 : memref<32xi32, #tpu.memory_space<vmem>>) target_semaphore(%run_scoped3A : memref<!tpu.dma_semaphore, #tpu.memory_space<semaphore_mem>>)
      %dma_wait3A_246 = tpu.memref_slice %arg3[%add3A_108] : memref<16384xi32, #tpu.memory_space<hbm>> -> memref<32xi32, #tpu.memory_space<hbm>>
      %dma_wait3A_247 = tpu.memref_slice %arg3[%add3A_108] : memref<16384xi32, #tpu.memory_space<hbm>> -> memref<32xi32, #tpu.memory_space<hbm>>
      tpu.wait_dma2 semaphore(%run_scoped3A : memref<!tpu.dma_semaphore, #tpu.memory_space<semaphore_mem>>) src(%dma_wait3A_247 : memref<32xi32, #tpu.memory_space<hbm>>) dst(%arg7 : memref<32xi32, #tpu.memory_space<vmem>>)
      tpu.yield
    }) : () -> ()
    %dma_start3A_109 = arith.constant 0 : i32
    %dma_start3A_110 = arith.constant 0 : i32
    %dma_start3A_111 = tpu.memref_slice %arg2[%dma_start3A_109, %dma_start3A_110] : memref<100000x1024xf32, #tpu.memory_space<hbm>> -> memref<100000x1024xf32, #tpu.memory_space<hbm>>
    tpu.enqueue_indirect_dma source(%dma_start3A_111 : memref<100000x1024xf32, #tpu.memory_space<hbm>>) target(%arg9 : memref<32x1024xf32, #tpu.memory_space<vmem>>) offsets(%arg7 : memref<32xi32, #tpu.memory_space<vmem>>) semaphore(%arg10 : memref<!tpu.dma_semaphore, #tpu.memory_space<semaphore_mem>>)
    %dma_wait3A_112 = arith.constant 0 : i32
    %dma_wait3A_113 = arith.constant 0 : i32
    %dma_wait3A_114 = tpu.memref_slice %arg2[%dma_wait3A_112, %dma_wait3A_113] : memref<100000x1024xf32, #tpu.memory_space<hbm>> -> memref<100000x1024xf32, #tpu.memory_space<hbm>>
    tpu.wait_indirect_dma semaphore(%arg10 : memref<!tpu.dma_semaphore, #tpu.memory_space<semaphore_mem>>) src(%dma_wait3A_114 : memref<100000x1024xf32, #tpu.memory_space<hbm>>) dst(%arg9 : memref<32x1024xf32, #tpu.memory_space<vmem>>)
    %scan3A_115 = arith.constant 0 : i32
    %scan3A_116 = arith.constant 32 : i32
    %scan3A_117 = arith.addi %scan3A_115, %scan3A_116 : i32
    %scan3A_118 = arith.constant 1 : i32
    scf.for %scan3A_244 = %scan3A_115 to %scan3A_117 step %scan3A_118  : i32 {
      %mul3A_245 = arith.constant 1 : i32
      %mul3A_246 = arith.muli %scan3A_244, %mul3A_245 : i32
      %add3A_247 = arith.constant 0 : i32
      %add3A_248 = arith.addi %add3A_247, %mul3A_246 : i32
      %scan3A_249 = arith.constant 0 : i32
      %scan3A_250 = arith.constant 64 : i32
      %scan3A_251 = arith.addi %scan3A_249, %scan3A_250 : i32
      %scan3A_252 = arith.constant 1 : i32
      scf.for %scan3A_254 = %scan3A_249 to %scan3A_251 step %scan3A_252  : i32 {
        %mul3A_255 = arith.constant 16 : i32
        %mul3A_256 = arith.muli %scan3A_254, %mul3A_255 : i32
        %add3A_257 = arith.constant 0 : i32
        %add3A_258 = arith.addi %add3A_257, %mul3A_256 : i32
        %get3A = arith.index_cast %add3A_248 : i32 to index
        %get3A_259 = arith.index_cast %add3A_258 : i32 to index
        %get3A_260 = tpu.vector_load %arg9[%get3A, %get3A_259] {strides = array<i32>} : memref<32x1024xf32, #tpu.memory_space<vmem>>, vector<1x16xf32>,
        %get3A_261 = vector.shape_cast %get3A_260 : vector<1x16xf32> to vector<1x16xf32>
        %get3A_262 = arith.index_cast %add3A_248 : i32 to index
        %get3A_263 = arith.index_cast %add3A_258 : i32 to index
        %get3A_264 = tpu.vector_load %arg8[%get3A_262, %get3A_263] {strides = array<i32>} : memref<32x1024xf32, #tpu.memory_space<vmem>>, vector<1x16xf32>,
        %get3A_265 = vector.shape_cast %get3A_264 : vector<1x16xf32> to vector<1x16xf32>
        %add3A_266 = arith.addf %get3A_261, %get3A_265 : vector<1x16xf32>
        %swap3A = arith.index_cast %add3A_248 : i32 to index
        %swap3A_267 = arith.index_cast %add3A_258 : i32 to index
        %swap3A_268 = tpu.vector_load %arg9[%swap3A, %swap3A_267] {strides = array<i32>} : memref<32x1024xf32, #tpu.memory_space<vmem>>, vector<1x16xf32>,
        %swap3A_269 = vector.shape_cast %swap3A_268 : vector<1x16xf32> to vector<1x16xf32>
        %swap3A_270 = vector.shape_cast %add3A_266 : vector<1x16xf32> to vector<1x16xf32>
        tpu.vector_store %arg9[%swap3A, %swap3A_267], %swap3A_270 {strides = array<i32>} : memref<32x1024xf32, #tpu.memory_space<vmem>>, vector<1x16xf32>,
      }
      %scan3A_253 = arith.constant 64 : i32
    }
    %scan3A_119 = arith.constant 32 : i32
    %add3A_120 = arith.constant 6144 : i32
    %add3A_121 = arith.addi %add3A_120, %add3A_4 : i32
    "tpu.region"() ({
      %run_scoped3A = tpu.sem_alloc : memref<!tpu.dma_semaphore, #tpu.memory_space<semaphore_mem>>
      %dma_start3A_244 = arith.constant 0 : i32
      %dma_start3A_245 = tpu.memref_slice %arg6[%add3A_121, %dma_start3A_244] : memref<8192x1024xf32, #tpu.memory_space<hbm>> -> memref<32x1024xf32, #tpu.memory_space<hbm>>
      %dma_start3A_246 = arith.constant 0 : i32
      %dma_start3A_247 = tpu.memref_slice %arg6[%add3A_121, %dma_start3A_246] : memref<8192x1024xf32, #tpu.memory_space<hbm>> -> memref<32x1024xf32, #tpu.memory_space<hbm>>
      tpu.enqueue_dma source(%arg9 : memref<32x1024xf32, #tpu.memory_space<vmem>>) target(%dma_start3A_247 : memref<32x1024xf32, #tpu.memory_space<hbm>>) target_semaphore(%run_scoped3A : memref<!tpu.dma_semaphore, #tpu.memory_space<semaphore_mem>>)
      %dma_wait3A_248 = arith.constant 0 : i32
      %dma_wait3A_249 = tpu.memref_slice %arg6[%add3A_121, %dma_wait3A_248] : memref<8192x1024xf32, #tpu.memory_space<hbm>> -> memref<32x1024xf32, #tpu.memory_space<hbm>>
      %dma_wait3A_250 = arith.constant 0 : i32
      %dma_wait3A_251 = tpu.memref_slice %arg6[%add3A_121, %dma_wait3A_250] : memref<8192x1024xf32, #tpu.memory_space<hbm>> -> memref<32x1024xf32, #tpu.memory_space<hbm>>
      tpu.wait_dma2 semaphore(%run_scoped3A : memref<!tpu.dma_semaphore, #tpu.memory_space<semaphore_mem>>) src(%arg9 : memref<32x1024xf32, #tpu.memory_space<vmem>>) dst(%dma_wait3A_251 : memref<32x1024xf32, #tpu.memory_space<hbm>>)
      tpu.yield
    }) : () -> ()
    %add3A_122 = arith.constant 32 : i32
    %add3A_123 = arith.addi %mul3A_2, %add3A_122 : i32
    "tpu.region"() ({
      %run_scoped3A = tpu.sem_alloc : memref<!tpu.dma_semaphore, #tpu.memory_space<semaphore_mem>>
      %dma_start3A_244 = arith.constant 0 : i32
      %dma_start3A_245 = tpu.memref_slice %arg4[%add3A_123, %dma_start3A_244] : memref<2048x1024xf32, #tpu.memory_space<hbm>> -> memref<32x1024xf32, #tpu.memory_space<hbm>>
      %dma_start3A_246 = arith.constant 0 : i32
      %dma_start3A_247 = tpu.memref_slice %arg4[%add3A_123, %dma_start3A_246] : memref<2048x1024xf32, #tpu.memory_space<hbm>> -> memref<32x1024xf32, #tpu.memory_space<hbm>>
      tpu.enqueue_dma source(%dma_start3A_247 : memref<32x1024xf32, #tpu.memory_space<hbm>>) target(%arg8 : memref<32x1024xf32, #tpu.memory_space<vmem>>) target_semaphore(%run_scoped3A : memref<!tpu.dma_semaphore, #tpu.memory_space<semaphore_mem>>)
      %dma_wait3A_248 = arith.constant 0 : i32
      %dma_wait3A_249 = tpu.memref_slice %arg4[%add3A_123, %dma_wait3A_248] : memref<2048x1024xf32, #tpu.memory_space<hbm>> -> memref<32x1024xf32, #tpu.memory_space<hbm>>
      %dma_wait3A_250 = arith.constant 0 : i32
      %dma_wait3A_251 = tpu.memref_slice %arg4[%add3A_123, %dma_wait3A_250] : memref<2048x1024xf32, #tpu.memory_space<hbm>> -> memref<32x1024xf32, #tpu.memory_space<hbm>>
      tpu.wait_dma2 semaphore(%run_scoped3A : memref<!tpu.dma_semaphore, #tpu.memory_space<semaphore_mem>>) src(%dma_wait3A_251 : memref<32x1024xf32, #tpu.memory_space<hbm>>) dst(%arg8 : memref<32x1024xf32, #tpu.memory_space<vmem>>)
      tpu.yield
    }) : () -> ()
    %add3A_124 = arith.constant 0 : i32
    %add3A_125 = arith.addi %add3A_124, %add3A_123 : i32
    "tpu.region"() ({
      %run_scoped3A = tpu.sem_alloc : memref<!tpu.dma_semaphore, #tpu.memory_space<semaphore_mem>>
      %dma_start3A_244 = tpu.memref_slice %arg3[%add3A_125] : memref<16384xi32, #tpu.memory_space<hbm>> -> memref<32xi32, #tpu.memory_space<hbm>>
      %dma_start3A_245 = tpu.memref_slice %arg3[%add3A_125] : memref<16384xi32, #tpu.memory_space<hbm>> -> memref<32xi32, #tpu.memory_space<hbm>>
      tpu.enqueue_dma source(%dma_start3A_245 : memref<32xi32, #tpu.memory_space<hbm>>) target(%arg7 : memref<32xi32, #tpu.memory_space<vmem>>) target_semaphore(%run_scoped3A : memref<!tpu.dma_semaphore, #tpu.memory_space<semaphore_mem>>)
      %dma_wait3A_246 = tpu.memref_slice %arg3[%add3A_125] : memref<16384xi32, #tpu.memory_space<hbm>> -> memref<32xi32, #tpu.memory_space<hbm>>
      %dma_wait3A_247 = tpu.memref_slice %arg3[%add3A_125] : memref<16384xi32, #tpu.memory_space<hbm>> -> memref<32xi32, #tpu.memory_space<hbm>>
      tpu.wait_dma2 semaphore(%run_scoped3A : memref<!tpu.dma_semaphore, #tpu.memory_space<semaphore_mem>>) src(%dma_wait3A_247 : memref<32xi32, #tpu.memory_space<hbm>>) dst(%arg7 : memref<32xi32, #tpu.memory_space<vmem>>)
      tpu.yield
    }) : () -> ()
    %dma_start3A_126 = arith.constant 0 : i32
    %dma_start3A_127 = arith.constant 0 : i32
    %dma_start3A_128 = tpu.memref_slice %arg2[%dma_start3A_126, %dma_start3A_127] : memref<100000x1024xf32, #tpu.memory_space<hbm>> -> memref<100000x1024xf32, #tpu.memory_space<hbm>>
    tpu.enqueue_indirect_dma source(%dma_start3A_128 : memref<100000x1024xf32, #tpu.memory_space<hbm>>) target(%arg9 : memref<32x1024xf32, #tpu.memory_space<vmem>>) offsets(%arg7 : memref<32xi32, #tpu.memory_space<vmem>>) semaphore(%arg10 : memref<!tpu.dma_semaphore, #tpu.memory_space<semaphore_mem>>)
    %dma_wait3A_129 = arith.constant 0 : i32
    %dma_wait3A_130 = arith.constant 0 : i32
    %dma_wait3A_131 = tpu.memref_slice %arg2[%dma_wait3A_129, %dma_wait3A_130] : memref<100000x1024xf32, #tpu.memory_space<hbm>> -> memref<100000x1024xf32, #tpu.memory_space<hbm>>
    tpu.wait_indirect_dma semaphore(%arg10 : memref<!tpu.dma_semaphore, #tpu.memory_space<semaphore_mem>>) src(%dma_wait3A_131 : memref<100000x1024xf32, #tpu.memory_space<hbm>>) dst(%arg9 : memref<32x1024xf32, #tpu.memory_space<vmem>>)
    %scan3A_132 = arith.constant 0 : i32
    %scan3A_133 = arith.constant 32 : i32
    %scan3A_134 = arith.addi %scan3A_132, %scan3A_133 : i32
    %scan3A_135 = arith.constant 1 : i32
    scf.for %scan3A_244 = %scan3A_132 to %scan3A_134 step %scan3A_135  : i32 {
      %mul3A_245 = arith.constant 1 : i32
      %mul3A_246 = arith.muli %scan3A_244, %mul3A_245 : i32
      %add3A_247 = arith.constant 0 : i32
      %add3A_248 = arith.addi %add3A_247, %mul3A_246 : i32
      %scan3A_249 = arith.constant 0 : i32
      %scan3A_250 = arith.constant 64 : i32
      %scan3A_251 = arith.addi %scan3A_249, %scan3A_250 : i32
      %scan3A_252 = arith.constant 1 : i32
      scf.for %scan3A_254 = %scan3A_249 to %scan3A_251 step %scan3A_252  : i32 {
        %mul3A_255 = arith.constant 16 : i32
        %mul3A_256 = arith.muli %scan3A_254, %mul3A_255 : i32
        %add3A_257 = arith.constant 0 : i32
        %add3A_258 = arith.addi %add3A_257, %mul3A_256 : i32
        %get3A = arith.index_cast %add3A_248 : i32 to index
        %get3A_259 = arith.index_cast %add3A_258 : i32 to index
        %get3A_260 = tpu.vector_load %arg9[%get3A, %get3A_259] {strides = array<i32>} : memref<32x1024xf32, #tpu.memory_space<vmem>>, vector<1x16xf32>,
        %get3A_261 = vector.shape_cast %get3A_260 : vector<1x16xf32> to vector<1x16xf32>
        %get3A_262 = arith.index_cast %add3A_248 : i32 to index
        %get3A_263 = arith.index_cast %add3A_258 : i32 to index
        %get3A_264 = tpu.vector_load %arg8[%get3A_262, %get3A_263] {strides = array<i32>} : memref<32x1024xf32, #tpu.memory_space<vmem>>, vector<1x16xf32>,
        %get3A_265 = vector.shape_cast %get3A_264 : vector<1x16xf32> to vector<1x16xf32>
        %add3A_266 = arith.addf %get3A_261, %get3A_265 : vector<1x16xf32>
        %swap3A = arith.index_cast %add3A_248 : i32 to index
        %swap3A_267 = arith.index_cast %add3A_258 : i32 to index
        %swap3A_268 = tpu.vector_load %arg9[%swap3A, %swap3A_267] {strides = array<i32>} : memref<32x1024xf32, #tpu.memory_space<vmem>>, vector<1x16xf32>,
        %swap3A_269 = vector.shape_cast %swap3A_268 : vector<1x16xf32> to vector<1x16xf32>
        %swap3A_270 = vector.shape_cast %add3A_266 : vector<1x16xf32> to vector<1x16xf32>
        tpu.vector_store %arg9[%swap3A, %swap3A_267], %swap3A_270 {strides = array<i32>} : memref<32x1024xf32, #tpu.memory_space<vmem>>, vector<1x16xf32>,
      }
      %scan3A_253 = arith.constant 64 : i32
    }
    %scan3A_136 = arith.constant 32 : i32
    %add3A_137 = arith.constant 0 : i32
    %add3A_138 = arith.addi %add3A_137, %add3A_123 : i32
    "tpu.region"() ({
      %run_scoped3A = tpu.sem_alloc : memref<!tpu.dma_semaphore, #tpu.memory_space<semaphore_mem>>
      %dma_start3A_244 = arith.constant 0 : i32
      %dma_start3A_245 = tpu.memref_slice %arg5[%add3A_138, %dma_start3A_244] : memref<8192x1024xf32, #tpu.memory_space<hbm>> -> memref<32x1024xf32, #tpu.memory_space<hbm>>
      %dma_start3A_246 = arith.constant 0 : i32
      %dma_start3A_247 = tpu.memref_slice %arg5[%add3A_138, %dma_start3A_246] : memref<8192x1024xf32, #tpu.memory_space<hbm>> -> memref<32x1024xf32, #tpu.memory_space<hbm>>
      tpu.enqueue_dma source(%arg9 : memref<32x1024xf32, #tpu.memory_space<vmem>>) target(%dma_start3A_247 : memref<32x1024xf32, #tpu.memory_space<hbm>>) target_semaphore(%run_scoped3A : memref<!tpu.dma_semaphore, #tpu.memory_space<semaphore_mem>>)
      %dma_wait3A_248 = arith.constant 0 : i32
      %dma_wait3A_249 = tpu.memref_slice %arg5[%add3A_138, %dma_wait3A_248] : memref<8192x1024xf32, #tpu.memory_space<hbm>> -> memref<32x1024xf32, #tpu.memory_space<hbm>>
      %dma_wait3A_250 = arith.constant 0 : i32
      %dma_wait3A_251 = tpu.memref_slice %arg5[%add3A_138, %dma_wait3A_250] : memref<8192x1024xf32, #tpu.memory_space<hbm>> -> memref<32x1024xf32, #tpu.memory_space<hbm>>
      tpu.wait_dma2 semaphore(%run_scoped3A : memref<!tpu.dma_semaphore, #tpu.memory_space<semaphore_mem>>) src(%arg9 : memref<32x1024xf32, #tpu.memory_space<vmem>>) dst(%dma_wait3A_251 : memref<32x1024xf32, #tpu.memory_space<hbm>>)
      tpu.yield
    }) : () -> ()
    %add3A_139 = arith.constant 2048 : i32
    %add3A_140 = arith.addi %add3A_139, %add3A_123 : i32
    "tpu.region"() ({
      %run_scoped3A = tpu.sem_alloc : memref<!tpu.dma_semaphore, #tpu.memory_space<semaphore_mem>>
      %dma_start3A_244 = tpu.memref_slice %arg3[%add3A_140] : memref<16384xi32, #tpu.memory_space<hbm>> -> memref<32xi32, #tpu.memory_space<hbm>>
      %dma_start3A_245 = tpu.memref_slice %arg3[%add3A_140] : memref<16384xi32, #tpu.memory_space<hbm>> -> memref<32xi32, #tpu.memory_space<hbm>>
      tpu.enqueue_dma source(%dma_start3A_245 : memref<32xi32, #tpu.memory_space<hbm>>) target(%arg7 : memref<32xi32, #tpu.memory_space<vmem>>) target_semaphore(%run_scoped3A : memref<!tpu.dma_semaphore, #tpu.memory_space<semaphore_mem>>)
      %dma_wait3A_246 = tpu.memref_slice %arg3[%add3A_140] : memref<16384xi32, #tpu.memory_space<hbm>> -> memref<32xi32, #tpu.memory_space<hbm>>
      %dma_wait3A_247 = tpu.memref_slice %arg3[%add3A_140] : memref<16384xi32, #tpu.memory_space<hbm>> -> memref<32xi32, #tpu.memory_space<hbm>>
      tpu.wait_dma2 semaphore(%run_scoped3A : memref<!tpu.dma_semaphore, #tpu.memory_space<semaphore_mem>>) src(%dma_wait3A_247 : memref<32xi32, #tpu.memory_space<hbm>>) dst(%arg7 : memref<32xi32, #tpu.memory_space<vmem>>)
      tpu.yield
    }) : () -> ()
    %dma_start3A_141 = arith.constant 0 : i32
    %dma_start3A_142 = arith.constant 0 : i32
    %dma_start3A_143 = tpu.memref_slice %arg2[%dma_start3A_141, %dma_start3A_142] : memref<100000x1024xf32, #tpu.memory_space<hbm>> -> memref<100000x1024xf32, #tpu.memory_space<hbm>>
    tpu.enqueue_indirect_dma source(%dma_start3A_143 : memref<100000x1024xf32, #tpu.memory_space<hbm>>) target(%arg9 : memref<32x1024xf32, #tpu.memory_space<vmem>>) offsets(%arg7 : memref<32xi32, #tpu.memory_space<vmem>>) semaphore(%arg10 : memref<!tpu.dma_semaphore, #tpu.memory_space<semaphore_mem>>)
    %dma_wait3A_144 = arith.constant 0 : i32
    %dma_wait3A_145 = arith.constant 0 : i32
    %dma_wait3A_146 = tpu.memref_slice %arg2[%dma_wait3A_144, %dma_wait3A_145] : memref<100000x1024xf32, #tpu.memory_space<hbm>> -> memref<100000x1024xf32, #tpu.memory_space<hbm>>
    tpu.wait_indirect_dma semaphore(%arg10 : memref<!tpu.dma_semaphore, #tpu.memory_space<semaphore_mem>>) src(%dma_wait3A_146 : memref<100000x1024xf32, #tpu.memory_space<hbm>>) dst(%arg9 : memref<32x1024xf32, #tpu.memory_space<vmem>>)
    %scan3A_147 = arith.constant 0 : i32
    %scan3A_148 = arith.constant 32 : i32
    %scan3A_149 = arith.addi %scan3A_147, %scan3A_148 : i32
    %scan3A_150 = arith.constant 1 : i32
    scf.for %scan3A_244 = %scan3A_147 to %scan3A_149 step %scan3A_150  : i32 {
      %mul3A_245 = arith.constant 1 : i32
      %mul3A_246 = arith.muli %scan3A_244, %mul3A_245 : i32
      %add3A_247 = arith.constant 0 : i32
      %add3A_248 = arith.addi %add3A_247, %mul3A_246 : i32
      %scan3A_249 = arith.constant 0 : i32
      %scan3A_250 = arith.constant 64 : i32
      %scan3A_251 = arith.addi %scan3A_249, %scan3A_250 : i32
      %scan3A_252 = arith.constant 1 : i32
      scf.for %scan3A_254 = %scan3A_249 to %scan3A_251 step %scan3A_252  : i32 {
        %mul3A_255 = arith.constant 16 : i32
        %mul3A_256 = arith.muli %scan3A_254, %mul3A_255 : i32
        %add3A_257 = arith.constant 0 : i32
        %add3A_258 = arith.addi %add3A_257, %mul3A_256 : i32
        %get3A = arith.index_cast %add3A_248 : i32 to index
        %get3A_259 = arith.index_cast %add3A_258 : i32 to index
        %get3A_260 = tpu.vector_load %arg9[%get3A, %get3A_259] {strides = array<i32>} : memref<32x1024xf32, #tpu.memory_space<vmem>>, vector<1x16xf32>,
        %get3A_261 = vector.shape_cast %get3A_260 : vector<1x16xf32> to vector<1x16xf32>
        %get3A_262 = arith.index_cast %add3A_248 : i32 to index
        %get3A_263 = arith.index_cast %add3A_258 : i32 to index
        %get3A_264 = tpu.vector_load %arg8[%get3A_262, %get3A_263] {strides = array<i32>} : memref<32x1024xf32, #tpu.memory_space<vmem>>, vector<1x16xf32>,
        %get3A_265 = vector.shape_cast %get3A_264 : vector<1x16xf32> to vector<1x16xf32>
        %add3A_266 = arith.addf %get3A_261, %get3A_265 : vector<1x16xf32>
        %swap3A = arith.index_cast %add3A_248 : i32 to index
        %swap3A_267 = arith.index_cast %add3A_258 : i32 to index
        %swap3A_268 = tpu.vector_load %arg9[%swap3A, %swap3A_267] {strides = array<i32>} : memref<32x1024xf32, #tpu.memory_space<vmem>>, vector<1x16xf32>,
        %swap3A_269 = vector.shape_cast %swap3A_268 : vector<1x16xf32> to vector<1x16xf32>
        %swap3A_270 = vector.shape_cast %add3A_266 : vector<1x16xf32> to vector<1x16xf32>
        tpu.vector_store %arg9[%swap3A, %swap3A_267], %swap3A_270 {strides = array<i32>} : memref<32x1024xf32, #tpu.memory_space<vmem>>, vector<1x16xf32>,
      }
      %scan3A_253 = arith.constant 64 : i32
    }
    %scan3A_151 = arith.constant 32 : i32
    %add3A_152 = arith.constant 2048 : i32
    %add3A_153 = arith.addi %add3A_152, %add3A_123 : i32
    "tpu.region"() ({
      %run_scoped3A = tpu.sem_alloc : memref<!tpu.dma_semaphore, #tpu.memory_space<semaphore_mem>>
      %dma_start3A_244 = arith.constant 0 : i32
      %dma_start3A_245 = tpu.memref_slice %arg5[%add3A_153, %dma_start3A_244] : memref<8192x1024xf32, #tpu.memory_space<hbm>> -> memref<32x1024xf32, #tpu.memory_space<hbm>>
      %dma_start3A_246 = arith.constant 0 : i32
      %dma_start3A_247 = tpu.memref_slice %arg5[%add3A_153, %dma_start3A_246] : memref<8192x1024xf32, #tpu.memory_space<hbm>> -> memref<32x1024xf32, #tpu.memory_space<hbm>>
      tpu.enqueue_dma source(%arg9 : memref<32x1024xf32, #tpu.memory_space<vmem>>) target(%dma_start3A_247 : memref<32x1024xf32, #tpu.memory_space<hbm>>) target_semaphore(%run_scoped3A : memref<!tpu.dma_semaphore, #tpu.memory_space<semaphore_mem>>)
      %dma_wait3A_248 = arith.constant 0 : i32
      %dma_wait3A_249 = tpu.memref_slice %arg5[%add3A_153, %dma_wait3A_248] : memref<8192x1024xf32, #tpu.memory_space<hbm>> -> memref<32x1024xf32, #tpu.memory_space<hbm>>
      %dma_wait3A_250 = arith.constant 0 : i32
      %dma_wait3A_251 = tpu.memref_slice %arg5[%add3A_153, %dma_wait3A_250] : memref<8192x1024xf32, #tpu.memory_space<hbm>> -> memref<32x1024xf32, #tpu.memory_space<hbm>>
      tpu.wait_dma2 semaphore(%run_scoped3A : memref<!tpu.dma_semaphore, #tpu.memory_space<semaphore_mem>>) src(%arg9 : memref<32x1024xf32, #tpu.memory_space<vmem>>) dst(%dma_wait3A_251 : memref<32x1024xf32, #tpu.memory_space<hbm>>)
      tpu.yield
    }) : () -> ()
    %add3A_154 = arith.constant 4096 : i32
    %add3A_155 = arith.addi %add3A_154, %add3A_123 : i32
    "tpu.region"() ({
      %run_scoped3A = tpu.sem_alloc : memref<!tpu.dma_semaphore, #tpu.memory_space<semaphore_mem>>
      %dma_start3A_244 = tpu.memref_slice %arg3[%add3A_155] : memref<16384xi32, #tpu.memory_space<hbm>> -> memref<32xi32, #tpu.memory_space<hbm>>
      %dma_start3A_245 = tpu.memref_slice %arg3[%add3A_155] : memref<16384xi32, #tpu.memory_space<hbm>> -> memref<32xi32, #tpu.memory_space<hbm>>
      tpu.enqueue_dma source(%dma_start3A_245 : memref<32xi32, #tpu.memory_space<hbm>>) target(%arg7 : memref<32xi32, #tpu.memory_space<vmem>>) target_semaphore(%run_scoped3A : memref<!tpu.dma_semaphore, #tpu.memory_space<semaphore_mem>>)
      %dma_wait3A_246 = tpu.memref_slice %arg3[%add3A_155] : memref<16384xi32, #tpu.memory_space<hbm>> -> memref<32xi32, #tpu.memory_space<hbm>>
      %dma_wait3A_247 = tpu.memref_slice %arg3[%add3A_155] : memref<16384xi32, #tpu.memory_space<hbm>> -> memref<32xi32, #tpu.memory_space<hbm>>
      tpu.wait_dma2 semaphore(%run_scoped3A : memref<!tpu.dma_semaphore, #tpu.memory_space<semaphore_mem>>) src(%dma_wait3A_247 : memref<32xi32, #tpu.memory_space<hbm>>) dst(%arg7 : memref<32xi32, #tpu.memory_space<vmem>>)
      tpu.yield
    }) : () -> ()
    %dma_start3A_156 = arith.constant 0 : i32
    %dma_start3A_157 = arith.constant 0 : i32
    %dma_start3A_158 = tpu.memref_slice %arg2[%dma_start3A_156, %dma_start3A_157] : memref<100000x1024xf32, #tpu.memory_space<hbm>> -> memref<100000x1024xf32, #tpu.memory_space<hbm>>
    tpu.enqueue_indirect_dma source(%dma_start3A_158 : memref<100000x1024xf32, #tpu.memory_space<hbm>>) target(%arg9 : memref<32x1024xf32, #tpu.memory_space<vmem>>) offsets(%arg7 : memref<32xi32, #tpu.memory_space<vmem>>) semaphore(%arg10 : memref<!tpu.dma_semaphore, #tpu.memory_space<semaphore_mem>>)
    %dma_wait3A_159 = arith.constant 0 : i32
    %dma_wait3A_160 = arith.constant 0 : i32
    %dma_wait3A_161 = tpu.memref_slice %arg2[%dma_wait3A_159, %dma_wait3A_160] : memref<100000x1024xf32, #tpu.memory_space<hbm>> -> memref<100000x1024xf32, #tpu.memory_space<hbm>>
    tpu.wait_indirect_dma semaphore(%arg10 : memref<!tpu.dma_semaphore, #tpu.memory_space<semaphore_mem>>) src(%dma_wait3A_161 : memref<100000x1024xf32, #tpu.memory_space<hbm>>) dst(%arg9 : memref<32x1024xf32, #tpu.memory_space<vmem>>)
    %scan3A_162 = arith.constant 0 : i32
    %scan3A_163 = arith.constant 32 : i32
    %scan3A_164 = arith.addi %scan3A_162, %scan3A_163 : i32
    %scan3A_165 = arith.constant 1 : i32
    scf.for %scan3A_244 = %scan3A_162 to %scan3A_164 step %scan3A_165  : i32 {
      %mul3A_245 = arith.constant 1 : i32
      %mul3A_246 = arith.muli %scan3A_244, %mul3A_245 : i32
      %add3A_247 = arith.constant 0 : i32
      %add3A_248 = arith.addi %add3A_247, %mul3A_246 : i32
      %scan3A_249 = arith.constant 0 : i32
      %scan3A_250 = arith.constant 64 : i32
      %scan3A_251 = arith.addi %scan3A_249, %scan3A_250 : i32
      %scan3A_252 = arith.constant 1 : i32
      scf.for %scan3A_254 = %scan3A_249 to %scan3A_251 step %scan3A_252  : i32 {
        %mul3A_255 = arith.constant 16 : i32
        %mul3A_256 = arith.muli %scan3A_254, %mul3A_255 : i32
        %add3A_257 = arith.constant 0 : i32
        %add3A_258 = arith.addi %add3A_257, %mul3A_256 : i32
        %get3A = arith.index_cast %add3A_248 : i32 to index
        %get3A_259 = arith.index_cast %add3A_258 : i32 to index
        %get3A_260 = tpu.vector_load %arg9[%get3A, %get3A_259] {strides = array<i32>} : memref<32x1024xf32, #tpu.memory_space<vmem>>, vector<1x16xf32>,
        %get3A_261 = vector.shape_cast %get3A_260 : vector<1x16xf32> to vector<1x16xf32>
        %get3A_262 = arith.index_cast %add3A_248 : i32 to index
        %get3A_263 = arith.index_cast %add3A_258 : i32 to index
        %get3A_264 = tpu.vector_load %arg8[%get3A_262, %get3A_263] {strides = array<i32>} : memref<32x1024xf32, #tpu.memory_space<vmem>>, vector<1x16xf32>,
        %get3A_265 = vector.shape_cast %get3A_264 : vector<1x16xf32> to vector<1x16xf32>
        %add3A_266 = arith.addf %get3A_261, %get3A_265 : vector<1x16xf32>
        %swap3A = arith.index_cast %add3A_248 : i32 to index
        %swap3A_267 = arith.index_cast %add3A_258 : i32 to index
        %swap3A_268 = tpu.vector_load %arg9[%swap3A, %swap3A_267] {strides = array<i32>} : memref<32x1024xf32, #tpu.memory_space<vmem>>, vector<1x16xf32>,
        %swap3A_269 = vector.shape_cast %swap3A_268 : vector<1x16xf32> to vector<1x16xf32>
        %swap3A_270 = vector.shape_cast %add3A_266 : vector<1x16xf32> to vector<1x16xf32>
        tpu.vector_store %arg9[%swap3A, %swap3A_267], %swap3A_270 {strides = array<i32>} : memref<32x1024xf32, #tpu.memory_space<vmem>>, vector<1x16xf32>,
      }
      %scan3A_253 = arith.constant 64 : i32
    }
    %scan3A_166 = arith.constant 32 : i32
    %add3A_167 = arith.constant 4096 : i32
    %add3A_168 = arith.addi %add3A_167, %add3A_123 : i32
    "tpu.region"() ({
      %run_scoped3A = tpu.sem_alloc : memref<!tpu.dma_semaphore, #tpu.memory_space<semaphore_mem>>
      %dma_start3A_244 = arith.constant 0 : i32
      %dma_start3A_245 = tpu.memref_slice %arg5[%add3A_168, %dma_start3A_244] : memref<8192x1024xf32, #tpu.memory_space<hbm>> -> memref<32x1024xf32, #tpu.memory_space<hbm>>
      %dma_start3A_246 = arith.constant 0 : i32
      %dma_start3A_247 = tpu.memref_slice %arg5[%add3A_168, %dma_start3A_246] : memref<8192x1024xf32, #tpu.memory_space<hbm>> -> memref<32x1024xf32, #tpu.memory_space<hbm>>
      tpu.enqueue_dma source(%arg9 : memref<32x1024xf32, #tpu.memory_space<vmem>>) target(%dma_start3A_247 : memref<32x1024xf32, #tpu.memory_space<hbm>>) target_semaphore(%run_scoped3A : memref<!tpu.dma_semaphore, #tpu.memory_space<semaphore_mem>>)
      %dma_wait3A_248 = arith.constant 0 : i32
      %dma_wait3A_249 = tpu.memref_slice %arg5[%add3A_168, %dma_wait3A_248] : memref<8192x1024xf32, #tpu.memory_space<hbm>> -> memref<32x1024xf32, #tpu.memory_space<hbm>>
      %dma_wait3A_250 = arith.constant 0 : i32
      %dma_wait3A_251 = tpu.memref_slice %arg5[%add3A_168, %dma_wait3A_250] : memref<8192x1024xf32, #tpu.memory_space<hbm>> -> memref<32x1024xf32, #tpu.memory_space<hbm>>
      tpu.wait_dma2 semaphore(%run_scoped3A : memref<!tpu.dma_semaphore, #tpu.memory_space<semaphore_mem>>) src(%arg9 : memref<32x1024xf32, #tpu.memory_space<vmem>>) dst(%dma_wait3A_251 : memref<32x1024xf32, #tpu.memory_space<hbm>>)
      tpu.yield
    }) : () -> ()
    %add3A_169 = arith.constant 6144 : i32
    %add3A_170 = arith.addi %add3A_169, %add3A_123 : i32
    "tpu.region"() ({
      %run_scoped3A = tpu.sem_alloc : memref<!tpu.dma_semaphore, #tpu.memory_space<semaphore_mem>>
      %dma_start3A_244 = tpu.memref_slice %arg3[%add3A_170] : memref<16384xi32, #tpu.memory_space<hbm>> -> memref<32xi32, #tpu.memory_space<hbm>>
      %dma_start3A_245 = tpu.memref_slice %arg3[%add3A_170] : memref<16384xi32, #tpu.memory_space<hbm>> -> memref<32xi32, #tpu.memory_space<hbm>>
      tpu.enqueue_dma source(%dma_start3A_245 : memref<32xi32, #tpu.memory_space<hbm>>) target(%arg7 : memref<32xi32, #tpu.memory_space<vmem>>) target_semaphore(%run_scoped3A : memref<!tpu.dma_semaphore, #tpu.memory_space<semaphore_mem>>)
      %dma_wait3A_246 = tpu.memref_slice %arg3[%add3A_170] : memref<16384xi32, #tpu.memory_space<hbm>> -> memref<32xi32, #tpu.memory_space<hbm>>
      %dma_wait3A_247 = tpu.memref_slice %arg3[%add3A_170] : memref<16384xi32, #tpu.memory_space<hbm>> -> memref<32xi32, #tpu.memory_space<hbm>>
      tpu.wait_dma2 semaphore(%run_scoped3A : memref<!tpu.dma_semaphore, #tpu.memory_space<semaphore_mem>>) src(%dma_wait3A_247 : memref<32xi32, #tpu.memory_space<hbm>>) dst(%arg7 : memref<32xi32, #tpu.memory_space<vmem>>)
      tpu.yield
    }) : () -> ()
    %dma_start3A_171 = arith.constant 0 : i32
    %dma_start3A_172 = arith.constant 0 : i32
    %dma_start3A_173 = tpu.memref_slice %arg2[%dma_start3A_171, %dma_start3A_172] : memref<100000x1024xf32, #tpu.memory_space<hbm>> -> memref<100000x1024xf32, #tpu.memory_space<hbm>>
    tpu.enqueue_indirect_dma source(%dma_start3A_173 : memref<100000x1024xf32, #tpu.memory_space<hbm>>) target(%arg9 : memref<32x1024xf32, #tpu.memory_space<vmem>>) offsets(%arg7 : memref<32xi32, #tpu.memory_space<vmem>>) semaphore(%arg10 : memref<!tpu.dma_semaphore, #tpu.memory_space<semaphore_mem>>)
    %dma_wait3A_174 = arith.constant 0 : i32
    %dma_wait3A_175 = arith.constant 0 : i32
    %dma_wait3A_176 = tpu.memref_slice %arg2[%dma_wait3A_174, %dma_wait3A_175] : memref<100000x1024xf32, #tpu.memory_space<hbm>> -> memref<100000x1024xf32, #tpu.memory_space<hbm>>
    tpu.wait_indirect_dma semaphore(%arg10 : memref<!tpu.dma_semaphore, #tpu.memory_space<semaphore_mem>>) src(%dma_wait3A_176 : memref<100000x1024xf32, #tpu.memory_space<hbm>>) dst(%arg9 : memref<32x1024xf32, #tpu.memory_space<vmem>>)
    %scan3A_177 = arith.constant 0 : i32
    %scan3A_178 = arith.constant 32 : i32
    %scan3A_179 = arith.addi %scan3A_177, %scan3A_178 : i32
    %scan3A_180 = arith.constant 1 : i32
    scf.for %scan3A_244 = %scan3A_177 to %scan3A_179 step %scan3A_180  : i32 {
      %mul3A_245 = arith.constant 1 : i32
      %mul3A_246 = arith.muli %scan3A_244, %mul3A_245 : i32
      %add3A_247 = arith.constant 0 : i32
      %add3A_248 = arith.addi %add3A_247, %mul3A_246 : i32
      %scan3A_249 = arith.constant 0 : i32
      %scan3A_250 = arith.constant 64 : i32
      %scan3A_251 = arith.addi %scan3A_249, %scan3A_250 : i32
      %scan3A_252 = arith.constant 1 : i32
      scf.for %scan3A_254 = %scan3A_249 to %scan3A_251 step %scan3A_252  : i32 {
        %mul3A_255 = arith.constant 16 : i32
        %mul3A_256 = arith.muli %scan3A_254, %mul3A_255 : i32
        %add3A_257 = arith.constant 0 : i32
        %add3A_258 = arith.addi %add3A_257, %mul3A_256 : i32
        %get3A = arith.index_cast %add3A_248 : i32 to index
        %get3A_259 = arith.index_cast %add3A_258 : i32 to index
        %get3A_260 = tpu.vector_load %arg9[%get3A, %get3A_259] {strides = array<i32>} : memref<32x1024xf32, #tpu.memory_space<vmem>>, vector<1x16xf32>,
        %get3A_261 = vector.shape_cast %get3A_260 : vector<1x16xf32> to vector<1x16xf32>
        %get3A_262 = arith.index_cast %add3A_248 : i32 to index
        %get3A_263 = arith.index_cast %add3A_258 : i32 to index
        %get3A_264 = tpu.vector_load %arg8[%get3A_262, %get3A_263] {strides = array<i32>} : memref<32x1024xf32, #tpu.memory_space<vmem>>, vector<1x16xf32>,
        %get3A_265 = vector.shape_cast %get3A_264 : vector<1x16xf32> to vector<1x16xf32>
        %add3A_266 = arith.addf %get3A_261, %get3A_265 : vector<1x16xf32>
        %swap3A = arith.index_cast %add3A_248 : i32 to index
        %swap3A_267 = arith.index_cast %add3A_258 : i32 to index
        %swap3A_268 = tpu.vector_load %arg9[%swap3A, %swap3A_267] {strides = array<i32>} : memref<32x1024xf32, #tpu.memory_space<vmem>>, vector<1x16xf32>,
        %swap3A_269 = vector.shape_cast %swap3A_268 : vector<1x16xf32> to vector<1x16xf32>
        %swap3A_270 = vector.shape_cast %add3A_266 : vector<1x16xf32> to vector<1x16xf32>
        tpu.vector_store %arg9[%swap3A, %swap3A_267], %swap3A_270 {strides = array<i32>} : memref<32x1024xf32, #tpu.memory_space<vmem>>, vector<1x16xf32>,
      }
      %scan3A_253 = arith.constant 64 : i32
    }
    %scan3A_181 = arith.constant 32 : i32
    %add3A_182 = arith.constant 6144 : i32
    %add3A_183 = arith.addi %add3A_182, %add3A_123 : i32
    "tpu.region"() ({
      %run_scoped3A = tpu.sem_alloc : memref<!tpu.dma_semaphore, #tpu.memory_space<semaphore_mem>>
      %dma_start3A_244 = arith.constant 0 : i32
      %dma_start3A_245 = tpu.memref_slice %arg5[%add3A_183, %dma_start3A_244] : memref<8192x1024xf32, #tpu.memory_space<hbm>> -> memref<32x1024xf32, #tpu.memory_space<hbm>>
      %dma_start3A_246 = arith.constant 0 : i32
      %dma_start3A_247 = tpu.memref_slice %arg5[%add3A_183, %dma_start3A_246] : memref<8192x1024xf32, #tpu.memory_space<hbm>> -> memref<32x1024xf32, #tpu.memory_space<hbm>>
      tpu.enqueue_dma source(%arg9 : memref<32x1024xf32, #tpu.memory_space<vmem>>) target(%dma_start3A_247 : memref<32x1024xf32, #tpu.memory_space<hbm>>) target_semaphore(%run_scoped3A : memref<!tpu.dma_semaphore, #tpu.memory_space<semaphore_mem>>)
      %dma_wait3A_248 = arith.constant 0 : i32
      %dma_wait3A_249 = tpu.memref_slice %arg5[%add3A_183, %dma_wait3A_248] : memref<8192x1024xf32, #tpu.memory_space<hbm>> -> memref<32x1024xf32, #tpu.memory_space<hbm>>
      %dma_wait3A_250 = arith.constant 0 : i32
      %dma_wait3A_251 = tpu.memref_slice %arg5[%add3A_183, %dma_wait3A_250] : memref<8192x1024xf32, #tpu.memory_space<hbm>> -> memref<32x1024xf32, #tpu.memory_space<hbm>>
      tpu.wait_dma2 semaphore(%run_scoped3A : memref<!tpu.dma_semaphore, #tpu.memory_space<semaphore_mem>>) src(%arg9 : memref<32x1024xf32, #tpu.memory_space<vmem>>) dst(%dma_wait3A_251 : memref<32x1024xf32, #tpu.memory_space<hbm>>)
      tpu.yield
    }) : () -> ()
    %add3A_184 = arith.constant 8192 : i32
    %add3A_185 = arith.addi %add3A_184, %add3A_123 : i32
    "tpu.region"() ({
      %run_scoped3A = tpu.sem_alloc : memref<!tpu.dma_semaphore, #tpu.memory_space<semaphore_mem>>
      %dma_start3A_244 = tpu.memref_slice %arg3[%add3A_185] : memref<16384xi32, #tpu.memory_space<hbm>> -> memref<32xi32, #tpu.memory_space<hbm>>
      %dma_start3A_245 = tpu.memref_slice %arg3[%add3A_185] : memref<16384xi32, #tpu.memory_space<hbm>> -> memref<32xi32, #tpu.memory_space<hbm>>
      tpu.enqueue_dma source(%dma_start3A_245 : memref<32xi32, #tpu.memory_space<hbm>>) target(%arg7 : memref<32xi32, #tpu.memory_space<vmem>>) target_semaphore(%run_scoped3A : memref<!tpu.dma_semaphore, #tpu.memory_space<semaphore_mem>>)
      %dma_wait3A_246 = tpu.memref_slice %arg3[%add3A_185] : memref<16384xi32, #tpu.memory_space<hbm>> -> memref<32xi32, #tpu.memory_space<hbm>>
      %dma_wait3A_247 = tpu.memref_slice %arg3[%add3A_185] : memref<16384xi32, #tpu.memory_space<hbm>> -> memref<32xi32, #tpu.memory_space<hbm>>
      tpu.wait_dma2 semaphore(%run_scoped3A : memref<!tpu.dma_semaphore, #tpu.memory_space<semaphore_mem>>) src(%dma_wait3A_247 : memref<32xi32, #tpu.memory_space<hbm>>) dst(%arg7 : memref<32xi32, #tpu.memory_space<vmem>>)
      tpu.yield
    }) : () -> ()
    %dma_start3A_186 = arith.constant 0 : i32
    %dma_start3A_187 = arith.constant 0 : i32
    %dma_start3A_188 = tpu.memref_slice %arg2[%dma_start3A_186, %dma_start3A_187] : memref<100000x1024xf32, #tpu.memory_space<hbm>> -> memref<100000x1024xf32, #tpu.memory_space<hbm>>
    tpu.enqueue_indirect_dma source(%dma_start3A_188 : memref<100000x1024xf32, #tpu.memory_space<hbm>>) target(%arg9 : memref<32x1024xf32, #tpu.memory_space<vmem>>) offsets(%arg7 : memref<32xi32, #tpu.memory_space<vmem>>) semaphore(%arg10 : memref<!tpu.dma_semaphore, #tpu.memory_space<semaphore_mem>>)
    %dma_wait3A_189 = arith.constant 0 : i32
    %dma_wait3A_190 = arith.constant 0 : i32
    %dma_wait3A_191 = tpu.memref_slice %arg2[%dma_wait3A_189, %dma_wait3A_190] : memref<100000x1024xf32, #tpu.memory_space<hbm>> -> memref<100000x1024xf32, #tpu.memory_space<hbm>>
    tpu.wait_indirect_dma semaphore(%arg10 : memref<!tpu.dma_semaphore, #tpu.memory_space<semaphore_mem>>) src(%dma_wait3A_191 : memref<100000x1024xf32, #tpu.memory_space<hbm>>) dst(%arg9 : memref<32x1024xf32, #tpu.memory_space<vmem>>)
    %scan3A_192 = arith.constant 0 : i32
    %scan3A_193 = arith.constant 32 : i32
    %scan3A_194 = arith.addi %scan3A_192, %scan3A_193 : i32
    %scan3A_195 = arith.constant 1 : i32
    scf.for %scan3A_244 = %scan3A_192 to %scan3A_194 step %scan3A_195  : i32 {
      %mul3A_245 = arith.constant 1 : i32
      %mul3A_246 = arith.muli %scan3A_244, %mul3A_245 : i32
      %add3A_247 = arith.constant 0 : i32
      %add3A_248 = arith.addi %add3A_247, %mul3A_246 : i32
      %scan3A_249 = arith.constant 0 : i32
      %scan3A_250 = arith.constant 64 : i32
      %scan3A_251 = arith.addi %scan3A_249, %scan3A_250 : i32
      %scan3A_252 = arith.constant 1 : i32
      scf.for %scan3A_254 = %scan3A_249 to %scan3A_251 step %scan3A_252  : i32 {
        %mul3A_255 = arith.constant 16 : i32
        %mul3A_256 = arith.muli %scan3A_254, %mul3A_255 : i32
        %add3A_257 = arith.constant 0 : i32
        %add3A_258 = arith.addi %add3A_257, %mul3A_256 : i32
        %get3A = arith.index_cast %add3A_248 : i32 to index
        %get3A_259 = arith.index_cast %add3A_258 : i32 to index
        %get3A_260 = tpu.vector_load %arg9[%get3A, %get3A_259] {strides = array<i32>} : memref<32x1024xf32, #tpu.memory_space<vmem>>, vector<1x16xf32>,
        %get3A_261 = vector.shape_cast %get3A_260 : vector<1x16xf32> to vector<1x16xf32>
        %get3A_262 = arith.index_cast %add3A_248 : i32 to index
        %get3A_263 = arith.index_cast %add3A_258 : i32 to index
        %get3A_264 = tpu.vector_load %arg8[%get3A_262, %get3A_263] {strides = array<i32>} : memref<32x1024xf32, #tpu.memory_space<vmem>>, vector<1x16xf32>,
        %get3A_265 = vector.shape_cast %get3A_264 : vector<1x16xf32> to vector<1x16xf32>
        %add3A_266 = arith.addf %get3A_261, %get3A_265 : vector<1x16xf32>
        %swap3A = arith.index_cast %add3A_248 : i32 to index
        %swap3A_267 = arith.index_cast %add3A_258 : i32 to index
        %swap3A_268 = tpu.vector_load %arg9[%swap3A, %swap3A_267] {strides = array<i32>} : memref<32x1024xf32, #tpu.memory_space<vmem>>, vector<1x16xf32>,
        %swap3A_269 = vector.shape_cast %swap3A_268 : vector<1x16xf32> to vector<1x16xf32>
        %swap3A_270 = vector.shape_cast %add3A_266 : vector<1x16xf32> to vector<1x16xf32>
        tpu.vector_store %arg9[%swap3A, %swap3A_267], %swap3A_270 {strides = array<i32>} : memref<32x1024xf32, #tpu.memory_space<vmem>>, vector<1x16xf32>,
      }
      %scan3A_253 = arith.constant 64 : i32
    }
    %scan3A_196 = arith.constant 32 : i32
    %add3A_197 = arith.constant 0 : i32
    %add3A_198 = arith.addi %add3A_197, %add3A_123 : i32
    "tpu.region"() ({
      %run_scoped3A = tpu.sem_alloc : memref<!tpu.dma_semaphore, #tpu.memory_space<semaphore_mem>>
      %dma_start3A_244 = arith.constant 0 : i32
      %dma_start3A_245 = tpu.memref_slice %arg6[%add3A_198, %dma_start3A_244] : memref<8192x1024xf32, #tpu.memory_space<hbm>> -> memref<32x1024xf32, #tpu.memory_space<hbm>>
      %dma_start3A_246 = arith.constant 0 : i32
      %dma_start3A_247 = tpu.memref_slice %arg6[%add3A_198, %dma_start3A_246] : memref<8192x1024xf32, #tpu.memory_space<hbm>> -> memref<32x1024xf32, #tpu.memory_space<hbm>>
      tpu.enqueue_dma source(%arg9 : memref<32x1024xf32, #tpu.memory_space<vmem>>) target(%dma_start3A_247 : memref<32x1024xf32, #tpu.memory_space<hbm>>) target_semaphore(%run_scoped3A : memref<!tpu.dma_semaphore, #tpu.memory_space<semaphore_mem>>)
      %dma_wait3A_248 = arith.constant 0 : i32
      %dma_wait3A_249 = tpu.memref_slice %arg6[%add3A_198, %dma_wait3A_248] : memref<8192x1024xf32, #tpu.memory_space<hbm>> -> memref<32x1024xf32, #tpu.memory_space<hbm>>
      %dma_wait3A_250 = arith.constant 0 : i32
      %dma_wait3A_251 = tpu.memref_slice %arg6[%add3A_198, %dma_wait3A_250] : memref<8192x1024xf32, #tpu.memory_space<hbm>> -> memref<32x1024xf32, #tpu.memory_space<hbm>>
      tpu.wait_dma2 semaphore(%run_scoped3A : memref<!tpu.dma_semaphore, #tpu.memory_space<semaphore_mem>>) src(%arg9 : memref<32x1024xf32, #tpu.memory_space<vmem>>) dst(%dma_wait3A_251 : memref<32x1024xf32, #tpu.memory_space<hbm>>)
      tpu.yield
    }) : () -> ()
    %add3A_199 = arith.constant 10240 : i32
    %add3A_200 = arith.addi %add3A_199, %add3A_123 : i32
    "tpu.region"() ({
      %run_scoped3A = tpu.sem_alloc : memref<!tpu.dma_semaphore, #tpu.memory_space<semaphore_mem>>
      %dma_start3A_244 = tpu.memref_slice %arg3[%add3A_200] : memref<16384xi32, #tpu.memory_space<hbm>> -> memref<32xi32, #tpu.memory_space<hbm>>
      %dma_start3A_245 = tpu.memref_slice %arg3[%add3A_200] : memref<16384xi32, #tpu.memory_space<hbm>> -> memref<32xi32, #tpu.memory_space<hbm>>
      tpu.enqueue_dma source(%dma_start3A_245 : memref<32xi32, #tpu.memory_space<hbm>>) target(%arg7 : memref<32xi32, #tpu.memory_space<vmem>>) target_semaphore(%run_scoped3A : memref<!tpu.dma_semaphore, #tpu.memory_space<semaphore_mem>>)
      %dma_wait3A_246 = tpu.memref_slice %arg3[%add3A_200] : memref<16384xi32, #tpu.memory_space<hbm>> -> memref<32xi32, #tpu.memory_space<hbm>>
      %dma_wait3A_247 = tpu.memref_slice %arg3[%add3A_200] : memref<16384xi32, #tpu.memory_space<hbm>> -> memref<32xi32, #tpu.memory_space<hbm>>
      tpu.wait_dma2 semaphore(%run_scoped3A : memref<!tpu.dma_semaphore, #tpu.memory_space<semaphore_mem>>) src(%dma_wait3A_247 : memref<32xi32, #tpu.memory_space<hbm>>) dst(%arg7 : memref<32xi32, #tpu.memory_space<vmem>>)
      tpu.yield
    }) : () -> ()
    %dma_start3A_201 = arith.constant 0 : i32
    %dma_start3A_202 = arith.constant 0 : i32
    %dma_start3A_203 = tpu.memref_slice %arg2[%dma_start3A_201, %dma_start3A_202] : memref<100000x1024xf32, #tpu.memory_space<hbm>> -> memref<100000x1024xf32, #tpu.memory_space<hbm>>
    tpu.enqueue_indirect_dma source(%dma_start3A_203 : memref<100000x1024xf32, #tpu.memory_space<hbm>>) target(%arg9 : memref<32x1024xf32, #tpu.memory_space<vmem>>) offsets(%arg7 : memref<32xi32, #tpu.memory_space<vmem>>) semaphore(%arg10 : memref<!tpu.dma_semaphore, #tpu.memory_space<semaphore_mem>>)
    %dma_wait3A_204 = arith.constant 0 : i32
    %dma_wait3A_205 = arith.constant 0 : i32
    %dma_wait3A_206 = tpu.memref_slice %arg2[%dma_wait3A_204, %dma_wait3A_205] : memref<100000x1024xf32, #tpu.memory_space<hbm>> -> memref<100000x1024xf32, #tpu.memory_space<hbm>>
    tpu.wait_indirect_dma semaphore(%arg10 : memref<!tpu.dma_semaphore, #tpu.memory_space<semaphore_mem>>) src(%dma_wait3A_206 : memref<100000x1024xf32, #tpu.memory_space<hbm>>) dst(%arg9 : memref<32x1024xf32, #tpu.memory_space<vmem>>)
    %scan3A_207 = arith.constant 0 : i32
    %scan3A_208 = arith.constant 32 : i32
    %scan3A_209 = arith.addi %scan3A_207, %scan3A_208 : i32
    %scan3A_210 = arith.constant 1 : i32
    scf.for %scan3A_244 = %scan3A_207 to %scan3A_209 step %scan3A_210  : i32 {
      %mul3A_245 = arith.constant 1 : i32
      %mul3A_246 = arith.muli %scan3A_244, %mul3A_245 : i32
      %add3A_247 = arith.constant 0 : i32
      %add3A_248 = arith.addi %add3A_247, %mul3A_246 : i32
      %scan3A_249 = arith.constant 0 : i32
      %scan3A_250 = arith.constant 64 : i32
      %scan3A_251 = arith.addi %scan3A_249, %scan3A_250 : i32
      %scan3A_252 = arith.constant 1 : i32
      scf.for %scan3A_254 = %scan3A_249 to %scan3A_251 step %scan3A_252  : i32 {
        %mul3A_255 = arith.constant 16 : i32
        %mul3A_256 = arith.muli %scan3A_254, %mul3A_255 : i32
        %add3A_257 = arith.constant 0 : i32
        %add3A_258 = arith.addi %add3A_257, %mul3A_256 : i32
        %get3A = arith.index_cast %add3A_248 : i32 to index
        %get3A_259 = arith.index_cast %add3A_258 : i32 to index
        %get3A_260 = tpu.vector_load %arg9[%get3A, %get3A_259] {strides = array<i32>} : memref<32x1024xf32, #tpu.memory_space<vmem>>, vector<1x16xf32>,
        %get3A_261 = vector.shape_cast %get3A_260 : vector<1x16xf32> to vector<1x16xf32>
        %get3A_262 = arith.index_cast %add3A_248 : i32 to index
        %get3A_263 = arith.index_cast %add3A_258 : i32 to index
        %get3A_264 = tpu.vector_load %arg8[%get3A_262, %get3A_263] {strides = array<i32>} : memref<32x1024xf32, #tpu.memory_space<vmem>>, vector<1x16xf32>,
        %get3A_265 = vector.shape_cast %get3A_264 : vector<1x16xf32> to vector<1x16xf32>
        %add3A_266 = arith.addf %get3A_261, %get3A_265 : vector<1x16xf32>
        %swap3A = arith.index_cast %add3A_248 : i32 to index
        %swap3A_267 = arith.index_cast %add3A_258 : i32 to index
        %swap3A_268 = tpu.vector_load %arg9[%swap3A, %swap3A_267] {strides = array<i32>} : memref<32x1024xf32, #tpu.memory_space<vmem>>, vector<1x16xf32>,
        %swap3A_269 = vector.shape_cast %swap3A_268 : vector<1x16xf32> to vector<1x16xf32>
        %swap3A_270 = vector.shape_cast %add3A_266 : vector<1x16xf32> to vector<1x16xf32>
        tpu.vector_store %arg9[%swap3A, %swap3A_267], %swap3A_270 {strides = array<i32>} : memref<32x1024xf32, #tpu.memory_space<vmem>>, vector<1x16xf32>,
      }
      %scan3A_253 = arith.constant 64 : i32
    }
    %scan3A_211 = arith.constant 32 : i32
    %add3A_212 = arith.constant 2048 : i32
    %add3A_213 = arith.addi %add3A_212, %add3A_123 : i32
    "tpu.region"() ({
      %run_scoped3A = tpu.sem_alloc : memref<!tpu.dma_semaphore, #tpu.memory_space<semaphore_mem>>
      %dma_start3A_244 = arith.constant 0 : i32
      %dma_start3A_245 = tpu.memref_slice %arg6[%add3A_213, %dma_start3A_244] : memref<8192x1024xf32, #tpu.memory_space<hbm>> -> memref<32x1024xf32, #tpu.memory_space<hbm>>
      %dma_start3A_246 = arith.constant 0 : i32
      %dma_start3A_247 = tpu.memref_slice %arg6[%add3A_213, %dma_start3A_246] : memref<8192x1024xf32, #tpu.memory_space<hbm>> -> memref<32x1024xf32, #tpu.memory_space<hbm>>
      tpu.enqueue_dma source(%arg9 : memref<32x1024xf32, #tpu.memory_space<vmem>>) target(%dma_start3A_247 : memref<32x1024xf32, #tpu.memory_space<hbm>>) target_semaphore(%run_scoped3A : memref<!tpu.dma_semaphore, #tpu.memory_space<semaphore_mem>>)
      %dma_wait3A_248 = arith.constant 0 : i32
      %dma_wait3A_249 = tpu.memref_slice %arg6[%add3A_213, %dma_wait3A_248] : memref<8192x1024xf32, #tpu.memory_space<hbm>> -> memref<32x1024xf32, #tpu.memory_space<hbm>>
      %dma_wait3A_250 = arith.constant 0 : i32
      %dma_wait3A_251 = tpu.memref_slice %arg6[%add3A_213, %dma_wait3A_250] : memref<8192x1024xf32, #tpu.memory_space<hbm>> -> memref<32x1024xf32, #tpu.memory_space<hbm>>
      tpu.wait_dma2 semaphore(%run_scoped3A : memref<!tpu.dma_semaphore, #tpu.memory_space<semaphore_mem>>) src(%arg9 : memref<32x1024xf32, #tpu.memory_space<vmem>>) dst(%dma_wait3A_251 : memref<32x1024xf32, #tpu.memory_space<hbm>>)
      tpu.yield
    }) : () -> ()
    %add3A_214 = arith.constant 12288 : i32
    %add3A_215 = arith.addi %add3A_214, %add3A_123 : i32
    "tpu.region"() ({
      %run_scoped3A = tpu.sem_alloc : memref<!tpu.dma_semaphore, #tpu.memory_space<semaphore_mem>>
      %dma_start3A_244 = tpu.memref_slice %arg3[%add3A_215] : memref<16384xi32, #tpu.memory_space<hbm>> -> memref<32xi32, #tpu.memory_space<hbm>>
      %dma_start3A_245 = tpu.memref_slice %arg3[%add3A_215] : memref<16384xi32, #tpu.memory_space<hbm>> -> memref<32xi32, #tpu.memory_space<hbm>>
      tpu.enqueue_dma source(%dma_start3A_245 : memref<32xi32, #tpu.memory_space<hbm>>) target(%arg7 : memref<32xi32, #tpu.memory_space<vmem>>) target_semaphore(%run_scoped3A : memref<!tpu.dma_semaphore, #tpu.memory_space<semaphore_mem>>)
      %dma_wait3A_246 = tpu.memref_slice %arg3[%add3A_215] : memref<16384xi32, #tpu.memory_space<hbm>> -> memref<32xi32, #tpu.memory_space<hbm>>
      %dma_wait3A_247 = tpu.memref_slice %arg3[%add3A_215] : memref<16384xi32, #tpu.memory_space<hbm>> -> memref<32xi32, #tpu.memory_space<hbm>>
      tpu.wait_dma2 semaphore(%run_scoped3A : memref<!tpu.dma_semaphore, #tpu.memory_space<semaphore_mem>>) src(%dma_wait3A_247 : memref<32xi32, #tpu.memory_space<hbm>>) dst(%arg7 : memref<32xi32, #tpu.memory_space<vmem>>)
      tpu.yield
    }) : () -> ()
    %dma_start3A_216 = arith.constant 0 : i32
    %dma_start3A_217 = arith.constant 0 : i32
    %dma_start3A_218 = tpu.memref_slice %arg2[%dma_start3A_216, %dma_start3A_217] : memref<100000x1024xf32, #tpu.memory_space<hbm>> -> memref<100000x1024xf32, #tpu.memory_space<hbm>>
    tpu.enqueue_indirect_dma source(%dma_start3A_218 : memref<100000x1024xf32, #tpu.memory_space<hbm>>) target(%arg9 : memref<32x1024xf32, #tpu.memory_space<vmem>>) offsets(%arg7 : memref<32xi32, #tpu.memory_space<vmem>>) semaphore(%arg10 : memref<!tpu.dma_semaphore, #tpu.memory_space<semaphore_mem>>)
    %dma_wait3A_219 = arith.constant 0 : i32
    %dma_wait3A_220 = arith.constant 0 : i32
    %dma_wait3A_221 = tpu.memref_slice %arg2[%dma_wait3A_219, %dma_wait3A_220] : memref<100000x1024xf32, #tpu.memory_space<hbm>> -> memref<100000x1024xf32, #tpu.memory_space<hbm>>
    tpu.wait_indirect_dma semaphore(%arg10 : memref<!tpu.dma_semaphore, #tpu.memory_space<semaphore_mem>>) src(%dma_wait3A_221 : memref<100000x1024xf32, #tpu.memory_space<hbm>>) dst(%arg9 : memref<32x1024xf32, #tpu.memory_space<vmem>>)
    %scan3A_222 = arith.constant 0 : i32
    %scan3A_223 = arith.constant 32 : i32
    %scan3A_224 = arith.addi %scan3A_222, %scan3A_223 : i32
    %scan3A_225 = arith.constant 1 : i32
    scf.for %scan3A_244 = %scan3A_222 to %scan3A_224 step %scan3A_225  : i32 {
      %mul3A_245 = arith.constant 1 : i32
      %mul3A_246 = arith.muli %scan3A_244, %mul3A_245 : i32
      %add3A_247 = arith.constant 0 : i32
      %add3A_248 = arith.addi %add3A_247, %mul3A_246 : i32
      %scan3A_249 = arith.constant 0 : i32
      %scan3A_250 = arith.constant 64 : i32
      %scan3A_251 = arith.addi %scan3A_249, %scan3A_250 : i32
      %scan3A_252 = arith.constant 1 : i32
      scf.for %scan3A_254 = %scan3A_249 to %scan3A_251 step %scan3A_252  : i32 {
        %mul3A_255 = arith.constant 16 : i32
        %mul3A_256 = arith.muli %scan3A_254, %mul3A_255 : i32
        %add3A_257 = arith.constant 0 : i32
        %add3A_258 = arith.addi %add3A_257, %mul3A_256 : i32
        %get3A = arith.index_cast %add3A_248 : i32 to index
        %get3A_259 = arith.index_cast %add3A_258 : i32 to index
        %get3A_260 = tpu.vector_load %arg9[%get3A, %get3A_259] {strides = array<i32>} : memref<32x1024xf32, #tpu.memory_space<vmem>>, vector<1x16xf32>,
        %get3A_261 = vector.shape_cast %get3A_260 : vector<1x16xf32> to vector<1x16xf32>
        %get3A_262 = arith.index_cast %add3A_248 : i32 to index
        %get3A_263 = arith.index_cast %add3A_258 : i32 to index
        %get3A_264 = tpu.vector_load %arg8[%get3A_262, %get3A_263] {strides = array<i32>} : memref<32x1024xf32, #tpu.memory_space<vmem>>, vector<1x16xf32>,
        %get3A_265 = vector.shape_cast %get3A_264 : vector<1x16xf32> to vector<1x16xf32>
        %add3A_266 = arith.addf %get3A_261, %get3A_265 : vector<1x16xf32>
        %swap3A = arith.index_cast %add3A_248 : i32 to index
        %swap3A_267 = arith.index_cast %add3A_258 : i32 to index
        %swap3A_268 = tpu.vector_load %arg9[%swap3A, %swap3A_267] {strides = array<i32>} : memref<32x1024xf32, #tpu.memory_space<vmem>>, vector<1x16xf32>,
        %swap3A_269 = vector.shape_cast %swap3A_268 : vector<1x16xf32> to vector<1x16xf32>
        %swap3A_270 = vector.shape_cast %add3A_266 : vector<1x16xf32> to vector<1x16xf32>
        tpu.vector_store %arg9[%swap3A, %swap3A_267], %swap3A_270 {strides = array<i32>} : memref<32x1024xf32, #tpu.memory_space<vmem>>, vector<1x16xf32>,
      }
      %scan3A_253 = arith.constant 64 : i32
    }
    %scan3A_226 = arith.constant 32 : i32
    %add3A_227 = arith.constant 4096 : i32
    %add3A_228 = arith.addi %add3A_227, %add3A_123 : i32
    "tpu.region"() ({
      %run_scoped3A = tpu.sem_alloc : memref<!tpu.dma_semaphore, #tpu.memory_space<semaphore_mem>>
      %dma_start3A_244 = arith.constant 0 : i32
      %dma_start3A_245 = tpu.memref_slice %arg6[%add3A_228, %dma_start3A_244] : memref<8192x1024xf32, #tpu.memory_space<hbm>> -> memref<32x1024xf32, #tpu.memory_space<hbm>>
      %dma_start3A_246 = arith.constant 0 : i32
      %dma_start3A_247 = tpu.memref_slice %arg6[%add3A_228, %dma_start3A_246] : memref<8192x1024xf32, #tpu.memory_space<hbm>> -> memref<32x1024xf32, #tpu.memory_space<hbm>>
      tpu.enqueue_dma source(%arg9 : memref<32x1024xf32, #tpu.memory_space<vmem>>) target(%dma_start3A_247 : memref<32x1024xf32, #tpu.memory_space<hbm>>) target_semaphore(%run_scoped3A : memref<!tpu.dma_semaphore, #tpu.memory_space<semaphore_mem>>)
      %dma_wait3A_248 = arith.constant 0 : i32
      %dma_wait3A_249 = tpu.memref_slice %arg6[%add3A_228, %dma_wait3A_248] : memref<8192x1024xf32, #tpu.memory_space<hbm>> -> memref<32x1024xf32, #tpu.memory_space<hbm>>
      %dma_wait3A_250 = arith.constant 0 : i32
      %dma_wait3A_251 = tpu.memref_slice %arg6[%add3A_228, %dma_wait3A_250] : memref<8192x1024xf32, #tpu.memory_space<hbm>> -> memref<32x1024xf32, #tpu.memory_space<hbm>>
      tpu.wait_dma2 semaphore(%run_scoped3A : memref<!tpu.dma_semaphore, #tpu.memory_space<semaphore_mem>>) src(%arg9 : memref<32x1024xf32, #tpu.memory_space<vmem>>) dst(%dma_wait3A_251 : memref<32x1024xf32, #tpu.memory_space<hbm>>)
      tpu.yield
    }) : () -> ()
    %add3A_229 = arith.constant 14336 : i32
    %add3A_230 = arith.addi %add3A_229, %add3A_123 : i32
    "tpu.region"() ({
      %run_scoped3A = tpu.sem_alloc : memref<!tpu.dma_semaphore, #tpu.memory_space<semaphore_mem>>
      %dma_start3A_244 = tpu.memref_slice %arg3[%add3A_230] : memref<16384xi32, #tpu.memory_space<hbm>> -> memref<32xi32, #tpu.memory_space<hbm>>
      %dma_start3A_245 = tpu.memref_slice %arg3[%add3A_230] : memref<16384xi32, #tpu.memory_space<hbm>> -> memref<32xi32, #tpu.memory_space<hbm>>
      tpu.enqueue_dma source(%dma_start3A_245 : memref<32xi32, #tpu.memory_space<hbm>>) target(%arg7 : memref<32xi32, #tpu.memory_space<vmem>>) target_semaphore(%run_scoped3A : memref<!tpu.dma_semaphore, #tpu.memory_space<semaphore_mem>>)
      %dma_wait3A_246 = tpu.memref_slice %arg3[%add3A_230] : memref<16384xi32, #tpu.memory_space<hbm>> -> memref<32xi32, #tpu.memory_space<hbm>>
      %dma_wait3A_247 = tpu.memref_slice %arg3[%add3A_230] : memref<16384xi32, #tpu.memory_space<hbm>> -> memref<32xi32, #tpu.memory_space<hbm>>
      tpu.wait_dma2 semaphore(%run_scoped3A : memref<!tpu.dma_semaphore, #tpu.memory_space<semaphore_mem>>) src(%dma_wait3A_247 : memref<32xi32, #tpu.memory_space<hbm>>) dst(%arg7 : memref<32xi32, #tpu.memory_space<vmem>>)
      tpu.yield
    }) : () -> ()
    %dma_start3A_231 = arith.constant 0 : i32
    %dma_start3A_232 = arith.constant 0 : i32
    %dma_start3A_233 = tpu.memref_slice %arg2[%dma_start3A_231, %dma_start3A_232] : memref<100000x1024xf32, #tpu.memory_space<hbm>> -> memref<100000x1024xf32, #tpu.memory_space<hbm>>
    tpu.enqueue_indirect_dma source(%dma_start3A_233 : memref<100000x1024xf32, #tpu.memory_space<hbm>>) target(%arg9 : memref<32x1024xf32, #tpu.memory_space<vmem>>) offsets(%arg7 : memref<32xi32, #tpu.memory_space<vmem>>) semaphore(%arg10 : memref<!tpu.dma_semaphore, #tpu.memory_space<semaphore_mem>>)
    %dma_wait3A_234 = arith.constant 0 : i32
    %dma_wait3A_235 = arith.constant 0 : i32
    %dma_wait3A_236 = tpu.memref_slice %arg2[%dma_wait3A_234, %dma_wait3A_235] : memref<100000x1024xf32, #tpu.memory_space<hbm>> -> memref<100000x1024xf32, #tpu.memory_space<hbm>>
    tpu.wait_indirect_dma semaphore(%arg10 : memref<!tpu.dma_semaphore, #tpu.memory_space<semaphore_mem>>) src(%dma_wait3A_236 : memref<100000x1024xf32, #tpu.memory_space<hbm>>) dst(%arg9 : memref<32x1024xf32, #tpu.memory_space<vmem>>)
    %scan3A_237 = arith.constant 0 : i32
    %scan3A_238 = arith.constant 32 : i32
    %scan3A_239 = arith.addi %scan3A_237, %scan3A_238 : i32
    %scan3A_240 = arith.constant 1 : i32
    scf.for %scan3A_244 = %scan3A_237 to %scan3A_239 step %scan3A_240  : i32 {
      %mul3A_245 = arith.constant 1 : i32
      %mul3A_246 = arith.muli %scan3A_244, %mul3A_245 : i32
      %add3A_247 = arith.constant 0 : i32
      %add3A_248 = arith.addi %add3A_247, %mul3A_246 : i32
      %scan3A_249 = arith.constant 0 : i32
      %scan3A_250 = arith.constant 64 : i32
      %scan3A_251 = arith.addi %scan3A_249, %scan3A_250 : i32
      %scan3A_252 = arith.constant 1 : i32
      scf.for %scan3A_254 = %scan3A_249 to %scan3A_251 step %scan3A_252  : i32 {
        %mul3A_255 = arith.constant 16 : i32
        %mul3A_256 = arith.muli %scan3A_254, %mul3A_255 : i32
        %add3A_257 = arith.constant 0 : i32
        %add3A_258 = arith.addi %add3A_257, %mul3A_256 : i32
        %get3A = arith.index_cast %add3A_248 : i32 to index
        %get3A_259 = arith.index_cast %add3A_258 : i32 to index
        %get3A_260 = tpu.vector_load %arg9[%get3A, %get3A_259] {strides = array<i32>} : memref<32x1024xf32, #tpu.memory_space<vmem>>, vector<1x16xf32>,
        %get3A_261 = vector.shape_cast %get3A_260 : vector<1x16xf32> to vector<1x16xf32>
        %get3A_262 = arith.index_cast %add3A_248 : i32 to index
        %get3A_263 = arith.index_cast %add3A_258 : i32 to index
        %get3A_264 = tpu.vector_load %arg8[%get3A_262, %get3A_263] {strides = array<i32>} : memref<32x1024xf32, #tpu.memory_space<vmem>>, vector<1x16xf32>,
        %get3A_265 = vector.shape_cast %get3A_264 : vector<1x16xf32> to vector<1x16xf32>
        %add3A_266 = arith.addf %get3A_261, %get3A_265 : vector<1x16xf32>
        %swap3A = arith.index_cast %add3A_248 : i32 to index
        %swap3A_267 = arith.index_cast %add3A_258 : i32 to index
        %swap3A_268 = tpu.vector_load %arg9[%swap3A, %swap3A_267] {strides = array<i32>} : memref<32x1024xf32, #tpu.memory_space<vmem>>, vector<1x16xf32>,
        %swap3A_269 = vector.shape_cast %swap3A_268 : vector<1x16xf32> to vector<1x16xf32>
        %swap3A_270 = vector.shape_cast %add3A_266 : vector<1x16xf32> to vector<1x16xf32>
        tpu.vector_store %arg9[%swap3A, %swap3A_267], %swap3A_270 {strides = array<i32>} : memref<32x1024xf32, #tpu.memory_space<vmem>>, vector<1x16xf32>,
      }
      %scan3A_253 = arith.constant 64 : i32
    }
    %scan3A_241 = arith.constant 32 : i32
    %add3A_242 = arith.constant 6144 : i32
    %add3A_243 = arith.addi %add3A_242, %add3A_123 : i32
    "tpu.region"() ({
      %run_scoped3A = tpu.sem_alloc : memref<!tpu.dma_semaphore, #tpu.memory_space<semaphore_mem>>
      %dma_start3A_244 = arith.constant 0 : i32
      %dma_start3A_245 = tpu.memref_slice %arg6[%add3A_243, %dma_start3A_244] : memref<8192x1024xf32, #tpu.memory_space<hbm>> -> memref<32x1024xf32, #tpu.memory_space<hbm>>
      %dma_start3A_246 = arith.constant 0 : i32
      %dma_start3A_247 = tpu.memref_slice %arg6[%add3A_243, %dma_start3A_246] : memref<8192x1024xf32, #tpu.memory_space<hbm>> -> memref<32x1024xf32, #tpu.memory_space<hbm>>
      tpu.enqueue_dma source(%arg9 : memref<32x1024xf32, #tpu.memory_space<vmem>>) target(%dma_start3A_247 : memref<32x1024xf32, #tpu.memory_space<hbm>>) target_semaphore(%run_scoped3A : memref<!tpu.dma_semaphore, #tpu.memory_space<semaphore_mem>>)
      %dma_wait3A_248 = arith.constant 0 : i32
      %dma_wait3A_249 = tpu.memref_slice %arg6[%add3A_243, %dma_wait3A_248] : memref<8192x1024xf32, #tpu.memory_space<hbm>> -> memref<32x1024xf32, #tpu.memory_space<hbm>>
      %dma_wait3A_250 = arith.constant 0 : i32
      %dma_wait3A_251 = tpu.memref_slice %arg6[%add3A_243, %dma_wait3A_250] : memref<8192x1024xf32, #tpu.memory_space<hbm>> -> memref<32x1024xf32, #tpu.memory_space<hbm>>
      tpu.wait_dma2 semaphore(%run_scoped3A : memref<!tpu.dma_semaphore, #tpu.memory_space<semaphore_mem>>) src(%arg9 : memref<32x1024xf32, #tpu.memory_space<vmem>>) dst(%dma_wait3A_251 : memref<32x1024xf32, #tpu.memory_space<hbm>>)
      tpu.yield
    }) : () -> ()
    return
  }
}

</mosaic_0001>

<sc_bundles>
// kernel: kernel.3.cloned.1.call-start
scs
__scs_entry_jumppad:
0x0: {  	(pc) =	sbr.rel $0x88, $3  }
0x1: {  	(tag) =	ssettag $0x0;
	lr =	simm.s32 $0x1  }
0x2: {  	[smem:$0x3F9E] =	sst lr;
	_ =	strace $0xD0000000  }
0x3: {  	_ = 	snop  }
0x4: {  	_ = 	snop  }
0x5: {  	_ = 	snop  }
0x6: {  	_ = 	snop  }
0x7: {  	_ = 	snop  }
__scs_overlays_trampoline_lowered:
0x8: {  	[smem:$0x3FAD] =	sst s0  }
0x9: {  	[smem:$0x3FAE] =	sst s1  }
0xa: {  	[smem:$0x3FAF] =	sst s2  }
0xb: {  	[smem:$0x3FB0] =	sst s3  }
0xc: {  	[smem:$0x3FB1] =	sst s4  }
0xd: {  	[smem:$0x3FB2] =	sst s5  }
0xe: {  	[smem:$0x3FB3] =	sst s6  }
0xf: {  	[smem:$0x3FB4] =	sst s7  }
0x10: {  	[smem:$0x3FB5] =	sst s8  }
0x11: {  	[smem:$0x3FB6] =	sst s9;
	s0 =	simm.s32 @!p0 $0x0  }
0x12: {  	s1 =	sld [smem:$0x3F9C];
	s0 =	simm.s32 @p0 $0x1  }
0x13: {  	[smem:$0x3FB7] =	sst s0;
	s0 =	simm.s32 @!p1 $0x0  }
0x14: {  	s2 =	sld [smem:$0x3F9B];
	s0 =	simm.s32 @p1 $0x1  }
0x15: {  	[smem:$0x3FB8] =	sst s0;
	s0 =	simm.s32 @!p2 $0x0  }
0x16: {  	s3 =	sld [smem:$0x3FDB];
	s0 =	simm.s32 @p2 $0x1  }
0x17: {  	s4 =	simm.s32 $0x1BF5;
	[smem:$0x3FBA] =	sst s0  }
0x18: {  	s0 =	sld [smem:$0x3F9D];
	_ =	swait.ge [sflag:s4], $0x0  }
0x19: {  	s7 =	sld [smem:$0x3F9E]  }
0x1a: {  	s8 =	sadd.s32 $0xFFFFE003, lr  }
0x1b: {  	s9 =	sadd.s32 $0xFFFFFEF7, lr;
	s5 =	simm.s32 $0xFFFFFFFF;
	p2 =	slt.u32 s8, $0xFFFFF086  }
0x1c: {  	p1 =	slt.u32 s9, $0xF7A;
	s5 =	simm.s32 @!p2 $0x0  }
0x1d: {  	s5 =	simm.s32 @p1 $0x1;
	p0 =	seq.s32 s7, s2  }
0x1e: {  	s7 =	smul.u32 @!p0 $0xF7A, s2;
	p2 =	seq.s32 @!p0 s5, $0x0  }
0x1f: {  	s9 =	smul.u32 $0xF7A, s1;
	s8 =	simm.s32 @!p0 $0x1BF5;
	p2 =	por !p2, p0  }
0x20: {  	[sflag:s8] =	ssyncset.s32 @!p0 $0xFFFFF086;
	s6 =	sadd.s32 @!p0 s3, s7;
	s7 =	simm.s32 @!p0 $0x108  }
0x21: {  	s3 =	sadd.s32 s3, s9;
	s6 =	sadd.s32 @!p0 $0x88, s6;
	s7 =	simm.s32 @p2 $0x1082  }
0x22: {  	[simem:s7], [sflag:s8] =	dma.local @!p0 [hbm:s6], $0xF7A  }
0x23: {  	s9 =	sor.u32 $0xD0000000, s2;
	s6 =	simm.s32 $0x108;
	_ =	swait.ge @!p0 [sflag:s8], $0x0  }
0x24: {  	s3 =	sadd.s32 $0x88, s3;
	s6 =	simm.s32 @!p1 $0x1082;
	[sflag:s4] =	ssyncset.s32 $0xFFFFF086  }
0x25: {  	[simem:s6], [sflag:s4] =	dma.local [hbm:s3], $0xF7A  }
0x26: {  	[smem:$0x3F9E] =	sst s1;
	(tag) =	ssettag s2;
	_ =	strace s9  }
0x27: {  	s1 =	sld [smem:$0x3FAE]  }
0x28: {  	s2 =	sld [smem:$0x3FAF]  }
0x29: {  	s4 =	sld [smem:$0x3FB1]  }
0x2a: {  	p0 =	seq.s32 s5, $0x0;
	s5 =	sld [smem:$0x3FB2]  }
0x2b: {  	s6 =	sld [smem:$0x3FB3]  }
0x2c: {  	s7 =	sld [smem:$0x3FB4]  }
0x2d: {  	s3 =	simm.s32 $0x108;
	s8 =	sld [smem:$0x3FB5]  }
0x2e: {  	s3 =	simm.s32 @!p0 $0x1082;
	s9 =	sld [smem:$0x3FB6]  }
0x2f: {  	lr =	sadd.s32 s0, s3;
	s0 =	sld [smem:$0x3FAD]  }
0x30: {  	s3 =	sld [smem:$0x3FB0]  }
0x31: {  	[smem:$0x3FB9] =	sst s10  }
0x32: {  	s10 =	sld [smem:$0x3FB7];
	_ =	sdelay $0x3  }
0x33: {  	p0 =	seq.s32 s10, $0x1;
	s10 =	sld [smem:$0x3FB9];
	_ =	sdelay $0x3  }
0x34: {  	[smem:$0x3FB9] =	sst s10  }
0x35: {  	s10 =	sld [smem:$0x3FB8];
	_ =	sdelay $0x3  }
0x36: {  	p1 =	seq.s32 s10, $0x1;
	s10 =	sld [smem:$0x3FB9];
	_ =	sdelay $0x3  }
0x37: {  	[smem:$0x3FB9] =	sst s10  }
0x38: {  	s10 =	sld [smem:$0x3FBA]  }
0x39: {  	_ = 	snop;
	(pc) =	sbr.ind lr, $3  }
0x3a: {  	_ = 	snop  }
0x3b: {  	_ = 	snop  }
0x3c: {  	p2 =	seq.s32 s10, $0x1;
	s10 =	sld [smem:$0x3FB9]  }
0x3d: {  	_ =	shalt  }
0x3e: {  	_ =	shalt  }
0x3f: {  	_ =	shalt  }
0x40: {  	_ =	shalt  }
0x41: {  	_ =	shalt  }
0x42: {  	_ =	shalt  }
0x43: {  	_ =	shalt  }
0x44: {  	_ =	shalt  }
0x45: {  	_ =	shalt  }
0x46: {  	_ =	shalt  }
0x47: {  	_ =	shalt  }
0x48: {  	_ =	shalt  }
0x49: {  	_ =	shalt  }
0x4a: {  	_ =	shalt  }
0x4b: {  	_ =	shalt  }
0x4c: {  	_ =	shalt  }
0x4d: {  	_ =	shalt  }
0x4e: {  	_ =	shalt  }
0x4f: {  	_ =	shalt  }
0x50: {  	_ =	shalt  }
0x51: {  	_ =	shalt  }
0x52: {  	_ =	shalt  }
0x53: {  	_ =	shalt  }
0x54: {  	_ =	shalt  }
0x55: {  	_ =	shalt  }
0x56: {  	_ =	shalt  }
0x57: {  	_ =	shalt  }
0x58: {  	_ =	shalt  }
0x59: {  	_ =	shalt  }
0x5a: {  	_ =	shalt  }
0x5b: {  	_ =	shalt  }
0x5c: {  	_ =	shalt  }
0x5d: {  	_ =	shalt  }
0x5e: {  	_ =	shalt  }
0x5f: {  	_ =	shalt  }
0x60: {  	_ =	shalt  }
0x61: {  	_ =	shalt  }
0x62: {  	_ =	shalt  }
0x63: {  	_ =	shalt  }
0x64: {  	_ =	shalt  }
0x65: {  	_ =	shalt  }
0x66: {  	_ =	shalt  }
0x67: {  	_ =	shalt  }
0x68: {  	_ =	shalt  }
0x69: {  	_ =	shalt  }
0x6a: {  	_ =	shalt  }
0x6b: {  	_ =	shalt  }
0x6c: {  	_ =	shalt  }
0x6d: {  	_ =	shalt  }
0x6e: {  	_ =	shalt  }
0x6f: {  	_ =	shalt  }
0x70: {  	_ =	shalt  }
0x71: {  	_ =	shalt  }
0x72: {  	_ =	shalt  }
0x73: {  	_ =	shalt  }
0x74: {  	_ =	shalt  }
0x75: {  	_ =	shalt  }
0x76: {  	_ =	shalt  }
0x77: {  	_ =	shalt  }
0x78: {  	_ =	shalt  }
0x79: {  	_ =	shalt  }
0x7a: {  	_ =	shalt  }
0x7b: {  	_ =	shalt  }
0x7c: {  	_ =	shalt  }
0x7d: {  	_ =	shalt  }
0x7e: {  	_ =	shalt  }
0x7f: {  	_ =	shalt  }
0x80: {  	_ =	shalt  }
0x81: {  	_ =	shalt  }
0x82: {  	_ =	shalt  }
0x83: {  	_ =	shalt  }
0x84: {  	_ =	shalt  }
0x85: {  	_ =	shalt  }
0x86: {  	_ =	shalt  }
0x87: {  	_ =	shalt  }
.Lfunc_end0:
.L_simem_size_0:
called_computation_lowered:
.L_overlay_start_0:
0x88: {  	s2 =	sld [smem:$0x3FD9]  }
0x89: {  	s3 =	sld [smem:$0x3FFE];
	_ =	sdelay $0x1  }
0x8a: {  	s1 =	srdreg.scid  }
0x8b: {  	s0 =	sand.u32 $0x1, s1  }
0x8c: {  	s14 =	sshll.u32 s0, $0xA;
	s2 =	sadd.s32 s3, s2  }
0x8d: {  	s2 =	sadd.s32 s2, s14  }
0x8e: {  	[smem:$0x3FC5] =	sst s2  }
0x8f: {  	_ = 	snop  }
0x90: {  	s2 =	sld [smem:$0x3FD0];
	_ =	sdelay $0x2  }
0x91: {  	s4 =	simm.s32 $0xA;
	s5 =	simm.s32 $0x10;
	s15 =	sld [smem:$0x3FC7]  }
0x92: {  	[smem:s5], [sflag:s4] =	dma.local [hbm:s2], $0x1  }
0x93: {  	_ =	swait.eq [sflag:s4], $0x1  }
0x94: {  	[sflag:s4] =	ssyncset.done $0x0  }
0x95: {  	s16 =	sld [smem:$0x10];
	[sflag:s4] =	ssyncadd.s32 $0xFFFFFFFF  }
0x96: {  	s17 =	sld [smem:$0x11];
	(tm) =	ssettm $0x1  }
0x97: {  	s18 =	sld [smem:$0x3FFB];
	_ =	sdelay $0x3  }
0x98: {  	_ =	strace s18  }
0x99: {  	s5 =	sld [smem:$0x3FFC];
	_ =	sdelay $0x3  }
0x9a: {  	_ =	strace s5  }
0x9b: {  	s5 =	sld [smem:$0x3FFD];
	_ =	sdelay $0x3  }
0x9c: {  	_ =	strace s5  }
0x9d: {  	_ =	strace $0x8FFFFFFF  }
0x9e: {  	s19 =	sld [smem:$0x3FDB];
	_ =	sdelay $0x1  }
0x9f: {  	s6 =	simm.s32 $_scs_section_size  }
0xa0: {  	s7 =	simm.s32 $_size__tile_overlayer_lowered;
	s8 =	simm.s32 $_tile_overlayer_lowered  }
0xa1: {  	s22 =	simm.s32 $0x1BFF;
	s21 =	sshll.u32 s8, $0x1;
	s5 =	sadd.s32 s6, s19  }
0xa2: {  	s9 =	simm.s32 $0x0;
	s20 =	sshll.u32 s7, $0x1;
	s7 =	sadd.s32 s21, s5  }
0xa3: {  	[timem:s9], [sflag:s22] =	dma.local [hbm:s7], s20  }
0xa4: {  	_ =	swait.ge [sflag:s22], s20  }
0xa5: {  	s6 =	ssub.s32 $0x0, s20;
	[sflag:s22] =	ssyncset.done $0x0  }
0xa6: {  	[sflag:s22] =	ssyncadd.s32 s6;
	_ =	sdelay $0x1  }
0xa7: {  	s23 =	simm.s32 $0x1B8B  }
0xa8: {  	_ =	swait.ge [sflag:s23], $0x1  }
0xa9: {  	[sflag:s23] =	ssyncset.done $0x0  }
0xaa: {  	s25 =	simm.s32 $0x1B8E;
	s24 =	sld [smem:$0x3FFE];
	[sflag:s23] =	ssyncadd.s32 $0xFFFFFFFF  }
0xab: {  	s26 =	simm.s32 $execute0_lowered;
	[smem:$0x3FD2] =	sst s25  }
0xac: {  	s7 =	sshll.u32 s26, $0x1;
	_ =	strace $0x80000046;
	[dreg:$0x1] =	wrdreg $0xFFFFFFFF  }
0xad: {  	s28 =	simm.s32 $_size_execute0_lowered;
	s5 =	sadd.s32 s5, s7;
	[dreg:$0x0] =	wrdreg $0x0  }
0xae: {  	s7 =	sshll.u32 s28, $0x1;
	[dreg:$0x2] =	wrdreg s5  }
0xaf: {  	[dreg:$0x3] =	wrdreg s7  }
0xb0: {  	[dreg:$0x4] =	wrdreg $0xC0  }
0xb1: {  	_ =	task [dreg:s9], $0x5FFFF  }
0xb2: {  	[dreg:$0x1] =	wrdreg $0xFFFFFFFF  }
0xb3: {  	[dreg:$0x0] =	wrdreg $0x60  }
0xb4: {  	[dreg:$0x2] =	wrdreg s15  }
0xb5: {  	[dreg:$0x3] =	wrdreg s24  }
0xb6: {  	[dreg:$0x4] =	wrdreg s16  }
0xb7: {  	[dreg:$0x5] =	wrdreg s17  }
0xb8: {  	[dreg:$0x6] =	wrdreg $0x9  }
0xb9: {  	_ =	task.clear_ibuf [dreg:s9], $0x7FFFF;
	_ =	strace $0x90000046  }
0xba: {  	s29 =	simm.s32 $0x9;
	_ =	strace $0x80000048  }
0xbb: {  	_ =	swait.ge [sflag:s29], $0x1  }
0xbc: {  	[sflag:s29] =	ssyncadd.s32 $0xFFFFFFFF  }
0xbd: {  	_ =	strace $0x90000048  }
0xbe: {  	_ =	sfence  }
0xbf: {  	s30 =	sld [smem:$0x0];
	_ =	sdelay $0x2  }
0xc0: {  	s31 =	sshll.u32 s1, $0xD;
	s1 =	sshrl.u32 s1, $0x2  }
0xc1: {  	s3 =	sand.u32 $0x4000, s31;
	s1 =	sadd.s32 s1, s30  }
0xc2: {  	s0 =	sor.u32 s3, s0;
	s1 =	sshll.u32 s1, $0x11  }
0xc3: {  	s0 =	sor.u32 s1, s0  }
0xc4: {  	s0 =	sadd.s32 $0x8F2B, s0  }
0xc5: {  	[sflag:s0] =	ssyncadd.remote.s32 $0x1  }
0xc6: {  	_ =	sfence.sel $0xFFFF  }
0xc7: {  	[dreg:$0x0] =	wrdreg $0xFFFFFFFF;
	(pc) =	sbr.abs _section_cstart, $3  }
0xc8: {  	[dreg:$0x1] =	wrdreg $0xFFFFFFFF  }
0xc9: {  	_ =	task.clear_ibuf [dreg:s9], $0x2FFFF;
	_ =	strace $0x9FFFFFFF  }
0xca: {  	(tm) =	ssettm $0x7FFFFFFF  }
0xcb: {  	_ =	shalt  }
tec
execute0_lowered:
.L_overlay_start_1:
0x0: {  	(tag) =	ssettag $0x1  }
0x1: {  	s2 =	rddreg [dreg:$0x1]  }
0x2: {  	s3 =	rddreg [dreg:$0x2]  }
0x3: {  	s0 =	rddreg [dreg:$0x3]  }
0x4: {  	s4 =	srdreg.scid;
	s1 =	simm.s32 $0x0;
	s28 =	rddreg [dreg:$0x0]  }
0x5: {  	s5 =	stileid.u32;
	s4 =	sand.u32 $0x1, s4;
	[smem:$0x7FF] =	sst s1  }
0x6: {  	s5 =	sshll.u32 s5, $0x7;
	s6 =	sshll.u32 s4, $0x6;
	s4 =	ssub.s32 $0x2, s4  }
0x7: {  	s7 =	sadd.s32 $0x800, s2;
	s5 =	sor.u32 s6, s5;
	s9 =	sshrl.u32 s4, $0x1  }
0x8: {  	s2 =	sadd.s32 $0x1000, s2;
	s8 =	sshll.u32 s5, $0x7;
	s4 =	ssub.s32 s4, s9  }
0x9: {  	s11 =	sshrl.u32 s5, $0x3;
	s13 =	sor.u32 $0x800, s5;
	s17 =	sor.u32 $0x1800, s5  }
0xa: {  	s19 =	sor.u32 $0x820, s5;
	s10 =	sadd.s32 s2, s8;
	s16 =	sadd.s32 s7, s11  }
0xb: {  	s12 =	sadd.s32 s3, s8;
	s9 =	sshrl.u32 s13, $0x3;
	[dreg:$0x5] =	wrdreg s10  }
0xc: {  	s6 =	sshll.u32 s13, $0x7;
	s8 =	sadd.s32 s0, s8;
	[dreg:$0x7] =	wrdreg s12  }
0xd: {  	s11 =	sor.u32 $0x20, s5;
	s9 =	sadd.s32 s7, s9;
	[dreg:$0x11] =	wrdreg s8  }
0xe: {  	s20 =	sshrl.u32 s19, $0x3;
	s14 =	sadd.s32 s3, s6;
	[dreg:$0x8] =	wrdreg s9  }
0xf: {  	s23 =	sshll.u32 s17, $0x7;
	s6 =	sadd.s32 s0, s6;
	[dreg:$0x9] =	wrdreg s14  }
0x10: {  	s12 =	sshrl.u32 s17, $0x3;
	s26 =	sadd.s32 s3, s23;
	[dreg:$0x12] =	wrdreg s6  }
0x11: {  	s13 =	sshrl.u32 s11, $0x3;
	s12 =	sadd.s32 s7, s12;
	[dreg:$0x14] =	wrdreg s26  }
0x12: {  	s10 =	sor.u32 $0x1000, s5;
	s18 =	sadd.s32 s7, s13;
	[dreg:$0xb] =	wrdreg s12  }
0x13: {  	s25 =	sshll.u32 s11, $0x7;
	s13 =	sadd.s32 s7, s20;
	[dreg:$0xc] =	wrdreg s18  }
0x14: {  	s15 =	sshrl.u32 s10, $0x3;
	s2 =	sadd.s32 s2, s25;
	[dreg:$0xd] =	wrdreg s13  }
0x15: {  	s10 =	sshll.u32 s10, $0x7;
	s11 =	sadd.s32 s3, s25;
	[dreg:$0x16] =	wrdreg s2  }
0x16: {  	s14 =	sor.u32 $0x1020, s5;
	s9 =	sadd.s32 s7, s15;
	[dreg:$0x17] =	wrdreg s11  }
0x17: {  	s5 =	sor.u32 $0x1820, s5;
	s22 =	sadd.s32 s3, s10;
	[dreg:$0xa] =	wrdreg s9  }
0x18: {  	s21 =	sshrl.u32 s14, $0x3;
	s24 =	sadd.s32 s0, s10;
	[dreg:$0x10] =	wrdreg s22  }
0x19: {  	s10 =	sshll.u32 s14, $0x7;
	s14 =	sadd.s32 s0, s25;
	[dreg:$0x13] =	wrdreg s24  }
0x1a: {  	s15 =	sshrl.u32 s5, $0x3;
	s13 =	sadd.s32 s7, s21;
	[dreg:$0x1b] =	wrdreg s14  }
0x1b: {  	s7 =	sadd.s32 s7, s15;
	[dreg:$0xe] =	wrdreg s13  }
0x1c: {  	s15 =	sadd.s32 s0, s10;
	[dreg:$0xf] =	wrdreg s7  }
0x1d: {  	s9 =	sshll.u32 s19, $0x7;
	s7 =	sadd.s32 s0, s23;
	[dreg:$0x1d] =	wrdreg s15  }
0x1e: {  	s12 =	sadd.s32 s3, s9;
	[dreg:$0x15] =	wrdreg s7  }
0x1f: {  	s5 =	sshll.u32 s5, $0x7;
	s13 =	sadd.s32 s3, s10;
	[dreg:$0x18] =	wrdreg s12  }
0x20: {  	s3 =	sadd.s32 s3, s5;
	[dreg:$0x19] =	wrdreg s13  }
0x21: {  	s2 =	sadd.s32 s0, s9;
	[dreg:$0x1a] =	wrdreg s3  }
0x22: {  	s29 =	simm.s32 $0xE880;
	s0 =	sadd.s32 s0, s5;
	[dreg:$0x1c] =	wrdreg s2  }
0x23: {  	s30 =	simm.s32 $0xF080;
	s17 =	smax.u32 s4, $0x1;
	[dreg:$0x1e] =	wrdreg s0  }
0x24: {  	s18 =	sadd.s32 $0x400, s16;
	_ =	strace $0x80000047;
	[dreg:$0x1f] =	wrdreg s17  }
0x25: {  	s31 =	simm.s32 $0xF880;
	s19 =	sadd.s32 $0x500, s16;
	[smem:$0x7F6] =	sst s18  }
0x26: {  	s4 =	simm.s32 $0x1;
	s20 =	sadd.s32 $0x600, s16;
	[smem:$0x7F7] =	sst s19  }
0x27: {  	s26 =	sadd.s32 $0x704, s16;
	s21 =	sadd.s32 $0x700, s16;
	[smem:$0x7F8] =	sst s20  }
0x28: {  	s25 =	sadd.s32 $0x604, s16;
	s22 =	sadd.s32 $0x404, s16;
	[smem:$0x7F9] =	sst s21  }
0x29: {  	s24 =	sadd.s32 $0x504, s16;
	s14 =	simm.s32 $0x8080;
	[smem:$0x7FA] =	sst s22  }
0x2a: {  	s23 =	sadd.s32 $0x100, s28;
	s15 =	simm.s32 $0x8880;
	[smem:$0x7FB] =	sst s24  }
0x2b: {  	s5 =	simm.s32 $0x0;
	s0 =	sadd.s32 $0x200, s28;
	[smem:$0x7FC] =	sst s25  }
0x2c: {  	s2 =	sadd.s32 $0x300, s28;
	s13 =	simm.s32 $0x2;
	[dreg:$0x6] =	wrdreg s16  }
0x2d: {  	s12 =	simm.s32 $0xB080;
	[smem:$0x7FD] =	sst s26;
	s16 =	simm.s32 $0x9080  }
0x2e: {  	v2 =	vlaneseq.u32;
	s17 =	simm.s32 $0x9880;
	s18 =	simm.s32 $0xA080;
	s19 =	simm.s32 $0xA880  }
0x2f: {  	vm0 =	vmmov $0xffff;
	v1 =	vshrl.u32 v2, $0x3;
	s20 =	simm.s32 $0xB880;
	s21 =	simm.s32 $0xC080;
	s22 =	simm.s32 $0xC880  }
0x30: {  	v0 =	vand.u32 $0x7, v2;
	v2 =	vor.u32 $0x8, v2;
	v1 =	vmul.u32 $0x8, v1;
	s24 =	simm.s32 $0xD080;
	s25 =	simm.s32 $0xD880;
	s26 =	simm.s32 $0xE080  }
.LBB2_1:
0x31: {  	[smem:$0x7F5] =	sst s5  }
0x32: {  	s3 =	rddreg [dreg:$0x5];
	s10 =	simm.s32 $0x80  }
0x33: {  	[tilespmem:s10], [sflag:$0x2] =	stream.linear.gather [hbm4b:s3+s1], $0x8000, $0x38;
	[tilespmem:$0x10080] =	vst v63  }
0x34: {  	_ =	swait.ge [sflag:s13], $0x8000  }
0x35: {  	[sflag:s13] =	ssyncset.done $0x0  }
0x36: {  	s11 =	rddreg [dreg:$0x6];
	[sflag:s13] =	ssyncadd.s32 $0xFFFF8000  }
0x37: {  	[tilespmem:s1], [sflag:$0x2] =	stream.linear.gather [hbm4b:s11+s1], $0x20, $0x38;
	[tilespmem:$0x10080] =	vst v63  }
0x38: {  	_ =	swait.ge [sflag:s13], $0x20  }
0x39: {  	[sflag:s13] =	ssyncset.done $0x0  }
0x3a: {  	[sflag:s13] =	ssyncadd.s32 $0xFFFFFFE0  }
0x3b: {  	v3 =	vld [tilespmem:$0x0];
	_ =	sdelay $0x4  }
0x3c: {  	v4 =	vshll.u32 v3, $0x3  }
0x3d: {  	v3 =	vand.u32 $0x7, v3;
	v4 =	vand.u32 $0xFFFFFFC0, v4  }
0x3e: {  	v3 =	vor.u32 v3, v4  }
0x3f: {  	v4 =	vperm.xlane v3, v0;
	_ =	sdelay $0x1  }
0x40: {  	v4 =	vadd.s32 v1, v4;
	_ =	sdelay $0x4  }
0x41: {  	[tilespmem:s14], [sflag:$0x1] =	stream.indirect_vreg.gather [hbm4b:s28+s1], $0x80, v4, vm0, $0xb8;
	[tilespmem:$0x10080] =	vst v63  }
0x42: {  	v3 =	vperm.xlane v3, v2  }
0x43: {  	[tilespmem:s15], [sflag:$0x1] =	stream.indirect_vreg.gather [hbm4b:s23+s1], $0x80, v4, vm0, $0xb8;
	[tilespmem:$0x10080] =	vst v63  }
0x44: {  	v3 =	vadd.s32 v1, v3  }
0x45: {  	[tilespmem:s16], [sflag:$0x1] =	stream.indirect_vreg.gather [hbm4b:s0+s1], $0x80, v4, vm0, $0xb8;
	[tilespmem:$0x10080] =	vst v63  }
0x46: {  	_ = 	snop  }
0x47: {  	[tilespmem:s17], [sflag:$0x1] =	stream.indirect_vreg.gather [hbm4b:s2+s1], $0x80, v4, vm0, $0xb8;
	[tilespmem:$0x10080] =	vst v63  }
0x48: {  	_ = 	snop  }
0x49: {  	[tilespmem:s18], [sflag:$0x1] =	stream.indirect_vreg.gather [hbm4b:s28+s1], $0x80, v3, vm0, $0xb8;
	[tilespmem:$0x10080] =	vst v63  }
0x4a: {  	_ = 	snop  }
0x4b: {  	[tilespmem:s19], [sflag:$0x1] =	stream.indirect_vreg.gather [hbm4b:s23+s1], $0x80, v3, vm0, $0xb8;
	[tilespmem:$0x10080] =	vst v63  }
0x4c: {  	_ = 	snop  }
0x4d: {  	[tilespmem:s12], [sflag:$0x1] =	stream.indirect_vreg.gather [hbm4b:s0+s1], $0x80, v3, vm0, $0xb8;
	[tilespmem:$0x10080] =	vst v63  }
0x4e: {  	_ = 	snop  }
0x4f: {  	[tilespmem:s20], [sflag:$0x1] =	stream.indirect_vreg.gather [hbm4b:s2+s1], $0x80, v3, vm0, $0xb8;
	[tilespmem:$0x10080] =	vst v63  }
0x50: {  	v3 =	vld [tilespmem:$0x10];
	_ =	sdelay $0x4  }
0x51: {  	v63 =	vshll.u32 v3, $0x3  }
0x52: {  	v3 =	vand.u32 $0x7, v3;
	v4 =	vand.u32 $0xFFFFFFC0, v63  }
0x53: {  	v3 =	vor.u32 v3, v4  }
0x54: {  	v4 =	vperm.xlane v3, v0;
	_ =	sdelay $0x1  }
0x55: {  	v4 =	vadd.s32 v1, v4;
	_ =	sdelay $0x4  }
0x56: {  	[tilespmem:s21], [sflag:$0x1] =	stream.indirect_vreg.gather [hbm4b:s28+s1], $0x80, v4, vm0, $0xb8;
	[tilespmem:$0x10080] =	vst v63  }
0x57: {  	v3 =	vperm.xlane v3, v2  }
0x58: {  	[tilespmem:s22], [sflag:$0x1] =	stream.indirect_vreg.gather [hbm4b:s23+s1], $0x80, v4, vm0, $0xb8;
	[tilespmem:$0x10080] =	vst v63  }
0x59: {  	v3 =	vadd.s32 v1, v3  }
0x5a: {  	[tilespmem:s24], [sflag:$0x1] =	stream.indirect_vreg.gather [hbm4b:s0+s1], $0x80, v4, vm0, $0xb8;
	[tilespmem:$0x10080] =	vst v63  }
0x5b: {  	_ = 	snop  }
0x5c: {  	[tilespmem:s25], [sflag:$0x1] =	stream.indirect_vreg.gather [hbm4b:s2+s1], $0x80, v4, vm0, $0xb8;
	[tilespmem:$0x10080] =	vst v63  }
0x5d: {  	_ = 	snop  }
0x5e: {  	[tilespmem:s26], [sflag:$0x1] =	stream.indirect_vreg.gather [hbm4b:s28+s1], $0x80, v3, vm0, $0xb8;
	[tilespmem:$0x10080] =	vst v63  }
0x5f: {  	_ = 	snop  }
0x60: {  	[tilespmem:s29], [sflag:$0x1] =	stream.indirect_vreg.gather [hbm4b:s23+s1], $0x80, v3, vm0, $0xb8;
	[tilespmem:$0x10080] =	vst v63  }
0x61: {  	_ = 	snop  }
0x62: {  	[tilespmem:s30], [sflag:$0x1] =	stream.indirect_vreg.gather [hbm4b:s0+s1], $0x80, v3, vm0, $0xb8;
	[tilespmem:$0x10080] =	vst v63  }
0x63: {  	_ = 	snop  }
0x64: {  	[tilespmem:s31], [sflag:$0x1] =	stream.indirect_vreg.gather [hbm4b:s2+s1], $0x80, v3, vm0, $0xb8;
	[tilespmem:$0x10080] =	vst v63  }
0x65: {  	_ =	swait.ge [sflag:s4], $0x8000  }
0x66: {  	[sflag:s4] =	ssyncset.done $0x0  }
0x67: {  	s6 =	simm.s32 $0x0;
	[sflag:s4] =	ssyncadd.s32 $0xFFFF8000  }
.LBB2_2:
0x68: {  	s3 =	sshll.u32 s6, $0xA;
	s5 =	sshll.u32 s6, $0x7  }
0x69: {  	s8 =	simm.s32 $0x0;
	s3 =	sand.u32 $0x6000, s3;
	s5 =	sand.u32 $0x380, s5  }
0x6a: {  	s10 =	sand.u32 $0x1C00, s8;
	s7 =	sor.u32 s3, s5  }
0x6b: {  	s11 =	sand.u32 $0x70, s8;
	s3 =	sor.u32 s10, s7  }
0x6c: {  	s8 =	sor.u32 s11, s3  }
0x6d: {  	v3 =	vld [tilespmem:s8+$0x80]  }
0x6e: {  	v4 =	vld [tilespmem:s8+$0x8080];
	_ =	sdelay $0x2  }
0x6f: {  	s9 =	simm.s32 $0x80  }
0x70: {  	s5 =	simm.s32 $0x10;
	s10 =	sand.u32 $0x1C00, s9  }
0x71: {  	s11 =	sand.u32 $0x70, s5;
	s3 =	sor.u32 s10, s7;
	s10 =	simm.s32 $0x20;
	v3 =	vadd.f32 v3, v4  }
.LBB2_3:
0x72: {  	p0 =	sne.s32 s10, $0x3F0;
	s3 =	sor.u32 s11, s3  }
0x73: {  	v4 =	vld [tilespmem:s3+$0x80];
	[tilespmem:s8+$0x8080] =	vst v3;
	s8 =	smov.u32 s3  }
0x74: {  	v3 =	vld [tilespmem:s8+$0x8080]  }
.Ltmp0:
0x75: {  	(pc) =	sbr.rel @p0 .LBB2_3-.Ltmp0, $4  }
0x76: {  	_ = 	snop  }
0x77: {  	s9 =	sadd.s32 $0x80, s9  }
0x78: {  	s3 =	sand.u32 $0x1C00, s9  }
0x79: {  	s11 =	sand.u32 $0x70, s10;
	s10 =	sadd.s32 $0x10, s10;
	s3 =	sor.u32 s3, s7;
	v3 =	vadd.f32 v4, v3  }
0x7a: {  	s3 =	sor.u32 s11, s3  }
0x7b: {  	v4 =	vld [tilespmem:s3+$0x80];
	[tilespmem:s8+$0x8080] =	vst v3  }
0x7c: {  	v3 =	vld [tilespmem:s3+$0x8080]  }
0x7d: {  	s6 =	sadd.s32 $0x1, s6  }
0x7e: {  	p0 =	sne.s32 s6, $0x20  }
.Ltmp1:
0x7f: {  	_ = 	snop;
	(pc) =	sbr.rel @p0 .LBB2_2-.Ltmp1, $3  }
0x80: {  	_ = 	snop  }
0x81: {  	v3 =	vadd.f32 v4, v3;
	_ =	sdelay $0x1  }
0x82: {  	[tilespmem:s3+$0x8080] =	vst v3  }
0x83: {  	s6 =	simm.s32 $0x0;
	s3 =	rddreg [dreg:$0x7]  }
0x84: {  	[hbm4b:s3+s6] =	stream.linear.scatter [tilespmem:s14], [sflag:$0x2], $0x8000, $0x38;
	[tilespmem:$0x10080] =	vst v63  }
0x85: {  	_ =	swait.ge [sflag:s13], $0x8000  }
0x86: {  	[sflag:s13] =	ssyncset.done $0x0  }
0x87: {  	s11 =	rddreg [dreg:$0x8];
	[sflag:s13] =	ssyncadd.s32 $0xFFFF8000  }
0x88: {  	[tilespmem:s6], [sflag:$0x2] =	stream.linear.gather [hbm4b:s11+s6], $0x20, $0x38;
	[tilespmem:$0x10080] =	vst v63  }
0x89: {  	_ =	swait.ge [sflag:s13], $0x20  }
0x8a: {  	[sflag:s13] =	ssyncset.done $0x0  }
0x8b: {  	[sflag:s13] =	ssyncadd.s32 $0xFFFFFFE0  }
0x8c: {  	v3 =	vld [tilespmem:$0x0];
	_ =	sdelay $0x4  }
0x8d: {  	v4 =	vshll.u32 v3, $0x3  }
0x8e: {  	v3 =	vand.u32 $0x7, v3;
	v4 =	vand.u32 $0xFFFFFFC0, v4  }
0x8f: {  	v3 =	vor.u32 v3, v4  }
0x90: {  	v4 =	vperm.xlane v3, v0;
	_ =	sdelay $0x1  }
0x91: {  	v4 =	vadd.s32 v1, v4;
	_ =	sdelay $0x4  }
0x92: {  	[tilespmem:s14], [sflag:$0x1] =	stream.indirect_vreg.gather [hbm4b:s28+s6], $0x80, v4, vm0, $0xb8;
	[tilespmem:$0x10080] =	vst v63  }
0x93: {  	v3 =	vperm.xlane v3, v2  }
0x94: {  	[tilespmem:s15], [sflag:$0x1] =	stream.indirect_vreg.gather [hbm4b:s23+s6], $0x80, v4, vm0, $0xb8;
	[tilespmem:$0x10080] =	vst v63  }
0x95: {  	v3 =	vadd.s32 v1, v3  }
0x96: {  	[tilespmem:s16], [sflag:$0x1] =	stream.indirect_vreg.gather [hbm4b:s0+s6], $0x80, v4, vm0, $0xb8;
	[tilespmem:$0x10080] =	vst v63  }
0x97: {  	_ = 	snop  }
0x98: {  	[tilespmem:s17], [sflag:$0x1] =	stream.indirect_vreg.gather [hbm4b:s2+s6], $0x80, v4, vm0, $0xb8;
	[tilespmem:$0x10080] =	vst v63  }
0x99: {  	_ = 	snop  }
0x9a: {  	[tilespmem:s18], [sflag:$0x1] =	stream.indirect_vreg.gather [hbm4b:s28+s6], $0x80, v3, vm0, $0xb8;
	[tilespmem:$0x10080] =	vst v63  }
0x9b: {  	_ = 	snop  }
0x9c: {  	[tilespmem:s19], [sflag:$0x1] =	stream.indirect_vreg.gather [hbm4b:s23+s6], $0x80, v3, vm0, $0xb8;
	[tilespmem:$0x10080] =	vst v63  }
0x9d: {  	_ = 	snop  }
0x9e: {  	[tilespmem:s12], [sflag:$0x1] =	stream.indirect_vreg.gather [hbm4b:s0+s6], $0x80, v3, vm0, $0xb8;
	[tilespmem:$0x10080] =	vst v63  }
0x9f: {  	_ = 	snop  }
0xa0: {  	[tilespmem:s20], [sflag:$0x1] =	stream.indirect_vreg.gather [hbm4b:s2+s6], $0x80, v3, vm0, $0xb8;
	[tilespmem:$0x10080] =	vst v63  }
0xa1: {  	v3 =	vld [tilespmem:$0x10];
	_ =	sdelay $0x4  }
0xa2: {  	v63 =	vshll.u32 v3, $0x3  }
0xa3: {  	v3 =	vand.u32 $0x7, v3;
	v4 =	vand.u32 $0xFFFFFFC0, v63  }
0xa4: {  	v3 =	vor.u32 v3, v4  }
0xa5: {  	v4 =	vperm.xlane v3, v0;
	_ =	sdelay $0x1  }
0xa6: {  	v4 =	vadd.s32 v1, v4;
	_ =	sdelay $0x4  }
0xa7: {  	[tilespmem:s21], [sflag:$0x1] =	stream.indirect_vreg.gather [hbm4b:s28+s6], $0x80, v4, vm0, $0xb8;
	[tilespmem:$0x10080] =	vst v63  }
0xa8: {  	v3 =	vperm.xlane v3, v2  }
0xa9: {  	[tilespmem:s22], [sflag:$0x1] =	stream.indirect_vreg.gather [hbm4b:s23+s6], $0x80, v4, vm0, $0xb8;
	[tilespmem:$0x10080] =	vst v63  }
0xaa: {  	v3 =	vadd.s32 v1, v3  }
0xab: {  	[tilespmem:s24], [sflag:$0x1] =	stream.indirect_vreg.gather [hbm4b:s0+s6], $0x80, v4, vm0, $0xb8;
	[tilespmem:$0x10080] =	vst v63  }
0xac: {  	_ = 	snop  }
0xad: {  	[tilespmem:s25], [sflag:$0x1] =	stream.indirect_vreg.gather [hbm4b:s2+s6], $0x80, v4, vm0, $0xb8;
	[tilespmem:$0x10080] =	vst v63  }
0xae: {  	_ = 	snop  }
0xaf: {  	[tilespmem:s26], [sflag:$0x1] =	stream.indirect_vreg.gather [hbm4b:s28+s6], $0x80, v3, vm0, $0xb8;
	[tilespmem:$0x10080] =	vst v63  }
0xb0: {  	_ = 	snop  }
0xb1: {  	[tilespmem:s29], [sflag:$0x1] =	stream.indirect_vreg.gather [hbm4b:s23+s6], $0x80, v3, vm0, $0xb8;
	[tilespmem:$0x10080] =	vst v63  }
0xb2: {  	_ = 	snop  }
0xb3: {  	[tilespmem:s30], [sflag:$0x1] =	stream.indirect_vreg.gather [hbm4b:s0+s6], $0x80, v3, vm0, $0xb8;
	[tilespmem:$0x10080] =	vst v63  }
0xb4: {  	_ = 	snop  }
0xb5: {  	[tilespmem:s31], [sflag:$0x1] =	stream.indirect_vreg.gather [hbm4b:s2+s6], $0x80, v3, vm0, $0xb8;
	[tilespmem:$0x10080] =	vst v63  }
0xb6: {  	_ =	swait.ge [sflag:s4], $0x8000  }
0xb7: {  	[sflag:s4] =	ssyncset.done $0x0  }
0xb8: {  	s7 =	simm.s32 $0x0;
	[sflag:s4] =	ssyncadd.s32 $0xFFFF8000  }
.LBB2_6:
0xb9: {  	s3 =	sshll.u32 s7, $0xA;
	s5 =	sshll.u32 s7, $0x7  }
0xba: {  	s3 =	sand.u32 $0x6000, s3;
	s5 =	sand.u32 $0x380, s5  }
0xbb: {  	s10 =	sand.u32 $0x1C00, s6;
	s8 =	sor.u32 s3, s5  }
0xbc: {  	s11 =	sand.u32 $0x70, s6;
	s3 =	sor.u32 s10, s8  }
0xbd: {  	s9 =	sor.u32 s11, s3  }
0xbe: {  	v3 =	vld [tilespmem:s9+$0x80]  }
0xbf: {  	v4 =	vld [tilespmem:s9+$0x8080];
	_ =	sdelay $0x2  }
0xc0: {  	s10 =	simm.s32 $0x80  }
0xc1: {  	s5 =	simm.s32 $0x10;
	s11 =	sand.u32 $0x1C00, s10  }
0xc2: {  	s3 =	sand.u32 $0x70, s5;
	s5 =	sor.u32 s11, s8;
	s11 =	simm.s32 $0x20;
	v3 =	vadd.f32 v3, v4  }
.LBB2_7:
0xc3: {  	p0 =	sne.s32 s11, $0x3F0;
	s3 =	sor.u32 s3, s5  }
0xc4: {  	v4 =	vld [tilespmem:s3+$0x80];
	[tilespmem:s9+$0x8080] =	vst v3;
	s9 =	smov.u32 s3  }
0xc5: {  	v3 =	vld [tilespmem:s9+$0x8080]  }
.Ltmp2:
0xc6: {  	(pc) =	sbr.rel @p0 .LBB2_7-.Ltmp2, $4  }
0xc7: {  	_ = 	snop  }
0xc8: {  	s10 =	sadd.s32 $0x80, s10  }
0xc9: {  	s5 =	sand.u32 $0x1C00, s10  }
0xca: {  	s3 =	sand.u32 $0x70, s11;
	s11 =	sadd.s32 $0x10, s11;
	s5 =	sor.u32 s5, s8;
	v3 =	vadd.f32 v4, v3  }
0xcb: {  	s3 =	sor.u32 s3, s5  }
0xcc: {  	v4 =	vld [tilespmem:s3+$0x80];
	[tilespmem:s9+$0x8080] =	vst v3  }
0xcd: {  	v3 =	vld [tilespmem:s3+$0x8080]  }
0xce: {  	s7 =	sadd.s32 $0x1, s7  }
0xcf: {  	p0 =	sne.s32 s7, $0x20  }
.Ltmp3:
0xd0: {  	_ = 	snop;
	(pc) =	sbr.rel @p0 .LBB2_6-.Ltmp3, $3  }
0xd1: {  	_ = 	snop  }
0xd2: {  	v3 =	vadd.f32 v4, v3;
	_ =	sdelay $0x1  }
0xd3: {  	[tilespmem:s3+$0x8080] =	vst v3  }
0xd4: {  	s6 =	simm.s32 $0x0;
	s3 =	rddreg [dreg:$0x9]  }
0xd5: {  	[hbm4b:s3+s6] =	stream.linear.scatter [tilespmem:s14], [sflag:$0x2], $0x8000, $0x38;
	[tilespmem:$0x10080] =	vst v63  }
0xd6: {  	_ =	swait.ge [sflag:s13], $0x8000  }
0xd7: {  	[sflag:s13] =	ssyncset.done $0x0  }
0xd8: {  	s11 =	rddreg [dreg:$0xa];
	[sflag:s13] =	ssyncadd.s32 $0xFFFF8000  }
0xd9: {  	[tilespmem:s6], [sflag:$0x2] =	stream.linear.gather [hbm4b:s11+s6], $0x20, $0x38;
	[tilespmem:$0x10080] =	vst v63  }
0xda: {  	_ =	swait.ge [sflag:s13], $0x20  }
0xdb: {  	[sflag:s13] =	ssyncset.done $0x0  }
0xdc: {  	[sflag:s13] =	ssyncadd.s32 $0xFFFFFFE0  }
0xdd: {  	v3 =	vld [tilespmem:$0x0];
	_ =	sdelay $0x4  }
0xde: {  	v4 =	vshll.u32 v3, $0x3  }
0xdf: {  	v3 =	vand.u32 $0x7, v3;
	v4 =	vand.u32 $0xFFFFFFC0, v4  }
0xe0: {  	v3 =	vor.u32 v3, v4  }
0xe1: {  	v4 =	vperm.xlane v3, v0;
	_ =	sdelay $0x1  }
0xe2: {  	v4 =	vadd.s32 v1, v4;
	_ =	sdelay $0x4  }
0xe3: {  	[tilespmem:s14], [sflag:$0x1] =	stream.indirect_vreg.gather [hbm4b:s28+s6], $0x80, v4, vm0, $0xb8;
	[tilespmem:$0x10080] =	vst v63  }
0xe4: {  	v3 =	vperm.xlane v3, v2  }
0xe5: {  	[tilespmem:s15], [sflag:$0x1] =	stream.indirect_vreg.gather [hbm4b:s23+s6], $0x80, v4, vm0, $0xb8;
	[tilespmem:$0x10080] =	vst v63  }
0xe6: {  	v3 =	vadd.s32 v1, v3  }
0xe7: {  	[tilespmem:s16], [sflag:$0x1] =	stream.indirect_vreg.gather [hbm4b:s0+s6], $0x80, v4, vm0, $0xb8;
	[tilespmem:$0x10080] =	vst v63  }
0xe8: {  	_ = 	snop  }
0xe9: {  	[tilespmem:s17], [sflag:$0x1] =	stream.indirect_vreg.gather [hbm4b:s2+s6], $0x80, v4, vm0, $0xb8;
	[tilespmem:$0x10080] =	vst v63  }
0xea: {  	_ = 	snop  }
0xeb: {  	[tilespmem:s18], [sflag:$0x1] =	stream.indirect_vreg.gather [hbm4b:s28+s6], $0x80, v3, vm0, $0xb8;
	[tilespmem:$0x10080] =	vst v63  }
0xec: {  	_ = 	snop  }
0xed: {  	[tilespmem:s19], [sflag:$0x1] =	stream.indirect_vreg.gather [hbm4b:s23+s6], $0x80, v3, vm0, $0xb8;
	[tilespmem:$0x10080] =	vst v63  }
0xee: {  	_ = 	snop  }
0xef: {  	[tilespmem:s12], [sflag:$0x1] =	stream.indirect_vreg.gather [hbm4b:s0+s6], $0x80, v3, vm0, $0xb8;
	[tilespmem:$0x10080] =	vst v63  }
0xf0: {  	_ = 	snop  }
0xf1: {  	[tilespmem:s20], [sflag:$0x1] =	stream.indirect_vreg.gather [hbm4b:s2+s6], $0x80, v3, vm0, $0xb8;
	[tilespmem:$0x10080] =	vst v63  }
0xf2: {  	v3 =	vld [tilespmem:$0x10];
	_ =	sdelay $0x4  }
0xf3: {  	v63 =	vshll.u32 v3, $0x3  }
0xf4: {  	v3 =	vand.u32 $0x7, v3;
	v4 =	vand.u32 $0xFFFFFFC0, v63  }
0xf5: {  	v3 =	vor.u32 v3, v4  }
0xf6: {  	v4 =	vperm.xlane v3, v0;
	_ =	sdelay $0x1  }
0xf7: {  	v4 =	vadd.s32 v1, v4;
	_ =	sdelay $0x4  }
0xf8: {  	[tilespmem:s21], [sflag:$0x1] =	stream.indirect_vreg.gather [hbm4b:s28+s6], $0x80, v4, vm0, $0xb8;
	[tilespmem:$0x10080] =	vst v63  }
0xf9: {  	v3 =	vperm.xlane v3, v2  }
0xfa: {  	[tilespmem:s22], [sflag:$0x1] =	stream.indirect_vreg.gather [hbm4b:s23+s6], $0x80, v4, vm0, $0xb8;
	[tilespmem:$0x10080] =	vst v63  }
0xfb: {  	v3 =	vadd.s32 v1, v3  }
0xfc: {  	[tilespmem:s24], [sflag:$0x1] =	stream.indirect_vreg.gather [hbm4b:s0+s6], $0x80, v4, vm0, $0xb8;
	[tilespmem:$0x10080] =	vst v63  }
0xfd: {  	_ = 	snop  }
0xfe: {  	[tilespmem:s25], [sflag:$0x1] =	stream.indirect_vreg.gather [hbm4b:s2+s6], $0x80, v4, vm0, $0xb8;
	[tilespmem:$0x10080] =	vst v63  }
0xff: {  	_ = 	snop  }
0x100: {  	[tilespmem:s26], [sflag:$0x1] =	stream.indirect_vreg.gather [hbm4b:s28+s6], $0x80, v3, vm0, $0xb8;
	[tilespmem:$0x10080] =	vst v63  }
0x101: {  	_ = 	snop  }
0x102: {  	[tilespmem:s29], [sflag:$0x1] =	stream.indirect_vreg.gather [hbm4b:s23+s6], $0x80, v3, vm0, $0xb8;
	[tilespmem:$0x10080] =	vst v63  }
0x103: {  	_ = 	snop  }
0x104: {  	[tilespmem:s30], [sflag:$0x1] =	stream.indirect_vreg.gather [hbm4b:s0+s6], $0x80, v3, vm0, $0xb8;
	[tilespmem:$0x10080] =	vst v63  }
0x105: {  	_ = 	snop  }
0x106: {  	[tilespmem:s31], [sflag:$0x1] =	stream.indirect_vreg.gather [hbm4b:s2+s6], $0x80, v3, vm0, $0xb8;
	[tilespmem:$0x10080] =	vst v63  }
0x107: {  	_ =	swait.ge [sflag:s4], $0x8000  }
0x108: {  	[sflag:s4] =	ssyncset.done $0x0  }
0x109: {  	s7 =	simm.s32 $0x0;
	[sflag:s4] =	ssyncadd.s32 $0xFFFF8000  }
.LBB2_10:
0x10a: {  	s3 =	sshll.u32 s7, $0xA;
	s5 =	sshll.u32 s7, $0x7  }
0x10b: {  	s3 =	sand.u32 $0x6000, s3;
	s5 =	sand.u32 $0x380, s5  }
0x10c: {  	s10 =	sand.u32 $0x1C00, s6;
	s8 =	sor.u32 s3, s5  }
0x10d: {  	s11 =	sand.u32 $0x70, s6;
	s3 =	sor.u32 s10, s8  }
0x10e: {  	s9 =	sor.u32 s11, s3  }
0x10f: {  	v3 =	vld [tilespmem:s9+$0x80]  }
0x110: {  	v4 =	vld [tilespmem:s9+$0x8080];
	_ =	sdelay $0x2  }
0x111: {  	s10 =	simm.s32 $0x80  }
0x112: {  	s5 =	simm.s32 $0x10;
	s11 =	sand.u32 $0x1C00, s10  }
0x113: {  	s3 =	sand.u32 $0x70, s5;
	s5 =	sor.u32 s11, s8;
	s11 =	simm.s32 $0x20;
	v3 =	vadd.f32 v3, v4  }
.LBB2_11:
0x114: {  	p0 =	sne.s32 s11, $0x3F0;
	s3 =	sor.u32 s3, s5  }
0x115: {  	v4 =	vld [tilespmem:s3+$0x80];
	[tilespmem:s9+$0x8080] =	vst v3;
	s9 =	smov.u32 s3  }
0x116: {  	v3 =	vld [tilespmem:s9+$0x8080]  }
.Ltmp4:
0x117: {  	(pc) =	sbr.rel @p0 .LBB2_11-.Ltmp4, $4  }
0x118: {  	_ = 	snop  }
0x119: {  	s10 =	sadd.s32 $0x80, s10  }
0x11a: {  	s5 =	sand.u32 $0x1C00, s10  }
0x11b: {  	s3 =	sand.u32 $0x70, s11;
	s11 =	sadd.s32 $0x10, s11;
	s5 =	sor.u32 s5, s8;
	v3 =	vadd.f32 v4, v3  }
0x11c: {  	s3 =	sor.u32 s3, s5  }
0x11d: {  	v4 =	vld [tilespmem:s3+$0x80];
	[tilespmem:s9+$0x8080] =	vst v3  }
0x11e: {  	v3 =	vld [tilespmem:s3+$0x8080]  }
0x11f: {  	s7 =	sadd.s32 $0x1, s7  }
0x120: {  	p0 =	sne.s32 s7, $0x20  }
.Ltmp5:
0x121: {  	_ = 	snop;
	(pc) =	sbr.rel @p0 .LBB2_10-.Ltmp5, $3  }
0x122: {  	_ = 	snop  }
0x123: {  	v3 =	vadd.f32 v4, v3;
	_ =	sdelay $0x1  }
0x124: {  	[tilespmem:s3+$0x8080] =	vst v3  }
0x125: {  	s6 =	simm.s32 $0x0;
	s3 =	rddreg [dreg:$0x10]  }
0x126: {  	[hbm4b:s3+s6] =	stream.linear.scatter [tilespmem:s14], [sflag:$0x2], $0x8000, $0x38;
	[tilespmem:$0x10080] =	vst v63  }
0x127: {  	_ =	swait.ge [sflag:s13], $0x8000  }
0x128: {  	[sflag:s13] =	ssyncset.done $0x0  }
0x129: {  	s11 =	rddreg [dreg:$0xb];
	[sflag:s13] =	ssyncadd.s32 $0xFFFF8000  }
0x12a: {  	[tilespmem:s6], [sflag:$0x2] =	stream.linear.gather [hbm4b:s11+s6], $0x20, $0x38;
	[tilespmem:$0x10080] =	vst v63  }
0x12b: {  	_ =	swait.ge [sflag:s13], $0x20  }
0x12c: {  	[sflag:s13] =	ssyncset.done $0x0  }
0x12d: {  	[sflag:s13] =	ssyncadd.s32 $0xFFFFFFE0  }
0x12e: {  	v3 =	vld [tilespmem:$0x0];
	_ =	sdelay $0x4  }
0x12f: {  	v4 =	vshll.u32 v3, $0x3  }
0x130: {  	v3 =	vand.u32 $0x7, v3;
	v4 =	vand.u32 $0xFFFFFFC0, v4  }
0x131: {  	v3 =	vor.u32 v3, v4  }
0x132: {  	v4 =	vperm.xlane v3, v0;
	_ =	sdelay $0x1  }
0x133: {  	v4 =	vadd.s32 v1, v4;
	_ =	sdelay $0x4  }
0x134: {  	[tilespmem:s14], [sflag:$0x1] =	stream.indirect_vreg.gather [hbm4b:s28+s6], $0x80, v4, vm0, $0xb8;
	[tilespmem:$0x10080] =	vst v63  }
0x135: {  	v3 =	vperm.xlane v3, v2  }
0x136: {  	[tilespmem:s15], [sflag:$0x1] =	stream.indirect_vreg.gather [hbm4b:s23+s6], $0x80, v4, vm0, $0xb8;
	[tilespmem:$0x10080] =	vst v63  }
0x137: {  	v3 =	vadd.s32 v1, v3  }
0x138: {  	[tilespmem:s16], [sflag:$0x1] =	stream.indirect_vreg.gather [hbm4b:s0+s6], $0x80, v4, vm0, $0xb8;
	[tilespmem:$0x10080] =	vst v63  }
0x139: {  	_ = 	snop  }
0x13a: {  	[tilespmem:s17], [sflag:$0x1] =	stream.indirect_vreg.gather [hbm4b:s2+s6], $0x80, v4, vm0, $0xb8;
	[tilespmem:$0x10080] =	vst v63  }
0x13b: {  	_ = 	snop  }
0x13c: {  	[tilespmem:s18], [sflag:$0x1] =	stream.indirect_vreg.gather [hbm4b:s28+s6], $0x80, v3, vm0, $0xb8;
	[tilespmem:$0x10080] =	vst v63  }
0x13d: {  	_ = 	snop  }
0x13e: {  	[tilespmem:s19], [sflag:$0x1] =	stream.indirect_vreg.gather [hbm4b:s23+s6], $0x80, v3, vm0, $0xb8;
	[tilespmem:$0x10080] =	vst v63  }
0x13f: {  	_ = 	snop  }
0x140: {  	[tilespmem:s12], [sflag:$0x1] =	stream.indirect_vreg.gather [hbm4b:s0+s6], $0x80, v3, vm0, $0xb8;
	[tilespmem:$0x10080] =	vst v63  }
0x141: {  	_ = 	snop  }
0x142: {  	[tilespmem:s20], [sflag:$0x1] =	stream.indirect_vreg.gather [hbm4b:s2+s6], $0x80, v3, vm0, $0xb8;
	[tilespmem:$0x10080] =	vst v63  }
0x143: {  	v3 =	vld [tilespmem:$0x10];
	_ =	sdelay $0x4  }
0x144: {  	v63 =	vshll.u32 v3, $0x3  }
0x145: {  	v3 =	vand.u32 $0x7, v3;
	v4 =	vand.u32 $0xFFFFFFC0, v63  }
0x146: {  	v3 =	vor.u32 v3, v4  }
0x147: {  	v4 =	vperm.xlane v3, v0;
	_ =	sdelay $0x1  }
0x148: {  	v4 =	vadd.s32 v1, v4;
	_ =	sdelay $0x4  }
0x149: {  	[tilespmem:s21], [sflag:$0x1] =	stream.indirect_vreg.gather [hbm4b:s28+s6], $0x80, v4, vm0, $0xb8;
	[tilespmem:$0x10080] =	vst v63  }
0x14a: {  	v3 =	vperm.xlane v3, v2  }
0x14b: {  	[tilespmem:s22], [sflag:$0x1] =	stream.indirect_vreg.gather [hbm4b:s23+s6], $0x80, v4, vm0, $0xb8;
	[tilespmem:$0x10080] =	vst v63  }
0x14c: {  	v3 =	vadd.s32 v1, v3  }
0x14d: {  	[tilespmem:s24], [sflag:$0x1] =	stream.indirect_vreg.gather [hbm4b:s0+s6], $0x80, v4, vm0, $0xb8;
	[tilespmem:$0x10080] =	vst v63  }
0x14e: {  	_ = 	snop  }
0x14f: {  	[tilespmem:s25], [sflag:$0x1] =	stream.indirect_vreg.gather [hbm4b:s2+s6], $0x80, v4, vm0, $0xb8;
	[tilespmem:$0x10080] =	vst v63  }
0x150: {  	_ = 	snop  }
0x151: {  	[tilespmem:s26], [sflag:$0x1] =	stream.indirect_vreg.gather [hbm4b:s28+s6], $0x80, v3, vm0, $0xb8;
	[tilespmem:$0x10080] =	vst v63  }
0x152: {  	_ = 	snop  }
0x153: {  	[tilespmem:s29], [sflag:$0x1] =	stream.indirect_vreg.gather [hbm4b:s23+s6], $0x80, v3, vm0, $0xb8;
	[tilespmem:$0x10080] =	vst v63  }
0x154: {  	_ = 	snop  }
0x155: {  	[tilespmem:s30], [sflag:$0x1] =	stream.indirect_vreg.gather [hbm4b:s0+s6], $0x80, v3, vm0, $0xb8;
	[tilespmem:$0x10080] =	vst v63  }
0x156: {  	_ = 	snop  }
0x157: {  	[tilespmem:s31], [sflag:$0x1] =	stream.indirect_vreg.gather [hbm4b:s2+s6], $0x80, v3, vm0, $0xb8;
	[tilespmem:$0x10080] =	vst v63  }
0x158: {  	_ =	swait.ge [sflag:s4], $0x8000  }
0x159: {  	[sflag:s4] =	ssyncset.done $0x0  }
0x15a: {  	s7 =	simm.s32 $0x0;
	[sflag:s4] =	ssyncadd.s32 $0xFFFF8000  }
.LBB2_14:
0x15b: {  	s3 =	sshll.u32 s7, $0xA;
	s5 =	sshll.u32 s7, $0x7  }
0x15c: {  	s3 =	sand.u32 $0x6000, s3;
	s5 =	sand.u32 $0x380, s5  }
0x15d: {  	s10 =	sand.u32 $0x1C00, s6;
	s8 =	sor.u32 s3, s5  }
0x15e: {  	s11 =	sand.u32 $0x70, s6;
	s3 =	sor.u32 s10, s8  }
0x15f: {  	s9 =	sor.u32 s11, s3  }
0x160: {  	v3 =	vld [tilespmem:s9+$0x80]  }
0x161: {  	v4 =	vld [tilespmem:s9+$0x8080];
	_ =	sdelay $0x2  }
0x162: {  	s10 =	simm.s32 $0x80  }
0x163: {  	s5 =	simm.s32 $0x10;
	s11 =	sand.u32 $0x1C00, s10  }
0x164: {  	s3 =	sand.u32 $0x70, s5;
	s5 =	sor.u32 s11, s8;
	s11 =	simm.s32 $0x20;
	v3 =	vadd.f32 v3, v4  }
.LBB2_15:
0x165: {  	p0 =	sne.s32 s11, $0x3F0;
	s3 =	sor.u32 s3, s5  }
0x166: {  	v4 =	vld [tilespmem:s3+$0x80];
	[tilespmem:s9+$0x8080] =	vst v3;
	s9 =	smov.u32 s3  }
0x167: {  	v3 =	vld [tilespmem:s9+$0x8080]  }
.Ltmp6:
0x168: {  	(pc) =	sbr.rel @p0 .LBB2_15-.Ltmp6, $4  }
0x169: {  	_ = 	snop  }
0x16a: {  	s10 =	sadd.s32 $0x80, s10  }
0x16b: {  	s5 =	sand.u32 $0x1C00, s10  }
0x16c: {  	s3 =	sand.u32 $0x70, s11;
	s11 =	sadd.s32 $0x10, s11;
	s5 =	sor.u32 s5, s8;
	v3 =	vadd.f32 v4, v3  }
0x16d: {  	s3 =	sor.u32 s3, s5  }
0x16e: {  	v4 =	vld [tilespmem:s3+$0x80];
	[tilespmem:s9+$0x8080] =	vst v3  }
0x16f: {  	v3 =	vld [tilespmem:s3+$0x8080]  }
0x170: {  	s7 =	sadd.s32 $0x1, s7  }
0x171: {  	p0 =	sne.s32 s7, $0x20  }
.Ltmp7:
0x172: {  	_ = 	snop;
	(pc) =	sbr.rel @p0 .LBB2_14-.Ltmp7, $3  }
0x173: {  	_ = 	snop  }
0x174: {  	v3 =	vadd.f32 v4, v3;
	_ =	sdelay $0x1  }
0x175: {  	[tilespmem:s3+$0x8080] =	vst v3  }
0x176: {  	s6 =	simm.s32 $0x0;
	s3 =	rddreg [dreg:$0x14]  }
0x177: {  	[hbm4b:s3+s6] =	stream.linear.scatter [tilespmem:s14], [sflag:$0x2], $0x8000, $0x38;
	[tilespmem:$0x10080] =	vst v63  }
0x178: {  	_ =	swait.ge [sflag:s13], $0x8000  }
0x179: {  	s11 =	sld [smem:$0x7F6]  }
0x17a: {  	[sflag:s13] =	ssyncset.done $0x0  }
0x17b: {  	[sflag:s13] =	ssyncadd.s32 $0xFFFF8000  }
0x17c: {  	[tilespmem:s6], [sflag:$0x2] =	stream.linear.gather [hbm4b:s11+s6], $0x20, $0x38;
	[tilespmem:$0x10080] =	vst v63  }
0x17d: {  	_ =	swait.ge [sflag:s13], $0x20  }
0x17e: {  	[sflag:s13] =	ssyncset.done $0x0  }
0x17f: {  	[sflag:s13] =	ssyncadd.s32 $0xFFFFFFE0  }
0x180: {  	v3 =	vld [tilespmem:$0x0];
	_ =	sdelay $0x4  }
0x181: {  	v4 =	vshll.u32 v3, $0x3  }
0x182: {  	v3 =	vand.u32 $0x7, v3;
	v4 =	vand.u32 $0xFFFFFFC0, v4  }
0x183: {  	v3 =	vor.u32 v3, v4  }
0x184: {  	v4 =	vperm.xlane v3, v0;
	_ =	sdelay $0x1  }
0x185: {  	v4 =	vadd.s32 v1, v4;
	_ =	sdelay $0x4  }
0x186: {  	[tilespmem:s14], [sflag:$0x1] =	stream.indirect_vreg.gather [hbm4b:s28+s6], $0x80, v4, vm0, $0xb8;
	[tilespmem:$0x10080] =	vst v63  }
0x187: {  	v3 =	vperm.xlane v3, v2  }
0x188: {  	[tilespmem:s15], [sflag:$0x1] =	stream.indirect_vreg.gather [hbm4b:s23+s6], $0x80, v4, vm0, $0xb8;
	[tilespmem:$0x10080] =	vst v63  }
0x189: {  	v3 =	vadd.s32 v1, v3  }
0x18a: {  	[tilespmem:s16], [sflag:$0x1] =	stream.indirect_vreg.gather [hbm4b:s0+s6], $0x80, v4, vm0, $0xb8;
	[tilespmem:$0x10080] =	vst v63  }
0x18b: {  	_ = 	snop  }
0x18c: {  	[tilespmem:s17], [sflag:$0x1] =	stream.indirect_vreg.gather [hbm4b:s2+s6], $0x80, v4, vm0, $0xb8;
	[tilespmem:$0x10080] =	vst v63  }
0x18d: {  	_ = 	snop  }
0x18e: {  	[tilespmem:s18], [sflag:$0x1] =	stream.indirect_vreg.gather [hbm4b:s28+s6], $0x80, v3, vm0, $0xb8;
	[tilespmem:$0x10080] =	vst v63  }
0x18f: {  	_ = 	snop  }
0x190: {  	[tilespmem:s19], [sflag:$0x1] =	stream.indirect_vreg.gather [hbm4b:s23+s6], $0x80, v3, vm0, $0xb8;
	[tilespmem:$0x10080] =	vst v63  }
0x191: {  	_ = 	snop  }
0x192: {  	[tilespmem:s12], [sflag:$0x1] =	stream.indirect_vreg.gather [hbm4b:s0+s6], $0x80, v3, vm0, $0xb8;
	[tilespmem:$0x10080] =	vst v63  }
0x193: {  	_ = 	snop  }
0x194: {  	[tilespmem:s20], [sflag:$0x1] =	stream.indirect_vreg.gather [hbm4b:s2+s6], $0x80, v3, vm0, $0xb8;
	[tilespmem:$0x10080] =	vst v63  }
0x195: {  	v3 =	vld [tilespmem:$0x10];
	_ =	sdelay $0x4  }
0x196: {  	v63 =	vshll.u32 v3, $0x3  }
0x197: {  	v3 =	vand.u32 $0x7, v3;
	v4 =	vand.u32 $0xFFFFFFC0, v63  }
0x198: {  	v3 =	vor.u32 v3, v4  }
0x199: {  	v4 =	vperm.xlane v3, v0;
	_ =	sdelay $0x1  }
0x19a: {  	v4 =	vadd.s32 v1, v4;
	_ =	sdelay $0x4  }
0x19b: {  	[tilespmem:s21], [sflag:$0x1] =	stream.indirect_vreg.gather [hbm4b:s28+s6], $0x80, v4, vm0, $0xb8;
	[tilespmem:$0x10080] =	vst v63  }
0x19c: {  	v3 =	vperm.xlane v3, v2  }
0x19d: {  	[tilespmem:s22], [sflag:$0x1] =	stream.indirect_vreg.gather [hbm4b:s23+s6], $0x80, v4, vm0, $0xb8;
	[tilespmem:$0x10080] =	vst v63  }
0x19e: {  	v3 =	vadd.s32 v1, v3  }
0x19f: {  	[tilespmem:s24], [sflag:$0x1] =	stream.indirect_vreg.gather [hbm4b:s0+s6], $0x80, v4, vm0, $0xb8;
	[tilespmem:$0x10080] =	vst v63  }
0x1a0: {  	_ = 	snop  }
0x1a1: {  	[tilespmem:s25], [sflag:$0x1] =	stream.indirect_vreg.gather [hbm4b:s2+s6], $0x80, v4, vm0, $0xb8;
	[tilespmem:$0x10080] =	vst v63  }
0x1a2: {  	_ = 	snop  }
0x1a3: {  	[tilespmem:s26], [sflag:$0x1] =	stream.indirect_vreg.gather [hbm4b:s28+s6], $0x80, v3, vm0, $0xb8;
	[tilespmem:$0x10080] =	vst v63  }
0x1a4: {  	_ = 	snop  }
0x1a5: {  	[tilespmem:s29], [sflag:$0x1] =	stream.indirect_vreg.gather [hbm4b:s23+s6], $0x80, v3, vm0, $0xb8;
	[tilespmem:$0x10080] =	vst v63  }
0x1a6: {  	_ = 	snop  }
0x1a7: {  	[tilespmem:s30], [sflag:$0x1] =	stream.indirect_vreg.gather [hbm4b:s0+s6], $0x80, v3, vm0, $0xb8;
	[tilespmem:$0x10080] =	vst v63  }
0x1a8: {  	_ = 	snop  }
0x1a9: {  	[tilespmem:s31], [sflag:$0x1] =	stream.indirect_vreg.gather [hbm4b:s2+s6], $0x80, v3, vm0, $0xb8;
	[tilespmem:$0x10080] =	vst v63  }
0x1aa: {  	_ =	swait.ge [sflag:s4], $0x8000  }
0x1ab: {  	[sflag:s4] =	ssyncset.done $0x0  }
0x1ac: {  	s7 =	simm.s32 $0x0;
	[sflag:s4] =	ssyncadd.s32 $0xFFFF8000  }
.LBB2_18:
0x1ad: {  	s3 =	sshll.u32 s7, $0xA;
	s5 =	sshll.u32 s7, $0x7  }
0x1ae: {  	s3 =	sand.u32 $0x6000, s3;
	s5 =	sand.u32 $0x380, s5  }
0x1af: {  	s10 =	sand.u32 $0x1C00, s6;
	s8 =	sor.u32 s3, s5  }
0x1b0: {  	s11 =	sand.u32 $0x70, s6;
	s3 =	sor.u32 s10, s8  }
0x1b1: {  	s9 =	sor.u32 s11, s3  }
0x1b2: {  	v3 =	vld [tilespmem:s9+$0x80]  }
0x1b3: {  	v4 =	vld [tilespmem:s9+$0x8080];
	_ =	sdelay $0x2  }
0x1b4: {  	s10 =	simm.s32 $0x80  }
0x1b5: {  	s5 =	simm.s32 $0x10;
	s11 =	sand.u32 $0x1C00, s10  }
0x1b6: {  	s3 =	sand.u32 $0x70, s5;
	s5 =	sor.u32 s11, s8;
	s11 =	simm.s32 $0x20;
	v3 =	vadd.f32 v3, v4  }
.LBB2_19:
0x1b7: {  	p0 =	sne.s32 s11, $0x3F0;
	s3 =	sor.u32 s3, s5  }
0x1b8: {  	v4 =	vld [tilespmem:s3+$0x80];
	[tilespmem:s9+$0x8080] =	vst v3;
	s9 =	smov.u32 s3  }
0x1b9: {  	v3 =	vld [tilespmem:s9+$0x8080]  }
.Ltmp8:
0x1ba: {  	(pc) =	sbr.rel @p0 .LBB2_19-.Ltmp8, $4  }
0x1bb: {  	_ = 	snop  }
0x1bc: {  	s10 =	sadd.s32 $0x80, s10  }
0x1bd: {  	s5 =	sand.u32 $0x1C00, s10  }
0x1be: {  	s3 =	sand.u32 $0x70, s11;
	s11 =	sadd.s32 $0x10, s11;
	s5 =	sor.u32 s5, s8;
	v3 =	vadd.f32 v4, v3  }
0x1bf: {  	s3 =	sor.u32 s3, s5  }
0x1c0: {  	v4 =	vld [tilespmem:s3+$0x80];
	[tilespmem:s9+$0x8080] =	vst v3  }
0x1c1: {  	v3 =	vld [tilespmem:s3+$0x8080]  }
0x1c2: {  	s7 =	sadd.s32 $0x1, s7  }
0x1c3: {  	p0 =	sne.s32 s7, $0x20  }
.Ltmp9:
0x1c4: {  	_ = 	snop;
	(pc) =	sbr.rel @p0 .LBB2_18-.Ltmp9, $3  }
0x1c5: {  	_ = 	snop  }
0x1c6: {  	v3 =	vadd.f32 v4, v3;
	_ =	sdelay $0x1  }
0x1c7: {  	[tilespmem:s3+$0x8080] =	vst v3  }
0x1c8: {  	s6 =	simm.s32 $0x0;
	s3 =	rddreg [dreg:$0x11]  }
0x1c9: {  	[hbm4b:s3+s6] =	stream.linear.scatter [tilespmem:s14], [sflag:$0x2], $0x8000, $0x38;
	[tilespmem:$0x10080] =	vst v63  }
0x1ca: {  	_ =	swait.ge [sflag:s13], $0x8000  }
0x1cb: {  	s11 =	sld [smem:$0x7F7]  }
0x1cc: {  	[sflag:s13] =	ssyncset.done $0x0  }
0x1cd: {  	[sflag:s13] =	ssyncadd.s32 $0xFFFF8000  }
0x1ce: {  	[tilespmem:s6], [sflag:$0x2] =	stream.linear.gather [hbm4b:s11+s6], $0x20, $0x38;
	[tilespmem:$0x10080] =	vst v63  }
0x1cf: {  	_ =	swait.ge [sflag:s13], $0x20  }
0x1d0: {  	[sflag:s13] =	ssyncset.done $0x0  }
0x1d1: {  	[sflag:s13] =	ssyncadd.s32 $0xFFFFFFE0  }
0x1d2: {  	v3 =	vld [tilespmem:$0x0];
	_ =	sdelay $0x4  }
0x1d3: {  	v4 =	vshll.u32 v3, $0x3  }
0x1d4: {  	v3 =	vand.u32 $0x7, v3;
	v4 =	vand.u32 $0xFFFFFFC0, v4  }
0x1d5: {  	v3 =	vor.u32 v3, v4  }
0x1d6: {  	v4 =	vperm.xlane v3, v0;
	_ =	sdelay $0x1  }
0x1d7: {  	v4 =	vadd.s32 v1, v4;
	_ =	sdelay $0x4  }
0x1d8: {  	[tilespmem:s14], [sflag:$0x1] =	stream.indirect_vreg.gather [hbm4b:s28+s6], $0x80, v4, vm0, $0xb8;
	[tilespmem:$0x10080] =	vst v63  }
0x1d9: {  	v3 =	vperm.xlane v3, v2  }
0x1da: {  	[tilespmem:s15], [sflag:$0x1] =	stream.indirect_vreg.gather [hbm4b:s23+s6], $0x80, v4, vm0, $0xb8;
	[tilespmem:$0x10080] =	vst v63  }
0x1db: {  	v3 =	vadd.s32 v1, v3  }
0x1dc: {  	[tilespmem:s16], [sflag:$0x1] =	stream.indirect_vreg.gather [hbm4b:s0+s6], $0x80, v4, vm0, $0xb8;
	[tilespmem:$0x10080] =	vst v63  }
0x1dd: {  	_ = 	snop  }
0x1de: {  	[tilespmem:s17], [sflag:$0x1] =	stream.indirect_vreg.gather [hbm4b:s2+s6], $0x80, v4, vm0, $0xb8;
	[tilespmem:$0x10080] =	vst v63  }
0x1df: {  	_ = 	snop  }
0x1e0: {  	[tilespmem:s18], [sflag:$0x1] =	stream.indirect_vreg.gather [hbm4b:s28+s6], $0x80, v3, vm0, $0xb8;
	[tilespmem:$0x10080] =	vst v63  }
0x1e1: {  	_ = 	snop  }
0x1e2: {  	[tilespmem:s19], [sflag:$0x1] =	stream.indirect_vreg.gather [hbm4b:s23+s6], $0x80, v3, vm0, $0xb8;
	[tilespmem:$0x10080] =	vst v63  }
0x1e3: {  	_ = 	snop  }
0x1e4: {  	[tilespmem:s12], [sflag:$0x1] =	stream.indirect_vreg.gather [hbm4b:s0+s6], $0x80, v3, vm0, $0xb8;
	[tilespmem:$0x10080] =	vst v63  }
0x1e5: {  	_ = 	snop  }
0x1e6: {  	[tilespmem:s20], [sflag:$0x1] =	stream.indirect_vreg.gather [hbm4b:s2+s6], $0x80, v3, vm0, $0xb8;
	[tilespmem:$0x10080] =	vst v63  }
0x1e7: {  	v3 =	vld [tilespmem:$0x10];
	_ =	sdelay $0x4  }
0x1e8: {  	v63 =	vshll.u32 v3, $0x3  }
0x1e9: {  	v3 =	vand.u32 $0x7, v3;
	v4 =	vand.u32 $0xFFFFFFC0, v63  }
0x1ea: {  	v3 =	vor.u32 v3, v4  }
0x1eb: {  	v4 =	vperm.xlane v3, v0;
	_ =	sdelay $0x1  }
0x1ec: {  	v4 =	vadd.s32 v1, v4;
	_ =	sdelay $0x4  }
0x1ed: {  	[tilespmem:s21], [sflag:$0x1] =	stream.indirect_vreg.gather [hbm4b:s28+s6], $0x80, v4, vm0, $0xb8;
	[tilespmem:$0x10080] =	vst v63  }
0x1ee: {  	v3 =	vperm.xlane v3, v2  }
0x1ef: {  	[tilespmem:s22], [sflag:$0x1] =	stream.indirect_vreg.gather [hbm4b:s23+s6], $0x80, v4, vm0, $0xb8;
	[tilespmem:$0x10080] =	vst v63  }
0x1f0: {  	v3 =	vadd.s32 v1, v3  }
0x1f1: {  	[tilespmem:s24], [sflag:$0x1] =	stream.indirect_vreg.gather [hbm4b:s0+s6], $0x80, v4, vm0, $0xb8;
	[tilespmem:$0x10080] =	vst v63  }
0x1f2: {  	_ = 	snop  }
0x1f3: {  	[tilespmem:s25], [sflag:$0x1] =	stream.indirect_vreg.gather [hbm4b:s2+s6], $0x80, v4, vm0, $0xb8;
	[tilespmem:$0x10080] =	vst v63  }
0x1f4: {  	_ = 	snop  }
0x1f5: {  	[tilespmem:s26], [sflag:$0x1] =	stream.indirect_vreg.gather [hbm4b:s28+s6], $0x80, v3, vm0, $0xb8;
	[tilespmem:$0x10080] =	vst v63  }
0x1f6: {  	_ = 	snop  }
0x1f7: {  	[tilespmem:s29], [sflag:$0x1] =	stream.indirect_vreg.gather [hbm4b:s23+s6], $0x80, v3, vm0, $0xb8;
	[tilespmem:$0x10080] =	vst v63  }
0x1f8: {  	_ = 	snop  }
0x1f9: {  	[tilespmem:s30], [sflag:$0x1] =	stream.indirect_vreg.gather [hbm4b:s0+s6], $0x80, v3, vm0, $0xb8;
	[tilespmem:$0x10080] =	vst v63  }
0x1fa: {  	_ = 	snop  }
0x1fb: {  	[tilespmem:s31], [sflag:$0x1] =	stream.indirect_vreg.gather [hbm4b:s2+s6], $0x80, v3, vm0, $0xb8;
	[tilespmem:$0x10080] =	vst v63  }
0x1fc: {  	_ =	swait.ge [sflag:s4], $0x8000  }
0x1fd: {  	[sflag:s4] =	ssyncset.done $0x0  }
0x1fe: {  	s7 =	simm.s32 $0x0;
	[sflag:s4] =	ssyncadd.s32 $0xFFFF8000  }
.LBB2_22:
0x1ff: {  	s3 =	sshll.u32 s7, $0xA;
	s5 =	sshll.u32 s7, $0x7  }
0x200: {  	s3 =	sand.u32 $0x6000, s3;
	s5 =	sand.u32 $0x380, s5  }
0x201: {  	s10 =	sand.u32 $0x1C00, s6;
	s8 =	sor.u32 s3, s5  }
0x202: {  	s11 =	sand.u32 $0x70, s6;
	s3 =	sor.u32 s10, s8  }
0x203: {  	s9 =	sor.u32 s11, s3  }
0x204: {  	v3 =	vld [tilespmem:s9+$0x80]  }
0x205: {  	v4 =	vld [tilespmem:s9+$0x8080];
	_ =	sdelay $0x2  }
0x206: {  	s10 =	simm.s32 $0x80  }
0x207: {  	s5 =	simm.s32 $0x10;
	s11 =	sand.u32 $0x1C00, s10  }
0x208: {  	s3 =	sand.u32 $0x70, s5;
	s5 =	sor.u32 s11, s8;
	s11 =	simm.s32 $0x20;
	v3 =	vadd.f32 v3, v4  }
.LBB2_23:
0x209: {  	p0 =	sne.s32 s11, $0x3F0;
	s3 =	sor.u32 s3, s5  }
0x20a: {  	v4 =	vld [tilespmem:s3+$0x80];
	[tilespmem:s9+$0x8080] =	vst v3;
	s9 =	smov.u32 s3  }
0x20b: {  	v3 =	vld [tilespmem:s9+$0x8080]  }
.Ltmp10:
0x20c: {  	(pc) =	sbr.rel @p0 .LBB2_23-.Ltmp10, $4  }
0x20d: {  	_ = 	snop  }
0x20e: {  	s10 =	sadd.s32 $0x80, s10  }
0x20f: {  	s5 =	sand.u32 $0x1C00, s10  }
0x210: {  	s3 =	sand.u32 $0x70, s11;
	s11 =	sadd.s32 $0x10, s11;
	s5 =	sor.u32 s5, s8;
	v3 =	vadd.f32 v4, v3  }
0x211: {  	s3 =	sor.u32 s3, s5  }
0x212: {  	v4 =	vld [tilespmem:s3+$0x80];
	[tilespmem:s9+$0x8080] =	vst v3  }
0x213: {  	v3 =	vld [tilespmem:s3+$0x8080]  }
0x214: {  	s7 =	sadd.s32 $0x1, s7  }
0x215: {  	p0 =	sne.s32 s7, $0x20  }
.Ltmp11:
0x216: {  	_ = 	snop;
	(pc) =	sbr.rel @p0 .LBB2_22-.Ltmp11, $3  }
0x217: {  	_ = 	snop  }
0x218: {  	v3 =	vadd.f32 v4, v3;
	_ =	sdelay $0x1  }
0x219: {  	[tilespmem:s3+$0x8080] =	vst v3  }
0x21a: {  	s6 =	simm.s32 $0x0;
	s3 =	rddreg [dreg:$0x12]  }
0x21b: {  	[hbm4b:s3+s6] =	stream.linear.scatter [tilespmem:s14], [sflag:$0x2], $0x8000, $0x38;
	[tilespmem:$0x10080] =	vst v63  }
0x21c: {  	_ =	swait.ge [sflag:s13], $0x8000  }
0x21d: {  	s11 =	sld [smem:$0x7F8]  }
0x21e: {  	[sflag:s13] =	ssyncset.done $0x0  }
0x21f: {  	[sflag:s13] =	ssyncadd.s32 $0xFFFF8000  }
0x220: {  	[tilespmem:s6], [sflag:$0x2] =	stream.linear.gather [hbm4b:s11+s6], $0x20, $0x38;
	[tilespmem:$0x10080] =	vst v63  }
0x221: {  	_ =	swait.ge [sflag:s13], $0x20  }
0x222: {  	[sflag:s13] =	ssyncset.done $0x0  }
0x223: {  	[sflag:s13] =	ssyncadd.s32 $0xFFFFFFE0  }
0x224: {  	v3 =	vld [tilespmem:$0x0];
	_ =	sdelay $0x4  }
0x225: {  	v4 =	vshll.u32 v3, $0x3  }
0x226: {  	v3 =	vand.u32 $0x7, v3;
	v4 =	vand.u32 $0xFFFFFFC0, v4  }
0x227: {  	v3 =	vor.u32 v3, v4  }
0x228: {  	v4 =	vperm.xlane v3, v0;
	_ =	sdelay $0x1  }
0x229: {  	v4 =	vadd.s32 v1, v4;
	_ =	sdelay $0x4  }
0x22a: {  	[tilespmem:s14], [sflag:$0x1] =	stream.indirect_vreg.gather [hbm4b:s28+s6], $0x80, v4, vm0, $0xb8;
	[tilespmem:$0x10080] =	vst v63  }
0x22b: {  	v3 =	vperm.xlane v3, v2  }
0x22c: {  	[tilespmem:s15], [sflag:$0x1] =	stream.indirect_vreg.gather [hbm4b:s23+s6], $0x80, v4, vm0, $0xb8;
	[tilespmem:$0x10080] =	vst v63  }
0x22d: {  	v3 =	vadd.s32 v1, v3  }
0x22e: {  	[tilespmem:s16], [sflag:$0x1] =	stream.indirect_vreg.gather [hbm4b:s0+s6], $0x80, v4, vm0, $0xb8;
	[tilespmem:$0x10080] =	vst v63  }
0x22f: {  	_ = 	snop  }
0x230: {  	[tilespmem:s17], [sflag:$0x1] =	stream.indirect_vreg.gather [hbm4b:s2+s6], $0x80, v4, vm0, $0xb8;
	[tilespmem:$0x10080] =	vst v63  }
0x231: {  	_ = 	snop  }
0x232: {  	[tilespmem:s18], [sflag:$0x1] =	stream.indirect_vreg.gather [hbm4b:s28+s6], $0x80, v3, vm0, $0xb8;
	[tilespmem:$0x10080] =	vst v63  }
0x233: {  	_ = 	snop  }
0x234: {  	[tilespmem:s19], [sflag:$0x1] =	stream.indirect_vreg.gather [hbm4b:s23+s6], $0x80, v3, vm0, $0xb8;
	[tilespmem:$0x10080] =	vst v63  }
0x235: {  	_ = 	snop  }
0x236: {  	[tilespmem:s12], [sflag:$0x1] =	stream.indirect_vreg.gather [hbm4b:s0+s6], $0x80, v3, vm0, $0xb8;
	[tilespmem:$0x10080] =	vst v63  }
0x237: {  	_ = 	snop  }
0x238: {  	[tilespmem:s20], [sflag:$0x1] =	stream.indirect_vreg.gather [hbm4b:s2+s6], $0x80, v3, vm0, $0xb8;
	[tilespmem:$0x10080] =	vst v63  }
0x239: {  	v3 =	vld [tilespmem:$0x10];
	_ =	sdelay $0x4  }
0x23a: {  	v63 =	vshll.u32 v3, $0x3  }
0x23b: {  	v3 =	vand.u32 $0x7, v3;
	v4 =	vand.u32 $0xFFFFFFC0, v63  }
0x23c: {  	v3 =	vor.u32 v3, v4  }
0x23d: {  	v4 =	vperm.xlane v3, v0;
	_ =	sdelay $0x1  }
0x23e: {  	v4 =	vadd.s32 v1, v4;
	_ =	sdelay $0x4  }
0x23f: {  	[tilespmem:s21], [sflag:$0x1] =	stream.indirect_vreg.gather [hbm4b:s28+s6], $0x80, v4, vm0, $0xb8;
	[tilespmem:$0x10080] =	vst v63  }
0x240: {  	v3 =	vperm.xlane v3, v2  }
0x241: {  	[tilespmem:s22], [sflag:$0x1] =	stream.indirect_vreg.gather [hbm4b:s23+s6], $0x80, v4, vm0, $0xb8;
	[tilespmem:$0x10080] =	vst v63  }
0x242: {  	v3 =	vadd.s32 v1, v3  }
0x243: {  	[tilespmem:s24], [sflag:$0x1] =	stream.indirect_vreg.gather [hbm4b:s0+s6], $0x80, v4, vm0, $0xb8;
	[tilespmem:$0x10080] =	vst v63  }
0x244: {  	_ = 	snop  }
0x245: {  	[tilespmem:s25], [sflag:$0x1] =	stream.indirect_vreg.gather [hbm4b:s2+s6], $0x80, v4, vm0, $0xb8;
	[tilespmem:$0x10080] =	vst v63  }
0x246: {  	_ = 	snop  }
0x247: {  	[tilespmem:s26], [sflag:$0x1] =	stream.indirect_vreg.gather [hbm4b:s28+s6], $0x80, v3, vm0, $0xb8;
	[tilespmem:$0x10080] =	vst v63  }
0x248: {  	_ = 	snop  }
0x249: {  	[tilespmem:s29], [sflag:$0x1] =	stream.indirect_vreg.gather [hbm4b:s23+s6], $0x80, v3, vm0, $0xb8;
	[tilespmem:$0x10080] =	vst v63  }
0x24a: {  	_ = 	snop  }
0x24b: {  	[tilespmem:s30], [sflag:$0x1] =	stream.indirect_vreg.gather [hbm4b:s0+s6], $0x80, v3, vm0, $0xb8;
	[tilespmem:$0x10080] =	vst v63  }
0x24c: {  	_ = 	snop  }
0x24d: {  	[tilespmem:s31], [sflag:$0x1] =	stream.indirect_vreg.gather [hbm4b:s2+s6], $0x80, v3, vm0, $0xb8;
	[tilespmem:$0x10080] =	vst v63  }
0x24e: {  	_ =	swait.ge [sflag:s4], $0x8000  }
0x24f: {  	[sflag:s4] =	ssyncset.done $0x0  }
0x250: {  	s7 =	simm.s32 $0x0;
	[sflag:s4] =	ssyncadd.s32 $0xFFFF8000  }
.LBB2_26:
0x251: {  	s3 =	sshll.u32 s7, $0xA;
	s5 =	sshll.u32 s7, $0x7  }
0x252: {  	s3 =	sand.u32 $0x6000, s3;
	s5 =	sand.u32 $0x380, s5  }
0x253: {  	s10 =	sand.u32 $0x1C00, s6;
	s8 =	sor.u32 s3, s5  }
0x254: {  	s11 =	sand.u32 $0x70, s6;
	s3 =	sor.u32 s10, s8  }
0x255: {  	s9 =	sor.u32 s11, s3  }
0x256: {  	v3 =	vld [tilespmem:s9+$0x80]  }
0x257: {  	v4 =	vld [tilespmem:s9+$0x8080];
	_ =	sdelay $0x2  }
0x258: {  	s10 =	simm.s32 $0x80  }
0x259: {  	s5 =	simm.s32 $0x10;
	s11 =	sand.u32 $0x1C00, s10  }
0x25a: {  	s3 =	sand.u32 $0x70, s5;
	s5 =	sor.u32 s11, s8;
	s11 =	simm.s32 $0x20;
	v3 =	vadd.f32 v3, v4  }
.LBB2_27:
0x25b: {  	p0 =	sne.s32 s11, $0x3F0;
	s3 =	sor.u32 s3, s5  }
0x25c: {  	v4 =	vld [tilespmem:s3+$0x80];
	[tilespmem:s9+$0x8080] =	vst v3;
	s9 =	smov.u32 s3  }
0x25d: {  	v3 =	vld [tilespmem:s9+$0x8080]  }
.Ltmp12:
0x25e: {  	(pc) =	sbr.rel @p0 .LBB2_27-.Ltmp12, $4  }
0x25f: {  	_ = 	snop  }
0x260: {  	s10 =	sadd.s32 $0x80, s10  }
0x261: {  	s5 =	sand.u32 $0x1C00, s10  }
0x262: {  	s3 =	sand.u32 $0x70, s11;
	s11 =	sadd.s32 $0x10, s11;
	s5 =	sor.u32 s5, s8;
	v3 =	vadd.f32 v4, v3  }
0x263: {  	s3 =	sor.u32 s3, s5  }
0x264: {  	v4 =	vld [tilespmem:s3+$0x80];
	[tilespmem:s9+$0x8080] =	vst v3  }
0x265: {  	v3 =	vld [tilespmem:s3+$0x8080]  }
0x266: {  	s7 =	sadd.s32 $0x1, s7  }
0x267: {  	p0 =	sne.s32 s7, $0x20  }
.Ltmp13:
0x268: {  	_ = 	snop;
	(pc) =	sbr.rel @p0 .LBB2_26-.Ltmp13, $3  }
0x269: {  	_ = 	snop  }
0x26a: {  	v3 =	vadd.f32 v4, v3;
	_ =	sdelay $0x1  }
0x26b: {  	[tilespmem:s3+$0x8080] =	vst v3  }
0x26c: {  	s6 =	simm.s32 $0x0;
	s3 =	rddreg [dreg:$0x13]  }
0x26d: {  	[hbm4b:s3+s6] =	stream.linear.scatter [tilespmem:s14], [sflag:$0x2], $0x8000, $0x38;
	[tilespmem:$0x10080] =	vst v63  }
0x26e: {  	_ =	swait.ge [sflag:s13], $0x8000  }
0x26f: {  	s11 =	sld [smem:$0x7F9]  }
0x270: {  	[sflag:s13] =	ssyncset.done $0x0  }
0x271: {  	[sflag:s13] =	ssyncadd.s32 $0xFFFF8000  }
0x272: {  	[tilespmem:s6], [sflag:$0x2] =	stream.linear.gather [hbm4b:s11+s6], $0x20, $0x38;
	[tilespmem:$0x10080] =	vst v63  }
0x273: {  	_ =	swait.ge [sflag:s13], $0x20  }
0x274: {  	[sflag:s13] =	ssyncset.done $0x0  }
0x275: {  	[sflag:s13] =	ssyncadd.s32 $0xFFFFFFE0  }
0x276: {  	v3 =	vld [tilespmem:$0x0];
	_ =	sdelay $0x4  }
0x277: {  	v4 =	vshll.u32 v3, $0x3  }
0x278: {  	v3 =	vand.u32 $0x7, v3;
	v4 =	vand.u32 $0xFFFFFFC0, v4  }
0x279: {  	v3 =	vor.u32 v3, v4  }
0x27a: {  	v4 =	vperm.xlane v3, v0;
	_ =	sdelay $0x1  }
0x27b: {  	v4 =	vadd.s32 v1, v4;
	_ =	sdelay $0x4  }
0x27c: {  	[tilespmem:s14], [sflag:$0x1] =	stream.indirect_vreg.gather [hbm4b:s28+s6], $0x80, v4, vm0, $0xb8;
	[tilespmem:$0x10080] =	vst v63  }
0x27d: {  	v3 =	vperm.xlane v3, v2  }
0x27e: {  	[tilespmem:s15], [sflag:$0x1] =	stream.indirect_vreg.gather [hbm4b:s23+s6], $0x80, v4, vm0, $0xb8;
	[tilespmem:$0x10080] =	vst v63  }
0x27f: {  	v3 =	vadd.s32 v1, v3  }
0x280: {  	[tilespmem:s16], [sflag:$0x1] =	stream.indirect_vreg.gather [hbm4b:s0+s6], $0x80, v4, vm0, $0xb8;
	[tilespmem:$0x10080] =	vst v63  }
0x281: {  	_ = 	snop  }
0x282: {  	[tilespmem:s17], [sflag:$0x1] =	stream.indirect_vreg.gather [hbm4b:s2+s6], $0x80, v4, vm0, $0xb8;
	[tilespmem:$0x10080] =	vst v63  }
0x283: {  	_ = 	snop  }
0x284: {  	[tilespmem:s18], [sflag:$0x1] =	stream.indirect_vreg.gather [hbm4b:s28+s6], $0x80, v3, vm0, $0xb8;
	[tilespmem:$0x10080] =	vst v63  }
0x285: {  	_ = 	snop  }
0x286: {  	[tilespmem:s19], [sflag:$0x1] =	stream.indirect_vreg.gather [hbm4b:s23+s6], $0x80, v3, vm0, $0xb8;
	[tilespmem:$0x10080] =	vst v63  }
0x287: {  	_ = 	snop  }
0x288: {  	[tilespmem:s12], [sflag:$0x1] =	stream.indirect_vreg.gather [hbm4b:s0+s6], $0x80, v3, vm0, $0xb8;
	[tilespmem:$0x10080] =	vst v63  }
0x289: {  	_ = 	snop  }
0x28a: {  	[tilespmem:s20], [sflag:$0x1] =	stream.indirect_vreg.gather [hbm4b:s2+s6], $0x80, v3, vm0, $0xb8;
	[tilespmem:$0x10080] =	vst v63  }
0x28b: {  	v3 =	vld [tilespmem:$0x10];
	_ =	sdelay $0x4  }
0x28c: {  	v63 =	vshll.u32 v3, $0x3  }
0x28d: {  	v3 =	vand.u32 $0x7, v3;
	v4 =	vand.u32 $0xFFFFFFC0, v63  }
0x28e: {  	v3 =	vor.u32 v3, v4  }
0x28f: {  	v4 =	vperm.xlane v3, v0;
	_ =	sdelay $0x1  }
0x290: {  	v4 =	vadd.s32 v1, v4;
	_ =	sdelay $0x4  }
0x291: {  	[tilespmem:s21], [sflag:$0x1] =	stream.indirect_vreg.gather [hbm4b:s28+s6], $0x80, v4, vm0, $0xb8;
	[tilespmem:$0x10080] =	vst v63  }
0x292: {  	v3 =	vperm.xlane v3, v2  }
0x293: {  	[tilespmem:s22], [sflag:$0x1] =	stream.indirect_vreg.gather [hbm4b:s23+s6], $0x80, v4, vm0, $0xb8;
	[tilespmem:$0x10080] =	vst v63  }
0x294: {  	v3 =	vadd.s32 v1, v3  }
0x295: {  	[tilespmem:s24], [sflag:$0x1] =	stream.indirect_vreg.gather [hbm4b:s0+s6], $0x80, v4, vm0, $0xb8;
	[tilespmem:$0x10080] =	vst v63  }
0x296: {  	_ = 	snop  }
0x297: {  	[tilespmem:s25], [sflag:$0x1] =	stream.indirect_vreg.gather [hbm4b:s2+s6], $0x80, v4, vm0, $0xb8;
	[tilespmem:$0x10080] =	vst v63  }
0x298: {  	_ = 	snop  }
0x299: {  	[tilespmem:s26], [sflag:$0x1] =	stream.indirect_vreg.gather [hbm4b:s28+s6], $0x80, v3, vm0, $0xb8;
	[tilespmem:$0x10080] =	vst v63  }
0x29a: {  	_ = 	snop  }
0x29b: {  	[tilespmem:s29], [sflag:$0x1] =	stream.indirect_vreg.gather [hbm4b:s23+s6], $0x80, v3, vm0, $0xb8;
	[tilespmem:$0x10080] =	vst v63  }
0x29c: {  	_ = 	snop  }
0x29d: {  	[tilespmem:s30], [sflag:$0x1] =	stream.indirect_vreg.gather [hbm4b:s0+s6], $0x80, v3, vm0, $0xb8;
	[tilespmem:$0x10080] =	vst v63  }
0x29e: {  	_ = 	snop  }
0x29f: {  	[tilespmem:s31], [sflag:$0x1] =	stream.indirect_vreg.gather [hbm4b:s2+s6], $0x80, v3, vm0, $0xb8;
	[tilespmem:$0x10080] =	vst v63  }
0x2a0: {  	_ =	swait.ge [sflag:s4], $0x8000  }
0x2a1: {  	[sflag:s4] =	ssyncset.done $0x0  }
0x2a2: {  	s7 =	simm.s32 $0x0;
	[sflag:s4] =	ssyncadd.s32 $0xFFFF8000  }
.LBB2_30:
0x2a3: {  	s3 =	sshll.u32 s7, $0xA;
	s5 =	sshll.u32 s7, $0x7  }
0x2a4: {  	s3 =	sand.u32 $0x6000, s3;
	s5 =	sand.u32 $0x380, s5  }
0x2a5: {  	s10 =	sand.u32 $0x1C00, s6;
	s8 =	sor.u32 s3, s5  }
0x2a6: {  	s11 =	sand.u32 $0x70, s6;
	s3 =	sor.u32 s10, s8  }
0x2a7: {  	s9 =	sor.u32 s11, s3  }
0x2a8: {  	v3 =	vld [tilespmem:s9+$0x80]  }
0x2a9: {  	v4 =	vld [tilespmem:s9+$0x8080];
	_ =	sdelay $0x2  }
0x2aa: {  	s10 =	simm.s32 $0x80  }
0x2ab: {  	s5 =	simm.s32 $0x10;
	s11 =	sand.u32 $0x1C00, s10  }
0x2ac: {  	s3 =	sand.u32 $0x70, s5;
	s5 =	sor.u32 s11, s8;
	s11 =	simm.s32 $0x20;
	v3 =	vadd.f32 v3, v4  }
.LBB2_31:
0x2ad: {  	p0 =	sne.s32 s11, $0x3F0;
	s3 =	sor.u32 s3, s5  }
0x2ae: {  	v4 =	vld [tilespmem:s3+$0x80];
	[tilespmem:s9+$0x8080] =	vst v3;
	s9 =	smov.u32 s3  }
0x2af: {  	v3 =	vld [tilespmem:s9+$0x8080]  }
.Ltmp14:
0x2b0: {  	(pc) =	sbr.rel @p0 .LBB2_31-.Ltmp14, $4  }
0x2b1: {  	_ = 	snop  }
0x2b2: {  	s10 =	sadd.s32 $0x80, s10  }
0x2b3: {  	s5 =	sand.u32 $0x1C00, s10  }
0x2b4: {  	s3 =	sand.u32 $0x70, s11;
	s11 =	sadd.s32 $0x10, s11;
	s5 =	sor.u32 s5, s8;
	v3 =	vadd.f32 v4, v3  }
0x2b5: {  	s3 =	sor.u32 s3, s5  }
0x2b6: {  	v4 =	vld [tilespmem:s3+$0x80];
	[tilespmem:s9+$0x8080] =	vst v3  }
0x2b7: {  	v3 =	vld [tilespmem:s3+$0x8080]  }
0x2b8: {  	s7 =	sadd.s32 $0x1, s7  }
0x2b9: {  	p0 =	sne.s32 s7, $0x20  }
.Ltmp15:
0x2ba: {  	_ = 	snop;
	(pc) =	sbr.rel @p0 .LBB2_30-.Ltmp15, $3  }
0x2bb: {  	_ = 	snop  }
0x2bc: {  	v3 =	vadd.f32 v4, v3;
	_ =	sdelay $0x1  }
0x2bd: {  	[tilespmem:s3+$0x8080] =	vst v3  }
0x2be: {  	s6 =	simm.s32 $0x0;
	s3 =	rddreg [dreg:$0x15]  }
0x2bf: {  	[hbm4b:s3+s6] =	stream.linear.scatter [tilespmem:s14], [sflag:$0x2], $0x8000, $0x38;
	[tilespmem:$0x10080] =	vst v63  }
0x2c0: {  	_ =	swait.ge [sflag:s13], $0x8000  }
0x2c1: {  	[sflag:s13] =	ssyncset.done $0x0  }
0x2c2: {  	s5 =	simm.s32 $0x80;
	s10 =	rddreg [dreg:$0x16];
	[sflag:s13] =	ssyncadd.s32 $0xFFFF8000  }
0x2c3: {  	[tilespmem:s5], [sflag:$0x2] =	stream.linear.gather [hbm4b:s10+s6], $0x8000, $0x38;
	[tilespmem:$0x10080] =	vst v63  }
0x2c4: {  	_ =	swait.ge [sflag:s13], $0x8000  }
0x2c5: {  	[sflag:s13] =	ssyncset.done $0x0  }
0x2c6: {  	s11 =	rddreg [dreg:$0xc];
	[sflag:s13] =	ssyncadd.s32 $0xFFFF8000  }
0x2c7: {  	[tilespmem:s6], [sflag:$0x2] =	stream.linear.gather [hbm4b:s11+s6], $0x20, $0x38;
	[tilespmem:$0x10080] =	vst v63  }
0x2c8: {  	_ =	swait.ge [sflag:s13], $0x20  }
0x2c9: {  	[sflag:s13] =	ssyncset.done $0x0  }
0x2ca: {  	[sflag:s13] =	ssyncadd.s32 $0xFFFFFFE0  }
0x2cb: {  	v3 =	vld [tilespmem:$0x0];
	_ =	sdelay $0x4  }
0x2cc: {  	v4 =	vshll.u32 v3, $0x3  }
0x2cd: {  	v3 =	vand.u32 $0x7, v3;
	v4 =	vand.u32 $0xFFFFFFC0, v4  }
0x2ce: {  	v3 =	vor.u32 v3, v4  }
0x2cf: {  	v4 =	vperm.xlane v3, v0;
	_ =	sdelay $0x1  }
0x2d0: {  	v4 =	vadd.s32 v1, v4;
	_ =	sdelay $0x4  }
0x2d1: {  	[tilespmem:s14], [sflag:$0x1] =	stream.indirect_vreg.gather [hbm4b:s28+s6], $0x80, v4, vm0, $0xb8;
	[tilespmem:$0x10080] =	vst v63  }
0x2d2: {  	v3 =	vperm.xlane v3, v2  }
0x2d3: {  	[tilespmem:s15], [sflag:$0x1] =	stream.indirect_vreg.gather [hbm4b:s23+s6], $0x80, v4, vm0, $0xb8;
	[tilespmem:$0x10080] =	vst v63  }
0x2d4: {  	v3 =	vadd.s32 v1, v3  }
0x2d5: {  	[tilespmem:s16], [sflag:$0x1] =	stream.indirect_vreg.gather [hbm4b:s0+s6], $0x80, v4, vm0, $0xb8;
	[tilespmem:$0x10080] =	vst v63  }
0x2d6: {  	_ = 	snop  }
0x2d7: {  	[tilespmem:s17], [sflag:$0x1] =	stream.indirect_vreg.gather [hbm4b:s2+s6], $0x80, v4, vm0, $0xb8;
	[tilespmem:$0x10080] =	vst v63  }
0x2d8: {  	_ = 	snop  }
0x2d9: {  	[tilespmem:s18], [sflag:$0x1] =	stream.indirect_vreg.gather [hbm4b:s28+s6], $0x80, v3, vm0, $0xb8;
	[tilespmem:$0x10080] =	vst v63  }
0x2da: {  	_ = 	snop  }
0x2db: {  	[tilespmem:s19], [sflag:$0x1] =	stream.indirect_vreg.gather [hbm4b:s23+s6], $0x80, v3, vm0, $0xb8;
	[tilespmem:$0x10080] =	vst v63  }
0x2dc: {  	_ = 	snop  }
0x2dd: {  	[tilespmem:s12], [sflag:$0x1] =	stream.indirect_vreg.gather [hbm4b:s0+s6], $0x80, v3, vm0, $0xb8;
	[tilespmem:$0x10080] =	vst v63  }
0x2de: {  	_ = 	snop  }
0x2df: {  	[tilespmem:s20], [sflag:$0x1] =	stream.indirect_vreg.gather [hbm4b:s2+s6], $0x80, v3, vm0, $0xb8;
	[tilespmem:$0x10080] =	vst v63  }
0x2e0: {  	v3 =	vld [tilespmem:$0x10];
	_ =	sdelay $0x4  }
0x2e1: {  	v63 =	vshll.u32 v3, $0x3  }
0x2e2: {  	v3 =	vand.u32 $0x7, v3;
	v4 =	vand.u32 $0xFFFFFFC0, v63  }
0x2e3: {  	v3 =	vor.u32 v3, v4  }
0x2e4: {  	v4 =	vperm.xlane v3, v0;
	_ =	sdelay $0x1  }
0x2e5: {  	v4 =	vadd.s32 v1, v4;
	_ =	sdelay $0x4  }
0x2e6: {  	[tilespmem:s21], [sflag:$0x1] =	stream.indirect_vreg.gather [hbm4b:s28+s6], $0x80, v4, vm0, $0xb8;
	[tilespmem:$0x10080] =	vst v63  }
0x2e7: {  	v3 =	vperm.xlane v3, v2  }
0x2e8: {  	[tilespmem:s22], [sflag:$0x1] =	stream.indirect_vreg.gather [hbm4b:s23+s6], $0x80, v4, vm0, $0xb8;
	[tilespmem:$0x10080] =	vst v63  }
0x2e9: {  	v3 =	vadd.s32 v1, v3  }
0x2ea: {  	[tilespmem:s24], [sflag:$0x1] =	stream.indirect_vreg.gather [hbm4b:s0+s6], $0x80, v4, vm0, $0xb8;
	[tilespmem:$0x10080] =	vst v63  }
0x2eb: {  	_ = 	snop  }
0x2ec: {  	[tilespmem:s25], [sflag:$0x1] =	stream.indirect_vreg.gather [hbm4b:s2+s6], $0x80, v4, vm0, $0xb8;
	[tilespmem:$0x10080] =	vst v63  }
0x2ed: {  	_ = 	snop  }
0x2ee: {  	[tilespmem:s26], [sflag:$0x1] =	stream.indirect_vreg.gather [hbm4b:s28+s6], $0x80, v3, vm0, $0xb8;
	[tilespmem:$0x10080] =	vst v63  }
0x2ef: {  	_ = 	snop  }
0x2f0: {  	[tilespmem:s29], [sflag:$0x1] =	stream.indirect_vreg.gather [hbm4b:s23+s6], $0x80, v3, vm0, $0xb8;
	[tilespmem:$0x10080] =	vst v63  }
0x2f1: {  	_ = 	snop  }
0x2f2: {  	[tilespmem:s30], [sflag:$0x1] =	stream.indirect_vreg.gather [hbm4b:s0+s6], $0x80, v3, vm0, $0xb8;
	[tilespmem:$0x10080] =	vst v63  }
0x2f3: {  	_ = 	snop  }
0x2f4: {  	[tilespmem:s31], [sflag:$0x1] =	stream.indirect_vreg.gather [hbm4b:s2+s6], $0x80, v3, vm0, $0xb8;
	[tilespmem:$0x10080] =	vst v63  }
0x2f5: {  	_ =	swait.ge [sflag:s4], $0x8000  }
0x2f6: {  	[sflag:s4] =	ssyncset.done $0x0  }
0x2f7: {  	s7 =	simm.s32 $0x0;
	[sflag:s4] =	ssyncadd.s32 $0xFFFF8000  }
.LBB2_34:
0x2f8: {  	s3 =	sshll.u32 s7, $0xA;
	s5 =	sshll.u32 s7, $0x7  }
0x2f9: {  	s3 =	sand.u32 $0x6000, s3;
	s5 =	sand.u32 $0x380, s5  }
0x2fa: {  	s10 =	sand.u32 $0x1C00, s6;
	s8 =	sor.u32 s3, s5  }
0x2fb: {  	s11 =	sand.u32 $0x70, s6;
	s3 =	sor.u32 s10, s8  }
0x2fc: {  	s9 =	sor.u32 s11, s3  }
0x2fd: {  	v3 =	vld [tilespmem:s9+$0x80]  }
0x2fe: {  	v4 =	vld [tilespmem:s9+$0x8080];
	_ =	sdelay $0x2  }
0x2ff: {  	s10 =	simm.s32 $0x80  }
0x300: {  	s5 =	simm.s32 $0x10;
	s11 =	sand.u32 $0x1C00, s10  }
0x301: {  	s3 =	sand.u32 $0x70, s5;
	s5 =	sor.u32 s11, s8;
	s11 =	simm.s32 $0x20;
	v3 =	vadd.f32 v3, v4  }
.LBB2_35:
0x302: {  	p0 =	sne.s32 s11, $0x3F0;
	s3 =	sor.u32 s3, s5  }
0x303: {  	v4 =	vld [tilespmem:s3+$0x80];
	[tilespmem:s9+$0x8080] =	vst v3;
	s9 =	smov.u32 s3  }
0x304: {  	v3 =	vld [tilespmem:s9+$0x8080]  }
.Ltmp16:
0x305: {  	(pc) =	sbr.rel @p0 .LBB2_35-.Ltmp16, $4  }
0x306: {  	_ = 	snop  }
0x307: {  	s10 =	sadd.s32 $0x80, s10  }
0x308: {  	s5 =	sand.u32 $0x1C00, s10  }
0x309: {  	s3 =	sand.u32 $0x70, s11;
	s11 =	sadd.s32 $0x10, s11;
	s5 =	sor.u32 s5, s8;
	v3 =	vadd.f32 v4, v3  }
0x30a: {  	s3 =	sor.u32 s3, s5  }
0x30b: {  	v4 =	vld [tilespmem:s3+$0x80];
	[tilespmem:s9+$0x8080] =	vst v3  }
0x30c: {  	v3 =	vld [tilespmem:s3+$0x8080]  }
0x30d: {  	s7 =	sadd.s32 $0x1, s7  }
0x30e: {  	p0 =	sne.s32 s7, $0x20  }
.Ltmp17:
0x30f: {  	_ = 	snop;
	(pc) =	sbr.rel @p0 .LBB2_34-.Ltmp17, $3  }
0x310: {  	_ = 	snop  }
0x311: {  	v3 =	vadd.f32 v4, v3;
	_ =	sdelay $0x1  }
0x312: {  	[tilespmem:s3+$0x8080] =	vst v3  }
0x313: {  	s6 =	simm.s32 $0x0;
	s3 =	rddreg [dreg:$0x17]  }
0x314: {  	[hbm4b:s3+s6] =	stream.linear.scatter [tilespmem:s14], [sflag:$0x2], $0x8000, $0x38;
	[tilespmem:$0x10080] =	vst v63  }
0x315: {  	_ =	swait.ge [sflag:s13], $0x8000  }
0x316: {  	[sflag:s13] =	ssyncset.done $0x0  }
0x317: {  	s11 =	rddreg [dreg:$0xd];
	[sflag:s13] =	ssyncadd.s32 $0xFFFF8000  }
0x318: {  	[tilespmem:s6], [sflag:$0x2] =	stream.linear.gather [hbm4b:s11+s6], $0x20, $0x38;
	[tilespmem:$0x10080] =	vst v63  }
0x319: {  	_ =	swait.ge [sflag:s13], $0x20  }
0x31a: {  	[sflag:s13] =	ssyncset.done $0x0  }
0x31b: {  	[sflag:s13] =	ssyncadd.s32 $0xFFFFFFE0  }
0x31c: {  	v3 =	vld [tilespmem:$0x0];
	_ =	sdelay $0x4  }
0x31d: {  	v4 =	vshll.u32 v3, $0x3  }
0x31e: {  	v3 =	vand.u32 $0x7, v3;
	v4 =	vand.u32 $0xFFFFFFC0, v4  }
0x31f: {  	v3 =	vor.u32 v3, v4  }
0x320: {  	v4 =	vperm.xlane v3, v0;
	_ =	sdelay $0x1  }
0x321: {  	v4 =	vadd.s32 v1, v4;
	_ =	sdelay $0x4  }
0x322: {  	[tilespmem:s14], [sflag:$0x1] =	stream.indirect_vreg.gather [hbm4b:s28+s6], $0x80, v4, vm0, $0xb8;
	[tilespmem:$0x10080] =	vst v63  }
0x323: {  	v3 =	vperm.xlane v3, v2  }
0x324: {  	[tilespmem:s15], [sflag:$0x1] =	stream.indirect_vreg.gather [hbm4b:s23+s6], $0x80, v4, vm0, $0xb8;
	[tilespmem:$0x10080] =	vst v63  }
0x325: {  	v3 =	vadd.s32 v1, v3  }
0x326: {  	[tilespmem:s16], [sflag:$0x1] =	stream.indirect_vreg.gather [hbm4b:s0+s6], $0x80, v4, vm0, $0xb8;
	[tilespmem:$0x10080] =	vst v63  }
0x327: {  	_ = 	snop  }
0x328: {  	[tilespmem:s17], [sflag:$0x1] =	stream.indirect_vreg.gather [hbm4b:s2+s6], $0x80, v4, vm0, $0xb8;
	[tilespmem:$0x10080] =	vst v63  }
0x329: {  	_ = 	snop  }
0x32a: {  	[tilespmem:s18], [sflag:$0x1] =	stream.indirect_vreg.gather [hbm4b:s28+s6], $0x80, v3, vm0, $0xb8;
	[tilespmem:$0x10080] =	vst v63  }
0x32b: {  	_ = 	snop  }
0x32c: {  	[tilespmem:s19], [sflag:$0x1] =	stream.indirect_vreg.gather [hbm4b:s23+s6], $0x80, v3, vm0, $0xb8;
	[tilespmem:$0x10080] =	vst v63  }
0x32d: {  	_ = 	snop  }
0x32e: {  	[tilespmem:s12], [sflag:$0x1] =	stream.indirect_vreg.gather [hbm4b:s0+s6], $0x80, v3, vm0, $0xb8;
	[tilespmem:$0x10080] =	vst v63  }
0x32f: {  	_ = 	snop  }
0x330: {  	[tilespmem:s20], [sflag:$0x1] =	stream.indirect_vreg.gather [hbm4b:s2+s6], $0x80, v3, vm0, $0xb8;
	[tilespmem:$0x10080] =	vst v63  }
0x331: {  	v3 =	vld [tilespmem:$0x10];
	_ =	sdelay $0x4  }
0x332: {  	v63 =	vshll.u32 v3, $0x3  }
0x333: {  	v3 =	vand.u32 $0x7, v3;
	v4 =	vand.u32 $0xFFFFFFC0, v63  }
0x334: {  	v3 =	vor.u32 v3, v4  }
0x335: {  	v4 =	vperm.xlane v3, v0;
	_ =	sdelay $0x1  }
0x336: {  	v4 =	vadd.s32 v1, v4;
	_ =	sdelay $0x4  }
0x337: {  	[tilespmem:s21], [sflag:$0x1] =	stream.indirect_vreg.gather [hbm4b:s28+s6], $0x80, v4, vm0, $0xb8;
	[tilespmem:$0x10080] =	vst v63  }
0x338: {  	v3 =	vperm.xlane v3, v2  }
0x339: {  	[tilespmem:s22], [sflag:$0x1] =	stream.indirect_vreg.gather [hbm4b:s23+s6], $0x80, v4, vm0, $0xb8;
	[tilespmem:$0x10080] =	vst v63  }
0x33a: {  	v3 =	vadd.s32 v1, v3  }
0x33b: {  	[tilespmem:s24], [sflag:$0x1] =	stream.indirect_vreg.gather [hbm4b:s0+s6], $0x80, v4, vm0, $0xb8;
	[tilespmem:$0x10080] =	vst v63  }
0x33c: {  	_ = 	snop  }
0x33d: {  	[tilespmem:s25], [sflag:$0x1] =	stream.indirect_vreg.gather [hbm4b:s2+s6], $0x80, v4, vm0, $0xb8;
	[tilespmem:$0x10080] =	vst v63  }
0x33e: {  	_ = 	snop  }
0x33f: {  	[tilespmem:s26], [sflag:$0x1] =	stream.indirect_vreg.gather [hbm4b:s28+s6], $0x80, v3, vm0, $0xb8;
	[tilespmem:$0x10080] =	vst v63  }
0x340: {  	_ = 	snop  }
0x341: {  	[tilespmem:s29], [sflag:$0x1] =	stream.indirect_vreg.gather [hbm4b:s23+s6], $0x80, v3, vm0, $0xb8;
	[tilespmem:$0x10080] =	vst v63  }
0x342: {  	_ = 	snop  }
0x343: {  	[tilespmem:s30], [sflag:$0x1] =	stream.indirect_vreg.gather [hbm4b:s0+s6], $0x80, v3, vm0, $0xb8;
	[tilespmem:$0x10080] =	vst v63  }
0x344: {  	_ = 	snop  }
0x345: {  	[tilespmem:s31], [sflag:$0x1] =	stream.indirect_vreg.gather [hbm4b:s2+s6], $0x80, v3, vm0, $0xb8;
	[tilespmem:$0x10080] =	vst v63  }
0x346: {  	_ =	swait.ge [sflag:s4], $0x8000  }
0x347: {  	[sflag:s4] =	ssyncset.done $0x0  }
0x348: {  	s7 =	simm.s32 $0x0;
	[sflag:s4] =	ssyncadd.s32 $0xFFFF8000  }
.LBB2_38:
0x349: {  	s3 =	sshll.u32 s7, $0xA;
	s5 =	sshll.u32 s7, $0x7  }
0x34a: {  	s3 =	sand.u32 $0x6000, s3;
	s5 =	sand.u32 $0x380, s5  }
0x34b: {  	s10 =	sand.u32 $0x1C00, s6;
	s8 =	sor.u32 s3, s5  }
0x34c: {  	s11 =	sand.u32 $0x70, s6;
	s3 =	sor.u32 s10, s8  }
0x34d: {  	s9 =	sor.u32 s11, s3  }
0x34e: {  	v3 =	vld [tilespmem:s9+$0x80]  }
0x34f: {  	v4 =	vld [tilespmem:s9+$0x8080];
	_ =	sdelay $0x2  }
0x350: {  	s10 =	simm.s32 $0x80  }
0x351: {  	s5 =	simm.s32 $0x10;
	s11 =	sand.u32 $0x1C00, s10  }
0x352: {  	s3 =	sand.u32 $0x70, s5;
	s5 =	sor.u32 s11, s8;
	s11 =	simm.s32 $0x20;
	v3 =	vadd.f32 v3, v4  }
.LBB2_39:
0x353: {  	p0 =	sne.s32 s11, $0x3F0;
	s3 =	sor.u32 s3, s5  }
0x354: {  	v4 =	vld [tilespmem:s3+$0x80];
	[tilespmem:s9+$0x8080] =	vst v3;
	s9 =	smov.u32 s3  }
0x355: {  	v3 =	vld [tilespmem:s9+$0x8080]  }
.Ltmp18:
0x356: {  	(pc) =	sbr.rel @p0 .LBB2_39-.Ltmp18, $4  }
0x357: {  	_ = 	snop  }
0x358: {  	s10 =	sadd.s32 $0x80, s10  }
0x359: {  	s5 =	sand.u32 $0x1C00, s10  }
0x35a: {  	s3 =	sand.u32 $0x70, s11;
	s11 =	sadd.s32 $0x10, s11;
	s5 =	sor.u32 s5, s8;
	v3 =	vadd.f32 v4, v3  }
0x35b: {  	s3 =	sor.u32 s3, s5  }
0x35c: {  	v4 =	vld [tilespmem:s3+$0x80];
	[tilespmem:s9+$0x8080] =	vst v3  }
0x35d: {  	v3 =	vld [tilespmem:s3+$0x8080]  }
0x35e: {  	s7 =	sadd.s32 $0x1, s7  }
0x35f: {  	p0 =	sne.s32 s7, $0x20  }
.Ltmp19:
0x360: {  	_ = 	snop;
	(pc) =	sbr.rel @p0 .LBB2_38-.Ltmp19, $3  }
0x361: {  	_ = 	snop  }
0x362: {  	v3 =	vadd.f32 v4, v3;
	_ =	sdelay $0x1  }
0x363: {  	[tilespmem:s3+$0x8080] =	vst v3  }
0x364: {  	s6 =	simm.s32 $0x0;
	s3 =	rddreg [dreg:$0x18]  }
0x365: {  	[hbm4b:s3+s6] =	stream.linear.scatter [tilespmem:s14], [sflag:$0x2], $0x8000, $0x38;
	[tilespmem:$0x10080] =	vst v63  }
0x366: {  	_ =	swait.ge [sflag:s13], $0x8000  }
0x367: {  	[sflag:s13] =	ssyncset.done $0x0  }
0x368: {  	s11 =	rddreg [dreg:$0xe];
	[sflag:s13] =	ssyncadd.s32 $0xFFFF8000  }
0x369: {  	[tilespmem:s6], [sflag:$0x2] =	stream.linear.gather [hbm4b:s11+s6], $0x20, $0x38;
	[tilespmem:$0x10080] =	vst v63  }
0x36a: {  	_ =	swait.ge [sflag:s13], $0x20  }
0x36b: {  	[sflag:s13] =	ssyncset.done $0x0  }
0x36c: {  	[sflag:s13] =	ssyncadd.s32 $0xFFFFFFE0  }
0x36d: {  	v3 =	vld [tilespmem:$0x0];
	_ =	sdelay $0x4  }
0x36e: {  	v4 =	vshll.u32 v3, $0x3  }
0x36f: {  	v3 =	vand.u32 $0x7, v3;
	v4 =	vand.u32 $0xFFFFFFC0, v4  }
0x370: {  	v3 =	vor.u32 v3, v4  }
0x371: {  	v4 =	vperm.xlane v3, v0;
	_ =	sdelay $0x1  }
0x372: {  	v4 =	vadd.s32 v1, v4;
	_ =	sdelay $0x4  }
0x373: {  	[tilespmem:s14], [sflag:$0x1] =	stream.indirect_vreg.gather [hbm4b:s28+s6], $0x80, v4, vm0, $0xb8;
	[tilespmem:$0x10080] =	vst v63  }
0x374: {  	v3 =	vperm.xlane v3, v2  }
0x375: {  	[tilespmem:s15], [sflag:$0x1] =	stream.indirect_vreg.gather [hbm4b:s23+s6], $0x80, v4, vm0, $0xb8;
	[tilespmem:$0x10080] =	vst v63  }
0x376: {  	v3 =	vadd.s32 v1, v3  }
0x377: {  	[tilespmem:s16], [sflag:$0x1] =	stream.indirect_vreg.gather [hbm4b:s0+s6], $0x80, v4, vm0, $0xb8;
	[tilespmem:$0x10080] =	vst v63  }
0x378: {  	_ = 	snop  }
0x379: {  	[tilespmem:s17], [sflag:$0x1] =	stream.indirect_vreg.gather [hbm4b:s2+s6], $0x80, v4, vm0, $0xb8;
	[tilespmem:$0x10080] =	vst v63  }
0x37a: {  	_ = 	snop  }
0x37b: {  	[tilespmem:s18], [sflag:$0x1] =	stream.indirect_vreg.gather [hbm4b:s28+s6], $0x80, v3, vm0, $0xb8;
	[tilespmem:$0x10080] =	vst v63  }
0x37c: {  	_ = 	snop  }
0x37d: {  	[tilespmem:s19], [sflag:$0x1] =	stream.indirect_vreg.gather [hbm4b:s23+s6], $0x80, v3, vm0, $0xb8;
	[tilespmem:$0x10080] =	vst v63  }
0x37e: {  	_ = 	snop  }
0x37f: {  	[tilespmem:s12], [sflag:$0x1] =	stream.indirect_vreg.gather [hbm4b:s0+s6], $0x80, v3, vm0, $0xb8;
	[tilespmem:$0x10080] =	vst v63  }
0x380: {  	_ = 	snop  }
0x381: {  	[tilespmem:s20], [sflag:$0x1] =	stream.indirect_vreg.gather [hbm4b:s2+s6], $0x80, v3, vm0, $0xb8;
	[tilespmem:$0x10080] =	vst v63  }
0x382: {  	v3 =	vld [tilespmem:$0x10];
	_ =	sdelay $0x4  }
0x383: {  	v63 =	vshll.u32 v3, $0x3  }
0x384: {  	v3 =	vand.u32 $0x7, v3;
	v4 =	vand.u32 $0xFFFFFFC0, v63  }
0x385: {  	v3 =	vor.u32 v3, v4  }
0x386: {  	v4 =	vperm.xlane v3, v0;
	_ =	sdelay $0x1  }
0x387: {  	v4 =	vadd.s32 v1, v4;
	_ =	sdelay $0x4  }
0x388: {  	[tilespmem:s21], [sflag:$0x1] =	stream.indirect_vreg.gather [hbm4b:s28+s6], $0x80, v4, vm0, $0xb8;
	[tilespmem:$0x10080] =	vst v63  }
0x389: {  	v3 =	vperm.xlane v3, v2  }
0x38a: {  	[tilespmem:s22], [sflag:$0x1] =	stream.indirect_vreg.gather [hbm4b:s23+s6], $0x80, v4, vm0, $0xb8;
	[tilespmem:$0x10080] =	vst v63  }
0x38b: {  	v3 =	vadd.s32 v1, v3  }
0x38c: {  	[tilespmem:s24], [sflag:$0x1] =	stream.indirect_vreg.gather [hbm4b:s0+s6], $0x80, v4, vm0, $0xb8;
	[tilespmem:$0x10080] =	vst v63  }
0x38d: {  	_ = 	snop  }
0x38e: {  	[tilespmem:s25], [sflag:$0x1] =	stream.indirect_vreg.gather [hbm4b:s2+s6], $0x80, v4, vm0, $0xb8;
	[tilespmem:$0x10080] =	vst v63  }
0x38f: {  	_ = 	snop  }
0x390: {  	[tilespmem:s26], [sflag:$0x1] =	stream.indirect_vreg.gather [hbm4b:s28+s6], $0x80, v3, vm0, $0xb8;
	[tilespmem:$0x10080] =	vst v63  }
0x391: {  	_ = 	snop  }
0x392: {  	[tilespmem:s29], [sflag:$0x1] =	stream.indirect_vreg.gather [hbm4b:s23+s6], $0x80, v3, vm0, $0xb8;
	[tilespmem:$0x10080] =	vst v63  }
0x393: {  	_ = 	snop  }
0x394: {  	[tilespmem:s30], [sflag:$0x1] =	stream.indirect_vreg.gather [hbm4b:s0+s6], $0x80, v3, vm0, $0xb8;
	[tilespmem:$0x10080] =	vst v63  }
0x395: {  	_ = 	snop  }
0x396: {  	[tilespmem:s31], [sflag:$0x1] =	stream.indirect_vreg.gather [hbm4b:s2+s6], $0x80, v3, vm0, $0xb8;
	[tilespmem:$0x10080] =	vst v63  }
0x397: {  	_ =	swait.ge [sflag:s4], $0x8000  }
0x398: {  	[sflag:s4] =	ssyncset.done $0x0  }
0x399: {  	s7 =	simm.s32 $0x0;
	[sflag:s4] =	ssyncadd.s32 $0xFFFF8000  }
.LBB2_42:
0x39a: {  	s3 =	sshll.u32 s7, $0xA;
	s5 =	sshll.u32 s7, $0x7  }
0x39b: {  	s3 =	sand.u32 $0x6000, s3;
	s5 =	sand.u32 $0x380, s5  }
0x39c: {  	s10 =	sand.u32 $0x1C00, s6;
	s8 =	sor.u32 s3, s5  }
0x39d: {  	s11 =	sand.u32 $0x70, s6;
	s3 =	sor.u32 s10, s8  }
0x39e: {  	s9 =	sor.u32 s11, s3  }
0x39f: {  	v3 =	vld [tilespmem:s9+$0x80]  }
0x3a0: {  	v4 =	vld [tilespmem:s9+$0x8080];
	_ =	sdelay $0x2  }
0x3a1: {  	s10 =	simm.s32 $0x80  }
0x3a2: {  	s5 =	simm.s32 $0x10;
	s11 =	sand.u32 $0x1C00, s10  }
0x3a3: {  	s3 =	sand.u32 $0x70, s5;
	s5 =	sor.u32 s11, s8;
	s11 =	simm.s32 $0x20;
	v3 =	vadd.f32 v3, v4  }
.LBB2_43:
0x3a4: {  	p0 =	sne.s32 s11, $0x3F0;
	s3 =	sor.u32 s3, s5  }
0x3a5: {  	v4 =	vld [tilespmem:s3+$0x80];
	[tilespmem:s9+$0x8080] =	vst v3;
	s9 =	smov.u32 s3  }
0x3a6: {  	v3 =	vld [tilespmem:s9+$0x8080]  }
.Ltmp20:
0x3a7: {  	(pc) =	sbr.rel @p0 .LBB2_43-.Ltmp20, $4  }
0x3a8: {  	_ = 	snop  }
0x3a9: {  	s10 =	sadd.s32 $0x80, s10  }
0x3aa: {  	s5 =	sand.u32 $0x1C00, s10  }
0x3ab: {  	s3 =	sand.u32 $0x70, s11;
	s11 =	sadd.s32 $0x10, s11;
	s5 =	sor.u32 s5, s8;
	v3 =	vadd.f32 v4, v3  }
0x3ac: {  	s3 =	sor.u32 s3, s5  }
0x3ad: {  	v4 =	vld [tilespmem:s3+$0x80];
	[tilespmem:s9+$0x8080] =	vst v3  }
0x3ae: {  	v3 =	vld [tilespmem:s3+$0x8080]  }
0x3af: {  	s7 =	sadd.s32 $0x1, s7  }
0x3b0: {  	p0 =	sne.s32 s7, $0x20  }
.Ltmp21:
0x3b1: {  	_ = 	snop;
	(pc) =	sbr.rel @p0 .LBB2_42-.Ltmp21, $3  }
0x3b2: {  	_ = 	snop  }
0x3b3: {  	v3 =	vadd.f32 v4, v3;
	_ =	sdelay $0x1  }
0x3b4: {  	[tilespmem:s3+$0x8080] =	vst v3  }
0x3b5: {  	s6 =	simm.s32 $0x0;
	s3 =	rddreg [dreg:$0x19]  }
0x3b6: {  	[hbm4b:s3+s6] =	stream.linear.scatter [tilespmem:s14], [sflag:$0x2], $0x8000, $0x38;
	[tilespmem:$0x10080] =	vst v63  }
0x3b7: {  	_ =	swait.ge [sflag:s13], $0x8000  }
0x3b8: {  	[sflag:s13] =	ssyncset.done $0x0  }
0x3b9: {  	s11 =	rddreg [dreg:$0xf];
	[sflag:s13] =	ssyncadd.s32 $0xFFFF8000  }
0x3ba: {  	[tilespmem:s6], [sflag:$0x2] =	stream.linear.gather [hbm4b:s11+s6], $0x20, $0x38;
	[tilespmem:$0x10080] =	vst v63  }
0x3bb: {  	_ =	swait.ge [sflag:s13], $0x20  }
0x3bc: {  	[sflag:s13] =	ssyncset.done $0x0  }
0x3bd: {  	[sflag:s13] =	ssyncadd.s32 $0xFFFFFFE0  }
0x3be: {  	v3 =	vld [tilespmem:$0x0];
	_ =	sdelay $0x4  }
0x3bf: {  	v4 =	vshll.u32 v3, $0x3  }
0x3c0: {  	v3 =	vand.u32 $0x7, v3;
	v4 =	vand.u32 $0xFFFFFFC0, v4  }
0x3c1: {  	v3 =	vor.u32 v3, v4  }
0x3c2: {  	v4 =	vperm.xlane v3, v0;
	_ =	sdelay $0x1  }
0x3c3: {  	v4 =	vadd.s32 v1, v4;
	_ =	sdelay $0x4  }
0x3c4: {  	[tilespmem:s14], [sflag:$0x1] =	stream.indirect_vreg.gather [hbm4b:s28+s6], $0x80, v4, vm0, $0xb8;
	[tilespmem:$0x10080] =	vst v63  }
0x3c5: {  	v3 =	vperm.xlane v3, v2  }
0x3c6: {  	[tilespmem:s15], [sflag:$0x1] =	stream.indirect_vreg.gather [hbm4b:s23+s6], $0x80, v4, vm0, $0xb8;
	[tilespmem:$0x10080] =	vst v63  }
0x3c7: {  	v3 =	vadd.s32 v1, v3  }
0x3c8: {  	[tilespmem:s16], [sflag:$0x1] =	stream.indirect_vreg.gather [hbm4b:s0+s6], $0x80, v4, vm0, $0xb8;
	[tilespmem:$0x10080] =	vst v63  }
0x3c9: {  	_ = 	snop  }
0x3ca: {  	[tilespmem:s17], [sflag:$0x1] =	stream.indirect_vreg.gather [hbm4b:s2+s6], $0x80, v4, vm0, $0xb8;
	[tilespmem:$0x10080] =	vst v63  }
0x3cb: {  	_ = 	snop  }
0x3cc: {  	[tilespmem:s18], [sflag:$0x1] =	stream.indirect_vreg.gather [hbm4b:s28+s6], $0x80, v3, vm0, $0xb8;
	[tilespmem:$0x10080] =	vst v63  }
0x3cd: {  	_ = 	snop  }
0x3ce: {  	[tilespmem:s19], [sflag:$0x1] =	stream.indirect_vreg.gather [hbm4b:s23+s6], $0x80, v3, vm0, $0xb8;
	[tilespmem:$0x10080] =	vst v63  }
0x3cf: {  	_ = 	snop  }
0x3d0: {  	[tilespmem:s12], [sflag:$0x1] =	stream.indirect_vreg.gather [hbm4b:s0+s6], $0x80, v3, vm0, $0xb8;
	[tilespmem:$0x10080] =	vst v63  }
0x3d1: {  	_ = 	snop  }
0x3d2: {  	[tilespmem:s20], [sflag:$0x1] =	stream.indirect_vreg.gather [hbm4b:s2+s6], $0x80, v3, vm0, $0xb8;
	[tilespmem:$0x10080] =	vst v63  }
0x3d3: {  	v3 =	vld [tilespmem:$0x10];
	_ =	sdelay $0x4  }
0x3d4: {  	v63 =	vshll.u32 v3, $0x3  }
0x3d5: {  	v3 =	vand.u32 $0x7, v3;
	v4 =	vand.u32 $0xFFFFFFC0, v63  }
0x3d6: {  	v3 =	vor.u32 v3, v4  }
0x3d7: {  	v4 =	vperm.xlane v3, v0;
	_ =	sdelay $0x1  }
0x3d8: {  	v4 =	vadd.s32 v1, v4;
	_ =	sdelay $0x4  }
0x3d9: {  	[tilespmem:s21], [sflag:$0x1] =	stream.indirect_vreg.gather [hbm4b:s28+s6], $0x80, v4, vm0, $0xb8;
	[tilespmem:$0x10080] =	vst v63  }
0x3da: {  	v3 =	vperm.xlane v3, v2  }
0x3db: {  	[tilespmem:s22], [sflag:$0x1] =	stream.indirect_vreg.gather [hbm4b:s23+s6], $0x80, v4, vm0, $0xb8;
	[tilespmem:$0x10080] =	vst v63  }
0x3dc: {  	v3 =	vadd.s32 v1, v3  }
0x3dd: {  	[tilespmem:s24], [sflag:$0x1] =	stream.indirect_vreg.gather [hbm4b:s0+s6], $0x80, v4, vm0, $0xb8;
	[tilespmem:$0x10080] =	vst v63  }
0x3de: {  	_ = 	snop  }
0x3df: {  	[tilespmem:s25], [sflag:$0x1] =	stream.indirect_vreg.gather [hbm4b:s2+s6], $0x80, v4, vm0, $0xb8;
	[tilespmem:$0x10080] =	vst v63  }
0x3e0: {  	_ = 	snop  }
0x3e1: {  	[tilespmem:s26], [sflag:$0x1] =	stream.indirect_vreg.gather [hbm4b:s28+s6], $0x80, v3, vm0, $0xb8;
	[tilespmem:$0x10080] =	vst v63  }
0x3e2: {  	_ = 	snop  }
0x3e3: {  	[tilespmem:s29], [sflag:$0x1] =	stream.indirect_vreg.gather [hbm4b:s23+s6], $0x80, v3, vm0, $0xb8;
	[tilespmem:$0x10080] =	vst v63  }
0x3e4: {  	_ = 	snop  }
0x3e5: {  	[tilespmem:s30], [sflag:$0x1] =	stream.indirect_vreg.gather [hbm4b:s0+s6], $0x80, v3, vm0, $0xb8;
	[tilespmem:$0x10080] =	vst v63  }
0x3e6: {  	_ = 	snop  }
0x3e7: {  	[tilespmem:s31], [sflag:$0x1] =	stream.indirect_vreg.gather [hbm4b:s2+s6], $0x80, v3, vm0, $0xb8;
	[tilespmem:$0x10080] =	vst v63  }
0x3e8: {  	_ =	swait.ge [sflag:s4], $0x8000  }
0x3e9: {  	[sflag:s4] =	ssyncset.done $0x0  }
0x3ea: {  	s7 =	simm.s32 $0x0;
	[sflag:s4] =	ssyncadd.s32 $0xFFFF8000  }
.LBB2_46:
0x3eb: {  	s3 =	sshll.u32 s7, $0xA;
	s5 =	sshll.u32 s7, $0x7  }
0x3ec: {  	s3 =	sand.u32 $0x6000, s3;
	s5 =	sand.u32 $0x380, s5  }
0x3ed: {  	s10 =	sand.u32 $0x1C00, s6;
	s8 =	sor.u32 s3, s5  }
0x3ee: {  	s11 =	sand.u32 $0x70, s6;
	s3 =	sor.u32 s10, s8  }
0x3ef: {  	s9 =	sor.u32 s11, s3  }
0x3f0: {  	v3 =	vld [tilespmem:s9+$0x80]  }
0x3f1: {  	v4 =	vld [tilespmem:s9+$0x8080];
	_ =	sdelay $0x2  }
0x3f2: {  	s10 =	simm.s32 $0x80  }
0x3f3: {  	s5 =	simm.s32 $0x10;
	s11 =	sand.u32 $0x1C00, s10  }
0x3f4: {  	s3 =	sand.u32 $0x70, s5;
	s5 =	sor.u32 s11, s8;
	s11 =	simm.s32 $0x20;
	v3 =	vadd.f32 v3, v4  }
.LBB2_47:
0x3f5: {  	p0 =	sne.s32 s11, $0x3F0;
	s3 =	sor.u32 s3, s5  }
0x3f6: {  	v4 =	vld [tilespmem:s3+$0x80];
	[tilespmem:s9+$0x8080] =	vst v3;
	s9 =	smov.u32 s3  }
0x3f7: {  	v3 =	vld [tilespmem:s9+$0x8080]  }
.Ltmp22:
0x3f8: {  	(pc) =	sbr.rel @p0 .LBB2_47-.Ltmp22, $4  }
0x3f9: {  	_ = 	snop  }
0x3fa: {  	s10 =	sadd.s32 $0x80, s10  }
0x3fb: {  	s5 =	sand.u32 $0x1C00, s10  }
0x3fc: {  	s3 =	sand.u32 $0x70, s11;
	s11 =	sadd.s32 $0x10, s11;
	s5 =	sor.u32 s5, s8;
	v3 =	vadd.f32 v4, v3  }
0x3fd: {  	s3 =	sor.u32 s3, s5  }
0x3fe: {  	v4 =	vld [tilespmem:s3+$0x80];
	[tilespmem:s9+$0x8080] =	vst v3  }
0x3ff: {  	v3 =	vld [tilespmem:s3+$0x8080]  }
0x400: {  	s7 =	sadd.s32 $0x1, s7  }
0x401: {  	p0 =	sne.s32 s7, $0x20  }
.Ltmp23:
0x402: {  	_ = 	snop;
	(pc) =	sbr.rel @p0 .LBB2_46-.Ltmp23, $3  }
0x403: {  	_ = 	snop  }
0x404: {  	v3 =	vadd.f32 v4, v3;
	_ =	sdelay $0x1  }
0x405: {  	[tilespmem:s3+$0x8080] =	vst v3  }
0x406: {  	s6 =	simm.s32 $0x0;
	s3 =	rddreg [dreg:$0x1a]  }
0x407: {  	[hbm4b:s3+s6] =	stream.linear.scatter [tilespmem:s14], [sflag:$0x2], $0x8000, $0x38;
	[tilespmem:$0x10080] =	vst v63  }
0x408: {  	_ =	swait.ge [sflag:s13], $0x8000  }
0x409: {  	s11 =	sld [smem:$0x7FA]  }
0x40a: {  	[sflag:s13] =	ssyncset.done $0x0  }
0x40b: {  	[sflag:s13] =	ssyncadd.s32 $0xFFFF8000  }
0x40c: {  	[tilespmem:s6], [sflag:$0x2] =	stream.linear.gather [hbm4b:s11+s6], $0x20, $0x38;
	[tilespmem:$0x10080] =	vst v63  }
0x40d: {  	_ =	swait.ge [sflag:s13], $0x20  }
0x40e: {  	[sflag:s13] =	ssyncset.done $0x0  }
0x40f: {  	[sflag:s13] =	ssyncadd.s32 $0xFFFFFFE0  }
0x410: {  	v3 =	vld [tilespmem:$0x0];
	_ =	sdelay $0x4  }
0x411: {  	v4 =	vshll.u32 v3, $0x3  }
0x412: {  	v3 =	vand.u32 $0x7, v3;
	v4 =	vand.u32 $0xFFFFFFC0, v4  }
0x413: {  	v3 =	vor.u32 v3, v4  }
0x414: {  	v4 =	vperm.xlane v3, v0;
	_ =	sdelay $0x1  }
0x415: {  	v4 =	vadd.s32 v1, v4;
	_ =	sdelay $0x4  }
0x416: {  	[tilespmem:s14], [sflag:$0x1] =	stream.indirect_vreg.gather [hbm4b:s28+s6], $0x80, v4, vm0, $0xb8;
	[tilespmem:$0x10080] =	vst v63  }
0x417: {  	v3 =	vperm.xlane v3, v2  }
0x418: {  	[tilespmem:s15], [sflag:$0x1] =	stream.indirect_vreg.gather [hbm4b:s23+s6], $0x80, v4, vm0, $0xb8;
	[tilespmem:$0x10080] =	vst v63  }
0x419: {  	v3 =	vadd.s32 v1, v3  }
0x41a: {  	[tilespmem:s16], [sflag:$0x1] =	stream.indirect_vreg.gather [hbm4b:s0+s6], $0x80, v4, vm0, $0xb8;
	[tilespmem:$0x10080] =	vst v63  }
0x41b: {  	_ = 	snop  }
0x41c: {  	[tilespmem:s17], [sflag:$0x1] =	stream.indirect_vreg.gather [hbm4b:s2+s6], $0x80, v4, vm0, $0xb8;
	[tilespmem:$0x10080] =	vst v63  }
0x41d: {  	_ = 	snop  }
0x41e: {  	[tilespmem:s18], [sflag:$0x1] =	stream.indirect_vreg.gather [hbm4b:s28+s6], $0x80, v3, vm0, $0xb8;
	[tilespmem:$0x10080] =	vst v63  }
0x41f: {  	_ = 	snop  }
0x420: {  	[tilespmem:s19], [sflag:$0x1] =	stream.indirect_vreg.gather [hbm4b:s23+s6], $0x80, v3, vm0, $0xb8;
	[tilespmem:$0x10080] =	vst v63  }
0x421: {  	_ = 	snop  }
0x422: {  	[tilespmem:s12], [sflag:$0x1] =	stream.indirect_vreg.gather [hbm4b:s0+s6], $0x80, v3, vm0, $0xb8;
	[tilespmem:$0x10080] =	vst v63  }
0x423: {  	_ = 	snop  }
0x424: {  	[tilespmem:s20], [sflag:$0x1] =	stream.indirect_vreg.gather [hbm4b:s2+s6], $0x80, v3, vm0, $0xb8;
	[tilespmem:$0x10080] =	vst v63  }
0x425: {  	v3 =	vld [tilespmem:$0x10];
	_ =	sdelay $0x4  }
0x426: {  	v63 =	vshll.u32 v3, $0x3  }
0x427: {  	v3 =	vand.u32 $0x7, v3;
	v4 =	vand.u32 $0xFFFFFFC0, v63  }
0x428: {  	v3 =	vor.u32 v3, v4  }
0x429: {  	v4 =	vperm.xlane v3, v0;
	_ =	sdelay $0x1  }
0x42a: {  	v4 =	vadd.s32 v1, v4;
	_ =	sdelay $0x4  }
0x42b: {  	[tilespmem:s21], [sflag:$0x1] =	stream.indirect_vreg.gather [hbm4b:s28+s6], $0x80, v4, vm0, $0xb8;
	[tilespmem:$0x10080] =	vst v63  }
0x42c: {  	v3 =	vperm.xlane v3, v2  }
0x42d: {  	[tilespmem:s22], [sflag:$0x1] =	stream.indirect_vreg.gather [hbm4b:s23+s6], $0x80, v4, vm0, $0xb8;
	[tilespmem:$0x10080] =	vst v63  }
0x42e: {  	v3 =	vadd.s32 v1, v3  }
0x42f: {  	[tilespmem:s24], [sflag:$0x1] =	stream.indirect_vreg.gather [hbm4b:s0+s6], $0x80, v4, vm0, $0xb8;
	[tilespmem:$0x10080] =	vst v63  }
0x430: {  	_ = 	snop  }
0x431: {  	[tilespmem:s25], [sflag:$0x1] =	stream.indirect_vreg.gather [hbm4b:s2+s6], $0x80, v4, vm0, $0xb8;
	[tilespmem:$0x10080] =	vst v63  }
0x432: {  	_ = 	snop  }
0x433: {  	[tilespmem:s26], [sflag:$0x1] =	stream.indirect_vreg.gather [hbm4b:s28+s6], $0x80, v3, vm0, $0xb8;
	[tilespmem:$0x10080] =	vst v63  }
0x434: {  	_ = 	snop  }
0x435: {  	[tilespmem:s29], [sflag:$0x1] =	stream.indirect_vreg.gather [hbm4b:s23+s6], $0x80, v3, vm0, $0xb8;
	[tilespmem:$0x10080] =	vst v63  }
0x436: {  	_ = 	snop  }
0x437: {  	[tilespmem:s30], [sflag:$0x1] =	stream.indirect_vreg.gather [hbm4b:s0+s6], $0x80, v3, vm0, $0xb8;
	[tilespmem:$0x10080] =	vst v63  }
0x438: {  	_ = 	snop  }
0x439: {  	[tilespmem:s31], [sflag:$0x1] =	stream.indirect_vreg.gather [hbm4b:s2+s6], $0x80, v3, vm0, $0xb8;
	[tilespmem:$0x10080] =	vst v63  }
0x43a: {  	_ =	swait.ge [sflag:s4], $0x8000  }
0x43b: {  	[sflag:s4] =	ssyncset.done $0x0  }
0x43c: {  	s7 =	simm.s32 $0x0;
	[sflag:s4] =	ssyncadd.s32 $0xFFFF8000  }
.LBB2_50:
0x43d: {  	s3 =	sshll.u32 s7, $0xA;
	s5 =	sshll.u32 s7, $0x7  }
0x43e: {  	s3 =	sand.u32 $0x6000, s3;
	s5 =	sand.u32 $0x380, s5  }
0x43f: {  	s10 =	sand.u32 $0x1C00, s6;
	s8 =	sor.u32 s3, s5  }
0x440: {  	s11 =	sand.u32 $0x70, s6;
	s3 =	sor.u32 s10, s8  }
0x441: {  	s9 =	sor.u32 s11, s3  }
0x442: {  	v3 =	vld [tilespmem:s9+$0x80]  }
0x443: {  	v4 =	vld [tilespmem:s9+$0x8080];
	_ =	sdelay $0x2  }
0x444: {  	s10 =	simm.s32 $0x80  }
0x445: {  	s5 =	simm.s32 $0x10;
	s11 =	sand.u32 $0x1C00, s10  }
0x446: {  	s3 =	sand.u32 $0x70, s5;
	s5 =	sor.u32 s11, s8;
	s11 =	simm.s32 $0x20;
	v3 =	vadd.f32 v3, v4  }
.LBB2_51:
0x447: {  	p0 =	sne.s32 s11, $0x3F0;
	s3 =	sor.u32 s3, s5  }
0x448: {  	v4 =	vld [tilespmem:s3+$0x80];
	[tilespmem:s9+$0x8080] =	vst v3;
	s9 =	smov.u32 s3  }
0x449: {  	v3 =	vld [tilespmem:s9+$0x8080]  }
.Ltmp24:
0x44a: {  	(pc) =	sbr.rel @p0 .LBB2_51-.Ltmp24, $4  }
0x44b: {  	_ = 	snop  }
0x44c: {  	s10 =	sadd.s32 $0x80, s10  }
0x44d: {  	s5 =	sand.u32 $0x1C00, s10  }
0x44e: {  	s3 =	sand.u32 $0x70, s11;
	s11 =	sadd.s32 $0x10, s11;
	s5 =	sor.u32 s5, s8;
	v3 =	vadd.f32 v4, v3  }
0x44f: {  	s3 =	sor.u32 s3, s5  }
0x450: {  	v4 =	vld [tilespmem:s3+$0x80];
	[tilespmem:s9+$0x8080] =	vst v3  }
0x451: {  	v3 =	vld [tilespmem:s3+$0x8080]  }
0x452: {  	s7 =	sadd.s32 $0x1, s7  }
0x453: {  	p0 =	sne.s32 s7, $0x20  }
.Ltmp25:
0x454: {  	_ = 	snop;
	(pc) =	sbr.rel @p0 .LBB2_50-.Ltmp25, $3  }
0x455: {  	_ = 	snop  }
0x456: {  	v3 =	vadd.f32 v4, v3;
	_ =	sdelay $0x1  }
0x457: {  	[tilespmem:s3+$0x8080] =	vst v3  }
0x458: {  	s6 =	simm.s32 $0x0;
	s3 =	rddreg [dreg:$0x1b]  }
0x459: {  	[hbm4b:s3+s6] =	stream.linear.scatter [tilespmem:s14], [sflag:$0x2], $0x8000, $0x38;
	[tilespmem:$0x10080] =	vst v63  }
0x45a: {  	_ =	swait.ge [sflag:s13], $0x8000  }
0x45b: {  	s11 =	sld [smem:$0x7FB]  }
0x45c: {  	[sflag:s13] =	ssyncset.done $0x0  }
0x45d: {  	[sflag:s13] =	ssyncadd.s32 $0xFFFF8000  }
0x45e: {  	[tilespmem:s6], [sflag:$0x2] =	stream.linear.gather [hbm4b:s11+s6], $0x20, $0x38;
	[tilespmem:$0x10080] =	vst v63  }
0x45f: {  	_ =	swait.ge [sflag:s13], $0x20  }
0x460: {  	[sflag:s13] =	ssyncset.done $0x0  }
0x461: {  	[sflag:s13] =	ssyncadd.s32 $0xFFFFFFE0  }
0x462: {  	v3 =	vld [tilespmem:$0x0];
	_ =	sdelay $0x4  }
0x463: {  	v4 =	vshll.u32 v3, $0x3  }
0x464: {  	v3 =	vand.u32 $0x7, v3;
	v4 =	vand.u32 $0xFFFFFFC0, v4  }
0x465: {  	v3 =	vor.u32 v3, v4  }
0x466: {  	v4 =	vperm.xlane v3, v0;
	_ =	sdelay $0x1  }
0x467: {  	v4 =	vadd.s32 v1, v4;
	_ =	sdelay $0x4  }
0x468: {  	[tilespmem:s14], [sflag:$0x1] =	stream.indirect_vreg.gather [hbm4b:s28+s6], $0x80, v4, vm0, $0xb8;
	[tilespmem:$0x10080] =	vst v63  }
0x469: {  	v3 =	vperm.xlane v3, v2  }
0x46a: {  	[tilespmem:s15], [sflag:$0x1] =	stream.indirect_vreg.gather [hbm4b:s23+s6], $0x80, v4, vm0, $0xb8;
	[tilespmem:$0x10080] =	vst v63  }
0x46b: {  	v3 =	vadd.s32 v1, v3  }
0x46c: {  	[tilespmem:s16], [sflag:$0x1] =	stream.indirect_vreg.gather [hbm4b:s0+s6], $0x80, v4, vm0, $0xb8;
	[tilespmem:$0x10080] =	vst v63  }
0x46d: {  	_ = 	snop  }
0x46e: {  	[tilespmem:s17], [sflag:$0x1] =	stream.indirect_vreg.gather [hbm4b:s2+s6], $0x80, v4, vm0, $0xb8;
	[tilespmem:$0x10080] =	vst v63  }
0x46f: {  	_ = 	snop  }
0x470: {  	[tilespmem:s18], [sflag:$0x1] =	stream.indirect_vreg.gather [hbm4b:s28+s6], $0x80, v3, vm0, $0xb8;
	[tilespmem:$0x10080] =	vst v63  }
0x471: {  	_ = 	snop  }
0x472: {  	[tilespmem:s19], [sflag:$0x1] =	stream.indirect_vreg.gather [hbm4b:s23+s6], $0x80, v3, vm0, $0xb8;
	[tilespmem:$0x10080] =	vst v63  }
0x473: {  	_ = 	snop  }
0x474: {  	[tilespmem:s12], [sflag:$0x1] =	stream.indirect_vreg.gather [hbm4b:s0+s6], $0x80, v3, vm0, $0xb8;
	[tilespmem:$0x10080] =	vst v63  }
0x475: {  	_ = 	snop  }
0x476: {  	[tilespmem:s20], [sflag:$0x1] =	stream.indirect_vreg.gather [hbm4b:s2+s6], $0x80, v3, vm0, $0xb8;
	[tilespmem:$0x10080] =	vst v63  }
0x477: {  	v3 =	vld [tilespmem:$0x10];
	_ =	sdelay $0x4  }
0x478: {  	v63 =	vshll.u32 v3, $0x3  }
0x479: {  	v3 =	vand.u32 $0x7, v3;
	v4 =	vand.u32 $0xFFFFFFC0, v63  }
0x47a: {  	v3 =	vor.u32 v3, v4  }
0x47b: {  	v4 =	vperm.xlane v3, v0;
	_ =	sdelay $0x1  }
0x47c: {  	v4 =	vadd.s32 v1, v4;
	_ =	sdelay $0x4  }
0x47d: {  	[tilespmem:s21], [sflag:$0x1] =	stream.indirect_vreg.gather [hbm4b:s28+s6], $0x80, v4, vm0, $0xb8;
	[tilespmem:$0x10080] =	vst v63  }
0x47e: {  	v3 =	vperm.xlane v3, v2  }
0x47f: {  	[tilespmem:s22], [sflag:$0x1] =	stream.indirect_vreg.gather [hbm4b:s23+s6], $0x80, v4, vm0, $0xb8;
	[tilespmem:$0x10080] =	vst v63  }
0x480: {  	v3 =	vadd.s32 v1, v3  }
0x481: {  	[tilespmem:s24], [sflag:$0x1] =	stream.indirect_vreg.gather [hbm4b:s0+s6], $0x80, v4, vm0, $0xb8;
	[tilespmem:$0x10080] =	vst v63  }
0x482: {  	_ = 	snop  }
0x483: {  	[tilespmem:s25], [sflag:$0x1] =	stream.indirect_vreg.gather [hbm4b:s2+s6], $0x80, v4, vm0, $0xb8;
	[tilespmem:$0x10080] =	vst v63  }
0x484: {  	_ = 	snop  }
0x485: {  	[tilespmem:s26], [sflag:$0x1] =	stream.indirect_vreg.gather [hbm4b:s28+s6], $0x80, v3, vm0, $0xb8;
	[tilespmem:$0x10080] =	vst v63  }
0x486: {  	_ = 	snop  }
0x487: {  	[tilespmem:s29], [sflag:$0x1] =	stream.indirect_vreg.gather [hbm4b:s23+s6], $0x80, v3, vm0, $0xb8;
	[tilespmem:$0x10080] =	vst v63  }
0x488: {  	_ = 	snop  }
0x489: {  	[tilespmem:s30], [sflag:$0x1] =	stream.indirect_vreg.gather [hbm4b:s0+s6], $0x80, v3, vm0, $0xb8;
	[tilespmem:$0x10080] =	vst v63  }
0x48a: {  	_ = 	snop  }
0x48b: {  	[tilespmem:s31], [sflag:$0x1] =	stream.indirect_vreg.gather [hbm4b:s2+s6], $0x80, v3, vm0, $0xb8;
	[tilespmem:$0x10080] =	vst v63  }
0x48c: {  	_ =	swait.ge [sflag:s4], $0x8000  }
0x48d: {  	[sflag:s4] =	ssyncset.done $0x0  }
0x48e: {  	s7 =	simm.s32 $0x0;
	[sflag:s4] =	ssyncadd.s32 $0xFFFF8000  }
.LBB2_54:
0x48f: {  	s3 =	sshll.u32 s7, $0xA;
	s5 =	sshll.u32 s7, $0x7  }
0x490: {  	s3 =	sand.u32 $0x6000, s3;
	s5 =	sand.u32 $0x380, s5  }
0x491: {  	s10 =	sand.u32 $0x1C00, s6;
	s8 =	sor.u32 s3, s5  }
0x492: {  	s11 =	sand.u32 $0x70, s6;
	s3 =	sor.u32 s10, s8  }
0x493: {  	s9 =	sor.u32 s11, s3  }
0x494: {  	v3 =	vld [tilespmem:s9+$0x80]  }
0x495: {  	v4 =	vld [tilespmem:s9+$0x8080];
	_ =	sdelay $0x2  }
0x496: {  	s10 =	simm.s32 $0x80  }
0x497: {  	s5 =	simm.s32 $0x10;
	s11 =	sand.u32 $0x1C00, s10  }
0x498: {  	s3 =	sand.u32 $0x70, s5;
	s5 =	sor.u32 s11, s8;
	s11 =	simm.s32 $0x20;
	v3 =	vadd.f32 v3, v4  }
.LBB2_55:
0x499: {  	p0 =	sne.s32 s11, $0x3F0;
	s3 =	sor.u32 s3, s5  }
0x49a: {  	v4 =	vld [tilespmem:s3+$0x80];
	[tilespmem:s9+$0x8080] =	vst v3;
	s9 =	smov.u32 s3  }
0x49b: {  	v3 =	vld [tilespmem:s9+$0x8080]  }
.Ltmp26:
0x49c: {  	(pc) =	sbr.rel @p0 .LBB2_55-.Ltmp26, $4  }
0x49d: {  	_ = 	snop  }
0x49e: {  	s10 =	sadd.s32 $0x80, s10  }
0x49f: {  	s5 =	sand.u32 $0x1C00, s10  }
0x4a0: {  	s3 =	sand.u32 $0x70, s11;
	s11 =	sadd.s32 $0x10, s11;
	s5 =	sor.u32 s5, s8;
	v3 =	vadd.f32 v4, v3  }
0x4a1: {  	s3 =	sor.u32 s3, s5  }
0x4a2: {  	v4 =	vld [tilespmem:s3+$0x80];
	[tilespmem:s9+$0x8080] =	vst v3  }
0x4a3: {  	v3 =	vld [tilespmem:s3+$0x8080]  }
0x4a4: {  	s7 =	sadd.s32 $0x1, s7  }
0x4a5: {  	p0 =	sne.s32 s7, $0x20  }
.Ltmp27:
0x4a6: {  	_ = 	snop;
	(pc) =	sbr.rel @p0 .LBB2_54-.Ltmp27, $3  }
0x4a7: {  	_ = 	snop  }
0x4a8: {  	v3 =	vadd.f32 v4, v3;
	_ =	sdelay $0x1  }
0x4a9: {  	[tilespmem:s3+$0x8080] =	vst v3  }
0x4aa: {  	s6 =	simm.s32 $0x0;
	s3 =	rddreg [dreg:$0x1c]  }
0x4ab: {  	[hbm4b:s3+s6] =	stream.linear.scatter [tilespmem:s14], [sflag:$0x2], $0x8000, $0x38;
	[tilespmem:$0x10080] =	vst v63  }
0x4ac: {  	_ =	swait.ge [sflag:s13], $0x8000  }
0x4ad: {  	s11 =	sld [smem:$0x7FC]  }
0x4ae: {  	[sflag:s13] =	ssyncset.done $0x0  }
0x4af: {  	[sflag:s13] =	ssyncadd.s32 $0xFFFF8000  }
0x4b0: {  	[tilespmem:s6], [sflag:$0x2] =	stream.linear.gather [hbm4b:s11+s6], $0x20, $0x38;
	[tilespmem:$0x10080] =	vst v63  }
0x4b1: {  	_ =	swait.ge [sflag:s13], $0x20  }
0x4b2: {  	[sflag:s13] =	ssyncset.done $0x0  }
0x4b3: {  	[sflag:s13] =	ssyncadd.s32 $0xFFFFFFE0  }
0x4b4: {  	v3 =	vld [tilespmem:$0x0];
	_ =	sdelay $0x4  }
0x4b5: {  	v4 =	vshll.u32 v3, $0x3  }
0x4b6: {  	v3 =	vand.u32 $0x7, v3;
	v4 =	vand.u32 $0xFFFFFFC0, v4  }
0x4b7: {  	v3 =	vor.u32 v3, v4  }
0x4b8: {  	v4 =	vperm.xlane v3, v0;
	_ =	sdelay $0x1  }
0x4b9: {  	v4 =	vadd.s32 v1, v4;
	_ =	sdelay $0x4  }
0x4ba: {  	[tilespmem:s14], [sflag:$0x1] =	stream.indirect_vreg.gather [hbm4b:s28+s6], $0x80, v4, vm0, $0xb8;
	[tilespmem:$0x10080] =	vst v63  }
0x4bb: {  	v3 =	vperm.xlane v3, v2  }
0x4bc: {  	[tilespmem:s15], [sflag:$0x1] =	stream.indirect_vreg.gather [hbm4b:s23+s6], $0x80, v4, vm0, $0xb8;
	[tilespmem:$0x10080] =	vst v63  }
0x4bd: {  	v3 =	vadd.s32 v1, v3  }
0x4be: {  	[tilespmem:s16], [sflag:$0x1] =	stream.indirect_vreg.gather [hbm4b:s0+s6], $0x80, v4, vm0, $0xb8;
	[tilespmem:$0x10080] =	vst v63  }
0x4bf: {  	_ = 	snop  }
0x4c0: {  	[tilespmem:s17], [sflag:$0x1] =	stream.indirect_vreg.gather [hbm4b:s2+s6], $0x80, v4, vm0, $0xb8;
	[tilespmem:$0x10080] =	vst v63  }
0x4c1: {  	_ = 	snop  }
0x4c2: {  	[tilespmem:s18], [sflag:$0x1] =	stream.indirect_vreg.gather [hbm4b:s28+s6], $0x80, v3, vm0, $0xb8;
	[tilespmem:$0x10080] =	vst v63  }
0x4c3: {  	_ = 	snop  }
0x4c4: {  	[tilespmem:s19], [sflag:$0x1] =	stream.indirect_vreg.gather [hbm4b:s23+s6], $0x80, v3, vm0, $0xb8;
	[tilespmem:$0x10080] =	vst v63  }
0x4c5: {  	_ = 	snop  }
0x4c6: {  	[tilespmem:s12], [sflag:$0x1] =	stream.indirect_vreg.gather [hbm4b:s0+s6], $0x80, v3, vm0, $0xb8;
	[tilespmem:$0x10080] =	vst v63  }
0x4c7: {  	_ = 	snop  }
0x4c8: {  	[tilespmem:s20], [sflag:$0x1] =	stream.indirect_vreg.gather [hbm4b:s2+s6], $0x80, v3, vm0, $0xb8;
	[tilespmem:$0x10080] =	vst v63  }
0x4c9: {  	v3 =	vld [tilespmem:$0x10];
	_ =	sdelay $0x4  }
0x4ca: {  	v63 =	vshll.u32 v3, $0x3  }
0x4cb: {  	v3 =	vand.u32 $0x7, v3;
	v4 =	vand.u32 $0xFFFFFFC0, v63  }
0x4cc: {  	v3 =	vor.u32 v3, v4  }
0x4cd: {  	v4 =	vperm.xlane v3, v0;
	_ =	sdelay $0x1  }
0x4ce: {  	v4 =	vadd.s32 v1, v4;
	_ =	sdelay $0x4  }
0x4cf: {  	[tilespmem:s21], [sflag:$0x1] =	stream.indirect_vreg.gather [hbm4b:s28+s6], $0x80, v4, vm0, $0xb8;
	[tilespmem:$0x10080] =	vst v63  }
0x4d0: {  	v3 =	vperm.xlane v3, v2  }
0x4d1: {  	[tilespmem:s22], [sflag:$0x1] =	stream.indirect_vreg.gather [hbm4b:s23+s6], $0x80, v4, vm0, $0xb8;
	[tilespmem:$0x10080] =	vst v63  }
0x4d2: {  	v3 =	vadd.s32 v1, v3  }
0x4d3: {  	[tilespmem:s24], [sflag:$0x1] =	stream.indirect_vreg.gather [hbm4b:s0+s6], $0x80, v4, vm0, $0xb8;
	[tilespmem:$0x10080] =	vst v63  }
0x4d4: {  	_ = 	snop  }
0x4d5: {  	[tilespmem:s25], [sflag:$0x1] =	stream.indirect_vreg.gather [hbm4b:s2+s6], $0x80, v4, vm0, $0xb8;
	[tilespmem:$0x10080] =	vst v63  }
0x4d6: {  	_ = 	snop  }
0x4d7: {  	[tilespmem:s26], [sflag:$0x1] =	stream.indirect_vreg.gather [hbm4b:s28+s6], $0x80, v3, vm0, $0xb8;
	[tilespmem:$0x10080] =	vst v63  }
0x4d8: {  	_ = 	snop  }
0x4d9: {  	[tilespmem:s29], [sflag:$0x1] =	stream.indirect_vreg.gather [hbm4b:s23+s6], $0x80, v3, vm0, $0xb8;
	[tilespmem:$0x10080] =	vst v63  }
0x4da: {  	_ = 	snop  }
0x4db: {  	[tilespmem:s30], [sflag:$0x1] =	stream.indirect_vreg.gather [hbm4b:s0+s6], $0x80, v3, vm0, $0xb8;
	[tilespmem:$0x10080] =	vst v63  }
0x4dc: {  	_ = 	snop  }
0x4dd: {  	[tilespmem:s31], [sflag:$0x1] =	stream.indirect_vreg.gather [hbm4b:s2+s6], $0x80, v3, vm0, $0xb8;
	[tilespmem:$0x10080] =	vst v63  }
0x4de: {  	_ =	swait.ge [sflag:s4], $0x8000  }
0x4df: {  	[sflag:s4] =	ssyncset.done $0x0  }
0x4e0: {  	s7 =	simm.s32 $0x0;
	[sflag:s4] =	ssyncadd.s32 $0xFFFF8000  }
.LBB2_58:
0x4e1: {  	s3 =	sshll.u32 s7, $0xA;
	s5 =	sshll.u32 s7, $0x7  }
0x4e2: {  	s3 =	sand.u32 $0x6000, s3;
	s5 =	sand.u32 $0x380, s5  }
0x4e3: {  	s10 =	sand.u32 $0x1C00, s6;
	s8 =	sor.u32 s3, s5  }
0x4e4: {  	s11 =	sand.u32 $0x70, s6;
	s3 =	sor.u32 s10, s8  }
0x4e5: {  	s9 =	sor.u32 s11, s3  }
0x4e6: {  	v3 =	vld [tilespmem:s9+$0x80]  }
0x4e7: {  	v4 =	vld [tilespmem:s9+$0x8080];
	_ =	sdelay $0x2  }
0x4e8: {  	s10 =	simm.s32 $0x80  }
0x4e9: {  	s5 =	simm.s32 $0x10;
	s11 =	sand.u32 $0x1C00, s10  }
0x4ea: {  	s3 =	sand.u32 $0x70, s5;
	s5 =	sor.u32 s11, s8;
	s11 =	simm.s32 $0x20;
	v3 =	vadd.f32 v3, v4  }
.LBB2_59:
0x4eb: {  	p0 =	sne.s32 s11, $0x3F0;
	s3 =	sor.u32 s3, s5  }
0x4ec: {  	v4 =	vld [tilespmem:s3+$0x80];
	[tilespmem:s9+$0x8080] =	vst v3;
	s9 =	smov.u32 s3  }
0x4ed: {  	v3 =	vld [tilespmem:s9+$0x8080]  }
.Ltmp28:
0x4ee: {  	(pc) =	sbr.rel @p0 .LBB2_59-.Ltmp28, $4  }
0x4ef: {  	_ = 	snop  }
0x4f0: {  	s10 =	sadd.s32 $0x80, s10  }
0x4f1: {  	s5 =	sand.u32 $0x1C00, s10  }
0x4f2: {  	s3 =	sand.u32 $0x70, s11;
	s11 =	sadd.s32 $0x10, s11;
	s5 =	sor.u32 s5, s8;
	v3 =	vadd.f32 v4, v3  }
0x4f3: {  	s3 =	sor.u32 s3, s5  }
0x4f4: {  	v4 =	vld [tilespmem:s3+$0x80];
	[tilespmem:s9+$0x8080] =	vst v3  }
0x4f5: {  	v3 =	vld [tilespmem:s3+$0x8080]  }
0x4f6: {  	s7 =	sadd.s32 $0x1, s7  }
0x4f7: {  	p0 =	sne.s32 s7, $0x20  }
.Ltmp29:
0x4f8: {  	_ = 	snop;
	(pc) =	sbr.rel @p0 .LBB2_58-.Ltmp29, $3  }
0x4f9: {  	_ = 	snop  }
0x4fa: {  	v3 =	vadd.f32 v4, v3;
	_ =	sdelay $0x1  }
0x4fb: {  	[tilespmem:s3+$0x8080] =	vst v3  }
0x4fc: {  	s6 =	simm.s32 $0x0;
	s3 =	rddreg [dreg:$0x1d]  }
0x4fd: {  	[hbm4b:s3+s6] =	stream.linear.scatter [tilespmem:s14], [sflag:$0x2], $0x8000, $0x38;
	[tilespmem:$0x10080] =	vst v63  }
0x4fe: {  	_ =	swait.ge [sflag:s13], $0x8000  }
0x4ff: {  	s11 =	sld [smem:$0x7FD]  }
0x500: {  	[sflag:s13] =	ssyncset.done $0x0  }
0x501: {  	[sflag:s13] =	ssyncadd.s32 $0xFFFF8000  }
0x502: {  	[tilespmem:s6], [sflag:$0x2] =	stream.linear.gather [hbm4b:s11+s6], $0x20, $0x38;
	[tilespmem:$0x10080] =	vst v63  }
0x503: {  	_ =	swait.ge [sflag:s13], $0x20  }
0x504: {  	[sflag:s13] =	ssyncset.done $0x0  }
0x505: {  	[sflag:s13] =	ssyncadd.s32 $0xFFFFFFE0  }
0x506: {  	v3 =	vld [tilespmem:$0x0];
	_ =	sdelay $0x4  }
0x507: {  	v4 =	vshll.u32 v3, $0x3  }
0x508: {  	v3 =	vand.u32 $0x7, v3;
	v4 =	vand.u32 $0xFFFFFFC0, v4  }
0x509: {  	v3 =	vor.u32 v3, v4  }
0x50a: {  	v4 =	vperm.xlane v3, v0;
	_ =	sdelay $0x1  }
0x50b: {  	v4 =	vadd.s32 v1, v4;
	_ =	sdelay $0x4  }
0x50c: {  	[tilespmem:s14], [sflag:$0x1] =	stream.indirect_vreg.gather [hbm4b:s28+s6], $0x80, v4, vm0, $0xb8;
	[tilespmem:$0x10080] =	vst v63  }
0x50d: {  	v3 =	vperm.xlane v3, v2  }
0x50e: {  	[tilespmem:s15], [sflag:$0x1] =	stream.indirect_vreg.gather [hbm4b:s23+s6], $0x80, v4, vm0, $0xb8;
	[tilespmem:$0x10080] =	vst v63  }
0x50f: {  	v3 =	vadd.s32 v1, v3  }
0x510: {  	[tilespmem:s16], [sflag:$0x1] =	stream.indirect_vreg.gather [hbm4b:s0+s6], $0x80, v4, vm0, $0xb8;
	[tilespmem:$0x10080] =	vst v63  }
0x511: {  	_ = 	snop  }
0x512: {  	[tilespmem:s17], [sflag:$0x1] =	stream.indirect_vreg.gather [hbm4b:s2+s6], $0x80, v4, vm0, $0xb8;
	[tilespmem:$0x10080] =	vst v63  }
0x513: {  	_ = 	snop  }
0x514: {  	[tilespmem:s18], [sflag:$0x1] =	stream.indirect_vreg.gather [hbm4b:s28+s6], $0x80, v3, vm0, $0xb8;
	[tilespmem:$0x10080] =	vst v63  }
0x515: {  	_ = 	snop  }
0x516: {  	[tilespmem:s19], [sflag:$0x1] =	stream.indirect_vreg.gather [hbm4b:s23+s6], $0x80, v3, vm0, $0xb8;
	[tilespmem:$0x10080] =	vst v63  }
0x517: {  	_ = 	snop  }
0x518: {  	[tilespmem:s12], [sflag:$0x1] =	stream.indirect_vreg.gather [hbm4b:s0+s6], $0x80, v3, vm0, $0xb8;
	[tilespmem:$0x10080] =	vst v63  }
0x519: {  	_ = 	snop  }
0x51a: {  	[tilespmem:s20], [sflag:$0x1] =	stream.indirect_vreg.gather [hbm4b:s2+s6], $0x80, v3, vm0, $0xb8;
	[tilespmem:$0x10080] =	vst v63  }
0x51b: {  	v3 =	vld [tilespmem:$0x10];
	_ =	sdelay $0x4  }
0x51c: {  	v63 =	vshll.u32 v3, $0x3  }
0x51d: {  	v3 =	vand.u32 $0x7, v3;
	v4 =	vand.u32 $0xFFFFFFC0, v63  }
0x51e: {  	v3 =	vor.u32 v3, v4  }
0x51f: {  	v4 =	vperm.xlane v3, v0;
	_ =	sdelay $0x1  }
0x520: {  	v4 =	vadd.s32 v1, v4;
	_ =	sdelay $0x4  }
0x521: {  	[tilespmem:s21], [sflag:$0x1] =	stream.indirect_vreg.gather [hbm4b:s28+s6], $0x80, v4, vm0, $0xb8;
	[tilespmem:$0x10080] =	vst v63  }
0x522: {  	v3 =	vperm.xlane v3, v2  }
0x523: {  	[tilespmem:s22], [sflag:$0x1] =	stream.indirect_vreg.gather [hbm4b:s23+s6], $0x80, v4, vm0, $0xb8;
	[tilespmem:$0x10080] =	vst v63  }
0x524: {  	v3 =	vadd.s32 v1, v3  }
0x525: {  	[tilespmem:s24], [sflag:$0x1] =	stream.indirect_vreg.gather [hbm4b:s0+s6], $0x80, v4, vm0, $0xb8;
	[tilespmem:$0x10080] =	vst v63  }
0x526: {  	_ = 	snop  }
0x527: {  	[tilespmem:s25], [sflag:$0x1] =	stream.indirect_vreg.gather [hbm4b:s2+s6], $0x80, v4, vm0, $0xb8;
	[tilespmem:$0x10080] =	vst v63  }
0x528: {  	_ = 	snop  }
0x529: {  	[tilespmem:s26], [sflag:$0x1] =	stream.indirect_vreg.gather [hbm4b:s28+s6], $0x80, v3, vm0, $0xb8;
	[tilespmem:$0x10080] =	vst v63  }
0x52a: {  	_ = 	snop  }
0x52b: {  	[tilespmem:s29], [sflag:$0x1] =	stream.indirect_vreg.gather [hbm4b:s23+s6], $0x80, v3, vm0, $0xb8;
	[tilespmem:$0x10080] =	vst v63  }
0x52c: {  	_ = 	snop  }
0x52d: {  	[tilespmem:s30], [sflag:$0x1] =	stream.indirect_vreg.gather [hbm4b:s0+s6], $0x80, v3, vm0, $0xb8;
	[tilespmem:$0x10080] =	vst v63  }
0x52e: {  	_ = 	snop  }
0x52f: {  	[tilespmem:s31], [sflag:$0x1] =	stream.indirect_vreg.gather [hbm4b:s2+s6], $0x80, v3, vm0, $0xb8;
	[tilespmem:$0x10080] =	vst v63  }
0x530: {  	_ =	swait.ge [sflag:s4], $0x8000  }
0x531: {  	[sflag:s4] =	ssyncset.done $0x0  }
0x532: {  	s7 =	simm.s32 $0x0;
	[sflag:s4] =	ssyncadd.s32 $0xFFFF8000  }
.LBB2_62:
0x533: {  	s3 =	sshll.u32 s7, $0xA;
	s5 =	sshll.u32 s7, $0x7  }
0x534: {  	s3 =	sand.u32 $0x6000, s3;
	s5 =	sand.u32 $0x380, s5  }
0x535: {  	s10 =	sand.u32 $0x1C00, s6;
	s8 =	sor.u32 s3, s5  }
0x536: {  	s11 =	sand.u32 $0x70, s6;
	s3 =	sor.u32 s10, s8  }
0x537: {  	s9 =	sor.u32 s11, s3  }
0x538: {  	v3 =	vld [tilespmem:s9+$0x80]  }
0x539: {  	v4 =	vld [tilespmem:s9+$0x8080];
	_ =	sdelay $0x2  }
0x53a: {  	s10 =	simm.s32 $0x80  }
0x53b: {  	s5 =	simm.s32 $0x10;
	s11 =	sand.u32 $0x1C00, s10  }
0x53c: {  	s3 =	sand.u32 $0x70, s5;
	s5 =	sor.u32 s11, s8;
	s11 =	simm.s32 $0x20;
	v3 =	vadd.f32 v3, v4  }
.LBB2_63:
0x53d: {  	p0 =	sne.s32 s11, $0x3F0;
	s3 =	sor.u32 s3, s5  }
0x53e: {  	v4 =	vld [tilespmem:s3+$0x80];
	[tilespmem:s9+$0x8080] =	vst v3;
	s9 =	smov.u32 s3  }
0x53f: {  	v3 =	vld [tilespmem:s9+$0x8080]  }
.Ltmp30:
0x540: {  	(pc) =	sbr.rel @p0 .LBB2_63-.Ltmp30, $4  }
0x541: {  	_ = 	snop  }
0x542: {  	s10 =	sadd.s32 $0x80, s10  }
0x543: {  	s5 =	sand.u32 $0x1C00, s10  }
0x544: {  	s3 =	sand.u32 $0x70, s11;
	s11 =	sadd.s32 $0x10, s11;
	s5 =	sor.u32 s5, s8;
	v3 =	vadd.f32 v4, v3  }
0x545: {  	s3 =	sor.u32 s3, s5  }
0x546: {  	v4 =	vld [tilespmem:s3+$0x80];
	[tilespmem:s9+$0x8080] =	vst v3  }
0x547: {  	v3 =	vld [tilespmem:s3+$0x8080]  }
0x548: {  	s7 =	sadd.s32 $0x1, s7  }
0x549: {  	p0 =	sne.s32 s7, $0x20  }
.Ltmp31:
0x54a: {  	_ = 	snop;
	(pc) =	sbr.rel @p0 .LBB2_62-.Ltmp31, $3  }
0x54b: {  	_ = 	snop  }
0x54c: {  	v3 =	vadd.f32 v4, v3;
	_ =	sdelay $0x1  }
0x54d: {  	[tilespmem:s3+$0x8080] =	vst v3  }
0x54e: {  	s3 =	rddreg [dreg:$0x1e]  }
0x54f: {  	[hbm4b:s3+s1] =	stream.linear.scatter [tilespmem:s14], [sflag:$0x2], $0x8000, $0x38;
	[tilespmem:$0x10080] =	vst v63  }
0x550: {  	_ =	swait.ge [sflag:s13], $0x8000  }
0x551: {  	s5 =	sld [smem:$0x7F5];
	_ =	sdelay $0x2  }
0x552: {  	s11 =	rddreg [dreg:$0x1f];
	s5 =	sadd.s32 $0x1, s5  }
0x553: {  	p0 =	sne.s32 s5, s11  }
.Ltmp32:
0x554: {  	_ = 	snop;
	(pc) =	sbr.rel @p0 .LBB2_1-.Ltmp32, $3  }
0x555: {  	_ =	sdelay $0x1  }
0x556: {  	[sflag:s13] =	ssyncset.done $0x0  }
0x557: {  	[sflag:s13] =	ssyncadd.s32 $0xFFFF8000  }
0x558: {  	_ =	sfence.sel $0x180000  }
0x559: {  	[bflag:$0x0] =	sbarrier.arrive $0xFFFF  }
0x55a: {  	_ =	strace $0x90000047  }
0x55b: {  	s0 =	stileid.u32;
	[bflag:$0x2] =	sbarrier.arrive $0xFFFF  }
0x55c: {  	p0 =	sne.s32 s0, $0x0;
	s0 =	rddreg [dreg:$0x4]  }
0x55d: {  	s0 =	sadd.s32 @!p0 $0x100000, s0  }
0x55e: {  	[sflag:s0] =	ssyncadd.tile.s32 @!p0 $0x1;
	_ =	shalt  }
.Lfunc_end2:
_tile_overlayer_lowered:
.L_overlay_start_2:
0x55f: {  	(tag) =	ssettag $0x2  }
0x560: {  	s0 =	rddreg [dreg:$0x0];
	s2 =	stileid.u32  }
0x561: {  	s1 =	rddreg [dreg:$0x1];
	p0 =	sne.s32 s2, $0x0  }
0x562: {  	s3 =	rddreg [dreg:$0x2];
	[bflag:$0x3] =	sbarrier.arrive $0xFFFF;
	s2 =	simm.s32 @!p0 $0x1C02  }
0x563: {  	[timem:s3], [sflag:s2] =	dma.local @!p0 [hbm:s0], s1  }
0x564: {  	s0 =	simm.s32 @!p0 $0x2  }
0x565: {  	_ =	swait.ge @!p0 [sflag:s0], s1  }
0x566: {  	s1 =	ssub.s32 @!p0 $0x0, s1;
	[sflag:s0] =	ssyncset.done @!p0 $0x0  }
0x567: {  	[sflag:s0] =	ssyncadd.s32 @!p0 s1  }
0x568: {  	[bflag:$0x3] =	sbarrier.arrive $0xFFFF  }
0x569: {  	_ =	shalt  }

</sc_bundles>
